<compile_context>
chip_gen: v7x
topology: tpu7x:2x2x1
jax: 0.10.2.dev20260603
libtpu: 0.0.44.dev20260713+nightly
codegen_flags: <defaults>
</compile_context>

<pallas_src>
import jax
import jax.numpy as jnp
from jax import lax
from jax.experimental import pallas as pl
from jax.experimental.pallas import tpu as pltpu
from jax.experimental.pallas import tpu_sc as plsc

BATCH = 16384
VOCAB = 100000
DIM = 64
NUM_CORES = 2
NUM_SUBCORES = 16
NW = NUM_CORES * NUM_SUBCORES
BPW = BATCH // NW
CHUNK = 128
VBLK = 8192
NCHUNK = BPW // CHUNK


def _combo_body(utT_ref, itT_ref, ws_ref, wto_ref, o_ref):
    s = jnp.concatenate([utT_ref[...], itT_ref[...]], axis=0)
    st = jnp.transpose(s, (1, 0))
    w = jnp.concatenate([ws_ref[...], wto_ref[...]], axis=0)
    wt = jnp.transpose(w, (1, 0))
    f = jnp.dot(st[:, 0:DIM], wt, preferred_element_type=jnp.float32)
    o_ref[...] = jnp.concatenate([f, st[:, DIM:2 * DIM]], axis=1)


def _build_combo(utT, itT, ws, wto):
    grid = (VOCAB + VBLK - 1) // VBLK
    return pl.pallas_call(
        _combo_body,
        grid=(grid,),
        in_specs=[
            pl.BlockSpec((DIM, VBLK), lambda j: (0, j)),
            pl.BlockSpec((DIM, VBLK), lambda j: (0, j)),
            pl.BlockSpec((DIM // 2, DIM), lambda j: (0, 0)),
            pl.BlockSpec((DIM // 2, DIM), lambda j: (0, 0)),
        ],
        out_specs=pl.BlockSpec((VBLK, 2 * DIM), lambda j: (j, 0)),
        out_shape=jax.ShapeDtypeStruct((VOCAB, 2 * DIM), jnp.float32),
    )(utT, itT, ws, wto)


def _gather_dot_body(combo_hbm, x0_hbm, x1_hbm, out_hbm,
                     idx_u, idx_i, rows_u0, rows_i0, rows_u1, rows_i1,
                     rows_u2, rows_i2, staged, out_v,
                     sem_u0, sem_i0, sem_u1, sem_i1, sem_u2, sem_i2):
    wid = lax.axis_index("s") * NUM_CORES + lax.axis_index("c")
    base = wid * BPW
    pltpu.sync_copy(x0_hbm.at[pl.ds(base, BPW)], idx_u)
    pltpu.sync_copy(x1_hbm.at[pl.ds(base, BPW)], idx_i)

    lanes = lax.iota(jnp.int32, 16)
    rows_u = (rows_u0, rows_u1, rows_u2)
    rows_i = (rows_i0, rows_i1, rows_i2)
    sems_u = (sem_u0, sem_u1, sem_u2)
    sems_i = (sem_i0, sem_i1, sem_i2)
    NBUF = 3

    def fire(ci):
        b = ci % NBUF
        off = ci * CHUNK
        cu = pltpu.async_copy(combo_hbm.at[idx_u.at[pl.ds(off, CHUNK)]],
                              rows_u[b], sems_u[b])
        cx = pltpu.async_copy(combo_hbm.at[idx_i.at[pl.ds(off, CHUNK)]],
                              rows_i[b], sems_i[b])
        return cu, cx

    def consume(ci, handles):
        b = ci % NBUF
        off = ci * CHUNK
        cu, cx = handles
        cu.wait()
        cx.wait()
        ru, ri = rows_u[b], rows_i[b]

        def row_step(r, _):
            acc = ru[r, pl.ds(0, 16)] * ri[r, pl.ds(0, 16)]
            for c in range(1, DIM // 16):
                acc = acc + (ru[r, pl.ds(16 * c, 16)]
                             * ri[r, pl.ds(16 * c, 16)])
            staged[r, pl.ds(0, 16)] = acc
            return 0

        lax.fori_loop(0, CHUNK, row_step, 0, unroll=8)

        def red_step(g, _):
            row0 = g * 16
            s = plsc.load_gather(staged, [row0 + lanes,
                                          jnp.zeros((16,), jnp.int32)])
            for k in range(1, 16):
                s = s + plsc.load_gather(
                    staged, [row0 + lanes, jnp.full((16,), k, jnp.int32)])
            out_v[pl.ds(off + row0, 16)] = 1.0 / (1.0 + jnp.exp(-s))
            return 0

        lax.fori_loop(0, CHUNK // 16, red_step, 0)

    inflight = [fire(ci) for ci in range(min(NBUF, NCHUNK))]
    for ci in range(NCHUNK):
        nf = ci + NBUF
        if nf < NCHUNK:
            consume(ci, inflight[0])
            inflight = inflight[1:] + [fire(nf)]
        else:
            consume(ci, inflight[0])
            inflight = inflight[1:]

    pltpu.sync_copy(out_v, out_hbm.at[pl.ds(base, BPW)])


def _gather_dot(combo, x0, x1):
    combo = jnp.reshape(combo, (2 * VOCAB, DIM))
    k = pl.kernel(
        _gather_dot_body,
        out_type=jax.ShapeDtypeStruct((BATCH,), jnp.float32),
        mesh=plsc.VectorSubcoreMesh(core_axis_name="c", subcore_axis_name="s"),
        scratch_types=[
            pltpu.VMEM((BPW,), jnp.int32),
            pltpu.VMEM((BPW,), jnp.int32),
            pltpu.VMEM((CHUNK, DIM), jnp.float32),
            pltpu.VMEM((CHUNK, DIM), jnp.float32),
            pltpu.VMEM((CHUNK, DIM), jnp.float32),
            pltpu.VMEM((CHUNK, DIM), jnp.float32),
            pltpu.VMEM((CHUNK, DIM), jnp.float32),
            pltpu.VMEM((CHUNK, DIM), jnp.float32),
            pltpu.VMEM((CHUNK, 17), jnp.float32),
            pltpu.VMEM((BPW,), jnp.float32),
            pltpu.SemaphoreType.DMA,
            pltpu.SemaphoreType.DMA,
            pltpu.SemaphoreType.DMA,
            pltpu.SemaphoreType.DMA,
            pltpu.SemaphoreType.DMA,
            pltpu.SemaphoreType.DMA,
        ],
        compiler_params=pltpu.CompilerParams(use_tc_tiling_on_sc=False,
                                             needs_layout_passes=False),
    )
    return k(combo, x0, x1)


def kernel(x, target_user_table, target_item_table, W_shared, W_target_only):
    x0 = x[:, 0].astype(jnp.int32) * 2
    x1 = x[:, 1].astype(jnp.int32) * 2 + 1
    combo = _build_combo(target_user_table.T, target_item_table.T,
                         W_shared, W_target_only)
    return _gather_dot(combo, x0, x1)

# --- scband reference (transcript-rebuilt; emitter-appended) ---
"""Pipeline reference for scband-clfm-1949915152559 (READ-ONLY COPY).

The authoritative reference and input builder live on the scoring server;
editing this copy changes nothing except your own understanding.
"""

import jax, jax.numpy as jnp
import numpy as np

BATCH = 16384
VOCAB = 100000
USER_DIM = 64
ITEM_DIM = 64
SHARE_DIM = 32


def setup_inputs(seed: int = 0) -> dict:
    key = jax.random.key(seed)
    k1, k2, k3, k4, k5 = jax.random.split(key, 5)
    x = jax.random.randint(k1, (BATCH, 2), 0, VOCAB, dtype=jnp.int64 if jax.config.jax_enable_x64 else jnp.int32)
    target_user_table = jax.random.normal(k2, (VOCAB, USER_DIM), dtype=jnp.float32) * 0.02
    target_item_table = jax.random.normal(k3, (VOCAB, ITEM_DIM), dtype=jnp.float32) * 0.02
    # nn.Linear weights have shape [out_features, in_features]
    W_shared = jax.random.normal(k4, (SHARE_DIM, USER_DIM), dtype=jnp.float32) * (1.0 / np.sqrt(USER_DIM))
    W_target_only = jax.random.normal(k5, (ITEM_DIM - SHARE_DIM, USER_DIM), dtype=jnp.float32) * (1.0 / np.sqrt(USER_DIM))
    return {
        "x": x,
        "target_user_table": target_user_table,
        "target_item_table": target_item_table,
        "W_shared": W_shared,
        "W_target_only": W_target_only,
    }


def reference(x, target_user_table, target_item_table, W_shared, W_target_only):
    # forward(x): embedding lookups
    user_e = jnp.take(target_user_table, x[:, 0], axis=0)  # [B, USER_DIM]
    item_e = jnp.take(target_item_table, x[:, 1], axis=0)  # [B, ITEM_DIM]
    # forward_emb with is_target=True
    share_factors = user_e @ W_shared.T          # [B, SHARE_DIM]
    only_factors = user_e @ W_target_only.T      # [B, ITEM_DIM - SHARE_DIM]
    factors = jnp.concatenate([share_factors, only_factors], axis=1)  # [B, ITEM_DIM]
    output = jax.nn.sigmoid(jnp.sum(factors * item_e, axis=1))        # [B]
    return output

if __name__ == "__main__":
    import jax
    _d = setup_inputs()
    print(jax.jit(kernel)(*tuple(_d.values())))

</pallas_src>

<mosaic_0001>
#map = affine_map<(d0, d1) -> (0, 0)>
#map1 = affine_map<(d0, d1) -> (0)>
module attributes {stable_mosaic.version = 14 : i64} {
  func.func @_gather_dot_body(%arg0: i32, %arg1: i32, %arg2: memref<200000x64xf32, #tpu.memory_space<hbm>>, %arg3: memref<16384xi32, #tpu.memory_space<hbm>>, %arg4: memref<16384xi32, #tpu.memory_space<hbm>>, %arg5: memref<16384xf32, #tpu.memory_space<hbm>>, %arg6: memref<512xi32, #tpu.memory_space<vmem>>, %arg7: memref<512xi32, #tpu.memory_space<vmem>>, %arg8: memref<128x64xf32, #tpu.memory_space<vmem>>, %arg9: memref<128x64xf32, #tpu.memory_space<vmem>>, %arg10: memref<128x64xf32, #tpu.memory_space<vmem>>, %arg11: memref<128x64xf32, #tpu.memory_space<vmem>>, %arg12: memref<128x64xf32, #tpu.memory_space<vmem>>, %arg13: memref<128x64xf32, #tpu.memory_space<vmem>>, %arg14: memref<128x17xf32, #tpu.memory_space<vmem>>, %arg15: memref<512xf32, #tpu.memory_space<vmem>>, %arg16: memref<!tpu.dma_semaphore, #tpu.memory_space<semaphore_mem>>, %arg17: memref<!tpu.dma_semaphore, #tpu.memory_space<semaphore_mem>>, %arg18: memref<!tpu.dma_semaphore, #tpu.memory_space<semaphore_mem>>, %arg19: memref<!tpu.dma_semaphore, #tpu.memory_space<semaphore_mem>>, %arg20: memref<!tpu.dma_semaphore, #tpu.memory_space<semaphore_mem>>, %arg21: memref<!tpu.dma_semaphore, #tpu.memory_space<semaphore_mem>>) attributes {dimension_semantics = [#tpu.dimension_semantics<core_parallel>, #tpu.dimension_semantics<subcore_parallel>], iteration_bounds = array<i64: 2, 16>, scalar_prefetch = 0 : i64, scratch_operands = 16 : i64, tpu.core_type = #tpu.core_type<sc_vector_subcore>, window_params = [{transform_indices = #map}, {transform_indices = #map1}, {transform_indices = #map1}, {transform_indices = #map1}]} {
    %mul3A = arith.constant 2 : i32
    %mul3A_0 = arith.muli %arg1, %mul3A : i32
    %add3A = arith.addi %mul3A_0, %arg0 : i32
    %mul3A_1 = arith.constant 512 : i32
    %mul3A_2 = arith.muli %add3A, %mul3A_1 : i32
    "tpu.region"() ({
      %run_scoped3A = tpu.sem_alloc : memref<!tpu.dma_semaphore, #tpu.memory_space<semaphore_mem>>
      %dma_start3A_136 = tpu.memref_slice %arg3[%mul3A_2] : memref<16384xi32, #tpu.memory_space<hbm>> -> memref<512xi32, #tpu.memory_space<hbm>>
      %dma_start3A_137 = tpu.memref_slice %arg3[%mul3A_2] : memref<16384xi32, #tpu.memory_space<hbm>> -> memref<512xi32, #tpu.memory_space<hbm>>
      tpu.enqueue_dma source(%dma_start3A_137 : memref<512xi32, #tpu.memory_space<hbm>>) target(%arg6 : memref<512xi32, #tpu.memory_space<vmem>>) target_semaphore(%run_scoped3A : memref<!tpu.dma_semaphore, #tpu.memory_space<semaphore_mem>>)
      %dma_wait3A_138 = tpu.memref_slice %arg3[%mul3A_2] : memref<16384xi32, #tpu.memory_space<hbm>> -> memref<512xi32, #tpu.memory_space<hbm>>
      %dma_wait3A_139 = tpu.memref_slice %arg3[%mul3A_2] : memref<16384xi32, #tpu.memory_space<hbm>> -> memref<512xi32, #tpu.memory_space<hbm>>
      tpu.wait_dma2 semaphore(%run_scoped3A : memref<!tpu.dma_semaphore, #tpu.memory_space<semaphore_mem>>) src(%dma_wait3A_139 : memref<512xi32, #tpu.memory_space<hbm>>) dst(%arg6 : memref<512xi32, #tpu.memory_space<vmem>>)
      tpu.yield
    }) : () -> ()
    "tpu.region"() ({
      %run_scoped3A = tpu.sem_alloc : memref<!tpu.dma_semaphore, #tpu.memory_space<semaphore_mem>>
      %dma_start3A_136 = tpu.memref_slice %arg4[%mul3A_2] : memref<16384xi32, #tpu.memory_space<hbm>> -> memref<512xi32, #tpu.memory_space<hbm>>
      %dma_start3A_137 = tpu.memref_slice %arg4[%mul3A_2] : memref<16384xi32, #tpu.memory_space<hbm>> -> memref<512xi32, #tpu.memory_space<hbm>>
      tpu.enqueue_dma source(%dma_start3A_137 : memref<512xi32, #tpu.memory_space<hbm>>) target(%arg7 : memref<512xi32, #tpu.memory_space<vmem>>) target_semaphore(%run_scoped3A : memref<!tpu.dma_semaphore, #tpu.memory_space<semaphore_mem>>)
      %dma_wait3A_138 = tpu.memref_slice %arg4[%mul3A_2] : memref<16384xi32, #tpu.memory_space<hbm>> -> memref<512xi32, #tpu.memory_space<hbm>>
      %dma_wait3A_139 = tpu.memref_slice %arg4[%mul3A_2] : memref<16384xi32, #tpu.memory_space<hbm>> -> memref<512xi32, #tpu.memory_space<hbm>>
      tpu.wait_dma2 semaphore(%run_scoped3A : memref<!tpu.dma_semaphore, #tpu.memory_space<semaphore_mem>>) src(%dma_wait3A_139 : memref<512xi32, #tpu.memory_space<hbm>>) dst(%arg7 : memref<512xi32, #tpu.memory_space<vmem>>)
      tpu.yield
    }) : () -> ()
    %iota3A = tpu.iota {dimensions = array<i32: 0>} : vector<16xi32>
    %dma_start3A = arith.constant 0 : i32
    %dma_start3A_3 = tpu.memref_slice %arg6[%dma_start3A] : memref<512xi32, #tpu.memory_space<vmem>> -> memref<128xi32, #tpu.memory_space<vmem>>
    %dma_start3A_4 = arith.constant 0 : i32
    %dma_start3A_5 = arith.constant 0 : i32
    %dma_start3A_6 = tpu.memref_slice %arg2[%dma_start3A_4, %dma_start3A_5] : memref<200000x64xf32, #tpu.memory_space<hbm>> -> memref<200000x64xf32, #tpu.memory_space<hbm>>
    tpu.enqueue_indirect_dma source(%dma_start3A_6 : memref<200000x64xf32, #tpu.memory_space<hbm>>) target(%arg8 : memref<128x64xf32, #tpu.memory_space<vmem>>) offsets(%dma_start3A_3 : memref<128xi32, #tpu.memory_space<vmem>>) semaphore(%arg16 : memref<!tpu.dma_semaphore, #tpu.memory_space<semaphore_mem>>)
    %dma_start3A_7 = arith.constant 0 : i32
    %dma_start3A_8 = tpu.memref_slice %arg7[%dma_start3A_7] : memref<512xi32, #tpu.memory_space<vmem>> -> memref<128xi32, #tpu.memory_space<vmem>>
    %dma_start3A_9 = arith.constant 0 : i32
    %dma_start3A_10 = arith.constant 0 : i32
    %dma_start3A_11 = tpu.memref_slice %arg2[%dma_start3A_9, %dma_start3A_10] : memref<200000x64xf32, #tpu.memory_space<hbm>> -> memref<200000x64xf32, #tpu.memory_space<hbm>>
    tpu.enqueue_indirect_dma source(%dma_start3A_11 : memref<200000x64xf32, #tpu.memory_space<hbm>>) target(%arg9 : memref<128x64xf32, #tpu.memory_space<vmem>>) offsets(%dma_start3A_8 : memref<128xi32, #tpu.memory_space<vmem>>) semaphore(%arg17 : memref<!tpu.dma_semaphore, #tpu.memory_space<semaphore_mem>>)
    %dma_start3A_12 = arith.constant 128 : i32
    %dma_start3A_13 = tpu.memref_slice %arg6[%dma_start3A_12] : memref<512xi32, #tpu.memory_space<vmem>> -> memref<128xi32, #tpu.memory_space<vmem>>
    %dma_start3A_14 = arith.constant 0 : i32
    %dma_start3A_15 = arith.constant 0 : i32
    %dma_start3A_16 = tpu.memref_slice %arg2[%dma_start3A_14, %dma_start3A_15] : memref<200000x64xf32, #tpu.memory_space<hbm>> -> memref<200000x64xf32, #tpu.memory_space<hbm>>
    tpu.enqueue_indirect_dma source(%dma_start3A_16 : memref<200000x64xf32, #tpu.memory_space<hbm>>) target(%arg10 : memref<128x64xf32, #tpu.memory_space<vmem>>) offsets(%dma_start3A_13 : memref<128xi32, #tpu.memory_space<vmem>>) semaphore(%arg18 : memref<!tpu.dma_semaphore, #tpu.memory_space<semaphore_mem>>)
    %dma_start3A_17 = arith.constant 128 : i32
    %dma_start3A_18 = tpu.memref_slice %arg7[%dma_start3A_17] : memref<512xi32, #tpu.memory_space<vmem>> -> memref<128xi32, #tpu.memory_space<vmem>>
    %dma_start3A_19 = arith.constant 0 : i32
    %dma_start3A_20 = arith.constant 0 : i32
    %dma_start3A_21 = tpu.memref_slice %arg2[%dma_start3A_19, %dma_start3A_20] : memref<200000x64xf32, #tpu.memory_space<hbm>> -> memref<200000x64xf32, #tpu.memory_space<hbm>>
    tpu.enqueue_indirect_dma source(%dma_start3A_21 : memref<200000x64xf32, #tpu.memory_space<hbm>>) target(%arg11 : memref<128x64xf32, #tpu.memory_space<vmem>>) offsets(%dma_start3A_18 : memref<128xi32, #tpu.memory_space<vmem>>) semaphore(%arg19 : memref<!tpu.dma_semaphore, #tpu.memory_space<semaphore_mem>>)
    %dma_start3A_22 = arith.constant 256 : i32
    %dma_start3A_23 = tpu.memref_slice %arg6[%dma_start3A_22] : memref<512xi32, #tpu.memory_space<vmem>> -> memref<128xi32, #tpu.memory_space<vmem>>
    %dma_start3A_24 = arith.constant 0 : i32
    %dma_start3A_25 = arith.constant 0 : i32
    %dma_start3A_26 = tpu.memref_slice %arg2[%dma_start3A_24, %dma_start3A_25] : memref<200000x64xf32, #tpu.memory_space<hbm>> -> memref<200000x64xf32, #tpu.memory_space<hbm>>
    tpu.enqueue_indirect_dma source(%dma_start3A_26 : memref<200000x64xf32, #tpu.memory_space<hbm>>) target(%arg12 : memref<128x64xf32, #tpu.memory_space<vmem>>) offsets(%dma_start3A_23 : memref<128xi32, #tpu.memory_space<vmem>>) semaphore(%arg20 : memref<!tpu.dma_semaphore, #tpu.memory_space<semaphore_mem>>)
    %dma_start3A_27 = arith.constant 256 : i32
    %dma_start3A_28 = tpu.memref_slice %arg7[%dma_start3A_27] : memref<512xi32, #tpu.memory_space<vmem>> -> memref<128xi32, #tpu.memory_space<vmem>>
    %dma_start3A_29 = arith.constant 0 : i32
    %dma_start3A_30 = arith.constant 0 : i32
    %dma_start3A_31 = tpu.memref_slice %arg2[%dma_start3A_29, %dma_start3A_30] : memref<200000x64xf32, #tpu.memory_space<hbm>> -> memref<200000x64xf32, #tpu.memory_space<hbm>>
    tpu.enqueue_indirect_dma source(%dma_start3A_31 : memref<200000x64xf32, #tpu.memory_space<hbm>>) target(%arg13 : memref<128x64xf32, #tpu.memory_space<vmem>>) offsets(%dma_start3A_28 : memref<128xi32, #tpu.memory_space<vmem>>) semaphore(%arg21 : memref<!tpu.dma_semaphore, #tpu.memory_space<semaphore_mem>>)
    %dma_wait3A = arith.constant 0 : i32
    %dma_wait3A_32 = tpu.memref_slice %arg6[%dma_wait3A] : memref<512xi32, #tpu.memory_space<vmem>> -> memref<128xi32, #tpu.memory_space<vmem>>
    %dma_wait3A_33 = arith.constant 0 : i32
    %dma_wait3A_34 = arith.constant 0 : i32
    %dma_wait3A_35 = tpu.memref_slice %arg2[%dma_wait3A_33, %dma_wait3A_34] : memref<200000x64xf32, #tpu.memory_space<hbm>> -> memref<200000x64xf32, #tpu.memory_space<hbm>>
    tpu.wait_indirect_dma semaphore(%arg16 : memref<!tpu.dma_semaphore, #tpu.memory_space<semaphore_mem>>) src(%dma_wait3A_35 : memref<200000x64xf32, #tpu.memory_space<hbm>>) dst(%arg8 : memref<128x64xf32, #tpu.memory_space<vmem>>)
    %dma_wait3A_36 = arith.constant 0 : i32
    %dma_wait3A_37 = tpu.memref_slice %arg7[%dma_wait3A_36] : memref<512xi32, #tpu.memory_space<vmem>> -> memref<128xi32, #tpu.memory_space<vmem>>
    %dma_wait3A_38 = arith.constant 0 : i32
    %dma_wait3A_39 = arith.constant 0 : i32
    %dma_wait3A_40 = tpu.memref_slice %arg2[%dma_wait3A_38, %dma_wait3A_39] : memref<200000x64xf32, #tpu.memory_space<hbm>> -> memref<200000x64xf32, #tpu.memory_space<hbm>>
    tpu.wait_indirect_dma semaphore(%arg17 : memref<!tpu.dma_semaphore, #tpu.memory_space<semaphore_mem>>) src(%dma_wait3A_40 : memref<200000x64xf32, #tpu.memory_space<hbm>>) dst(%arg9 : memref<128x64xf32, #tpu.memory_space<vmem>>)
    %scan3A = arith.constant 0 : i32
    %scan3A_41 = arith.constant 0 : i32
    %scan3A_42 = arith.constant 128 : i32
    %scan3A_43 = arith.addi %scan3A_41, %scan3A_42 : i32
    %scan3A_44 = arith.constant 8 : i32
    %scan3A_45 = scf.for %scan3A_136 = %scan3A_41 to %scan3A_43 step %scan3A_44 iter_args(%scan3A_137 = %scan3A) -> (i32)  : i32 {
      %get3A = arith.index_cast %scan3A_136 : i32 to index
      %get3A_138 = arith.constant 0 : index
      %get3A_139 = tpu.vector_load %arg8[%get3A, %get3A_138] {strides = array<i32>} : memref<128x64xf32, #tpu.memory_space<vmem>>, vector<16xf32>,
      %get3A_140 = arith.index_cast %scan3A_136 : i32 to index
      %get3A_141 = arith.constant 0 : index
      %get3A_142 = tpu.vector_load %arg9[%get3A_140, %get3A_141] {strides = array<i32>} : memref<128x64xf32, #tpu.memory_space<vmem>>, vector<16xf32>,
      %mul3A_143 = arith.mulf %get3A_139, %get3A_142 : vector<16xf32>
      %get3A_144 = arith.index_cast %scan3A_136 : i32 to index
      %get3A_145 = arith.constant 16 : index
      %get3A_146 = tpu.vector_load %arg8[%get3A_144, %get3A_145] {strides = array<i32>} : memref<128x64xf32, #tpu.memory_space<vmem>>, vector<16xf32>,
      %get3A_147 = arith.index_cast %scan3A_136 : i32 to index
      %get3A_148 = arith.constant 16 : index
      %get3A_149 = tpu.vector_load %arg9[%get3A_147, %get3A_148] {strides = array<i32>} : memref<128x64xf32, #tpu.memory_space<vmem>>, vector<16xf32>,
      %mul3A_150 = arith.mulf %get3A_146, %get3A_149 : vector<16xf32>
      %add3A_151 = arith.addf %mul3A_143, %mul3A_150 : vector<16xf32>
      %get3A_152 = arith.index_cast %scan3A_136 : i32 to index
      %get3A_153 = arith.constant 32 : index
      %get3A_154 = tpu.vector_load %arg8[%get3A_152, %get3A_153] {strides = array<i32>} : memref<128x64xf32, #tpu.memory_space<vmem>>, vector<16xf32>,
      %get3A_155 = arith.index_cast %scan3A_136 : i32 to index
      %get3A_156 = arith.constant 32 : index
      %get3A_157 = tpu.vector_load %arg9[%get3A_155, %get3A_156] {strides = array<i32>} : memref<128x64xf32, #tpu.memory_space<vmem>>, vector<16xf32>,
      %mul3A_158 = arith.mulf %get3A_154, %get3A_157 : vector<16xf32>
      %add3A_159 = arith.addf %add3A_151, %mul3A_158 : vector<16xf32>
      %get3A_160 = arith.index_cast %scan3A_136 : i32 to index
      %get3A_161 = arith.constant 48 : index
      %get3A_162 = tpu.vector_load %arg8[%get3A_160, %get3A_161] {strides = array<i32>} : memref<128x64xf32, #tpu.memory_space<vmem>>, vector<16xf32>,
      %get3A_163 = arith.index_cast %scan3A_136 : i32 to index
      %get3A_164 = arith.constant 48 : index
      %get3A_165 = tpu.vector_load %arg9[%get3A_163, %get3A_164] {strides = array<i32>} : memref<128x64xf32, #tpu.memory_space<vmem>>, vector<16xf32>,
      %mul3A_166 = arith.mulf %get3A_162, %get3A_165 : vector<16xf32>
      %add3A_167 = arith.addf %add3A_159, %mul3A_166 : vector<16xf32>
      %swap3A = arith.index_cast %scan3A_136 : i32 to index
      %swap3A_168 = arith.constant 0 : index
      %swap3A_169 = tpu.vector_load %arg14[%swap3A, %swap3A_168] {strides = array<i32>} : memref<128x17xf32, #tpu.memory_space<vmem>>, vector<16xf32>,
      tpu.vector_store %arg14[%swap3A, %swap3A_168], %add3A_167 {strides = array<i32>} : memref<128x17xf32, #tpu.memory_space<vmem>>, vector<16xf32>,
      %scan3A_170 = arith.constant 0 : i32
      %scan3A_171 = arith.constant 1 : i32
      %scan3A_172 = arith.addi %scan3A_136, %scan3A_171 : i32
      %get3A_173 = arith.index_cast %scan3A_172 : i32 to index
      %get3A_174 = arith.constant 0 : index
      %get3A_175 = tpu.vector_load %arg8[%get3A_173, %get3A_174] {strides = array<i32>} : memref<128x64xf32, #tpu.memory_space<vmem>>, vector<16xf32>,
      %get3A_176 = arith.index_cast %scan3A_172 : i32 to index
      %get3A_177 = arith.constant 0 : index
      %get3A_178 = tpu.vector_load %arg9[%get3A_176, %get3A_177] {strides = array<i32>} : memref<128x64xf32, #tpu.memory_space<vmem>>, vector<16xf32>,
      %mul3A_179 = arith.mulf %get3A_175, %get3A_178 : vector<16xf32>
      %get3A_180 = arith.index_cast %scan3A_172 : i32 to index
      %get3A_181 = arith.constant 16 : index
      %get3A_182 = tpu.vector_load %arg8[%get3A_180, %get3A_181] {strides = array<i32>} : memref<128x64xf32, #tpu.memory_space<vmem>>, vector<16xf32>,
      %get3A_183 = arith.index_cast %scan3A_172 : i32 to index
      %get3A_184 = arith.constant 16 : index
      %get3A_185 = tpu.vector_load %arg9[%get3A_183, %get3A_184] {strides = array<i32>} : memref<128x64xf32, #tpu.memory_space<vmem>>, vector<16xf32>,
      %mul3A_186 = arith.mulf %get3A_182, %get3A_185 : vector<16xf32>
      %add3A_187 = arith.addf %mul3A_179, %mul3A_186 : vector<16xf32>
      %get3A_188 = arith.index_cast %scan3A_172 : i32 to index
      %get3A_189 = arith.constant 32 : index
      %get3A_190 = tpu.vector_load %arg8[%get3A_188, %get3A_189] {strides = array<i32>} : memref<128x64xf32, #tpu.memory_space<vmem>>, vector<16xf32>,
      %get3A_191 = arith.index_cast %scan3A_172 : i32 to index
      %get3A_192 = arith.constant 32 : index
      %get3A_193 = tpu.vector_load %arg9[%get3A_191, %get3A_192] {strides = array<i32>} : memref<128x64xf32, #tpu.memory_space<vmem>>, vector<16xf32>,
      %mul3A_194 = arith.mulf %get3A_190, %get3A_193 : vector<16xf32>
      %add3A_195 = arith.addf %add3A_187, %mul3A_194 : vector<16xf32>
      %get3A_196 = arith.index_cast %scan3A_172 : i32 to index
      %get3A_197 = arith.constant 48 : index
      %get3A_198 = tpu.vector_load %arg8[%get3A_196, %get3A_197] {strides = array<i32>} : memref<128x64xf32, #tpu.memory_space<vmem>>, vector<16xf32>,
      %get3A_199 = arith.index_cast %scan3A_172 : i32 to index
      %get3A_200 = arith.constant 48 : index
      %get3A_201 = tpu.vector_load %arg9[%get3A_199, %get3A_200] {strides = array<i32>} : memref<128x64xf32, #tpu.memory_space<vmem>>, vector<16xf32>,
      %mul3A_202 = arith.mulf %get3A_198, %get3A_201 : vector<16xf32>
      %add3A_203 = arith.addf %add3A_195, %mul3A_202 : vector<16xf32>
      %swap3A_204 = arith.index_cast %scan3A_172 : i32 to index
      %swap3A_205 = arith.constant 0 : index
      %swap3A_206 = tpu.vector_load %arg14[%swap3A_204, %swap3A_205] {strides = array<i32>} : memref<128x17xf32, #tpu.memory_space<vmem>>, vector<16xf32>,
      tpu.vector_store %arg14[%swap3A_204, %swap3A_205], %add3A_203 {strides = array<i32>} : memref<128x17xf32, #tpu.memory_space<vmem>>, vector<16xf32>,
      %scan3A_207 = arith.constant 0 : i32
      %scan3A_208 = arith.constant 2 : i32
      %scan3A_209 = arith.addi %scan3A_136, %scan3A_208 : i32
      %get3A_210 = arith.index_cast %scan3A_209 : i32 to index
      %get3A_211 = arith.constant 0 : index
      %get3A_212 = tpu.vector_load %arg8[%get3A_210, %get3A_211] {strides = array<i32>} : memref<128x64xf32, #tpu.memory_space<vmem>>, vector<16xf32>,
      %get3A_213 = arith.index_cast %scan3A_209 : i32 to index
      %get3A_214 = arith.constant 0 : index
      %get3A_215 = tpu.vector_load %arg9[%get3A_213, %get3A_214] {strides = array<i32>} : memref<128x64xf32, #tpu.memory_space<vmem>>, vector<16xf32>,
      %mul3A_216 = arith.mulf %get3A_212, %get3A_215 : vector<16xf32>
      %get3A_217 = arith.index_cast %scan3A_209 : i32 to index
      %get3A_218 = arith.constant 16 : index
      %get3A_219 = tpu.vector_load %arg8[%get3A_217, %get3A_218] {strides = array<i32>} : memref<128x64xf32, #tpu.memory_space<vmem>>, vector<16xf32>,
      %get3A_220 = arith.index_cast %scan3A_209 : i32 to index
      %get3A_221 = arith.constant 16 : index
      %get3A_222 = tpu.vector_load %arg9[%get3A_220, %get3A_221] {strides = array<i32>} : memref<128x64xf32, #tpu.memory_space<vmem>>, vector<16xf32>,
      %mul3A_223 = arith.mulf %get3A_219, %get3A_222 : vector<16xf32>
      %add3A_224 = arith.addf %mul3A_216, %mul3A_223 : vector<16xf32>
      %get3A_225 = arith.index_cast %scan3A_209 : i32 to index
      %get3A_226 = arith.constant 32 : index
      %get3A_227 = tpu.vector_load %arg8[%get3A_225, %get3A_226] {strides = array<i32>} : memref<128x64xf32, #tpu.memory_space<vmem>>, vector<16xf32>,
      %get3A_228 = arith.index_cast %scan3A_209 : i32 to index
      %get3A_229 = arith.constant 32 : index
      %get3A_230 = tpu.vector_load %arg9[%get3A_228, %get3A_229] {strides = array<i32>} : memref<128x64xf32, #tpu.memory_space<vmem>>, vector<16xf32>,
      %mul3A_231 = arith.mulf %get3A_227, %get3A_230 : vector<16xf32>
      %add3A_232 = arith.addf %add3A_224, %mul3A_231 : vector<16xf32>
      %get3A_233 = arith.index_cast %scan3A_209 : i32 to index
      %get3A_234 = arith.constant 48 : index
      %get3A_235 = tpu.vector_load %arg8[%get3A_233, %get3A_234] {strides = array<i32>} : memref<128x64xf32, #tpu.memory_space<vmem>>, vector<16xf32>,
      %get3A_236 = arith.index_cast %scan3A_209 : i32 to index
      %get3A_237 = arith.constant 48 : index
      %get3A_238 = tpu.vector_load %arg9[%get3A_236, %get3A_237] {strides = array<i32>} : memref<128x64xf32, #tpu.memory_space<vmem>>, vector<16xf32>,
      %mul3A_239 = arith.mulf %get3A_235, %get3A_238 : vector<16xf32>
      %add3A_240 = arith.addf %add3A_232, %mul3A_239 : vector<16xf32>
      %swap3A_241 = arith.index_cast %scan3A_209 : i32 to index
      %swap3A_242 = arith.constant 0 : index
      %swap3A_243 = tpu.vector_load %arg14[%swap3A_241, %swap3A_242] {strides = array<i32>} : memref<128x17xf32, #tpu.memory_space<vmem>>, vector<16xf32>,
      tpu.vector_store %arg14[%swap3A_241, %swap3A_242], %add3A_240 {strides = array<i32>} : memref<128x17xf32, #tpu.memory_space<vmem>>, vector<16xf32>,
      %scan3A_244 = arith.constant 0 : i32
      %scan3A_245 = arith.constant 3 : i32
      %scan3A_246 = arith.addi %scan3A_136, %scan3A_245 : i32
      %get3A_247 = arith.index_cast %scan3A_246 : i32 to index
      %get3A_248 = arith.constant 0 : index
      %get3A_249 = tpu.vector_load %arg8[%get3A_247, %get3A_248] {strides = array<i32>} : memref<128x64xf32, #tpu.memory_space<vmem>>, vector<16xf32>,
      %get3A_250 = arith.index_cast %scan3A_246 : i32 to index
      %get3A_251 = arith.constant 0 : index
      %get3A_252 = tpu.vector_load %arg9[%get3A_250, %get3A_251] {strides = array<i32>} : memref<128x64xf32, #tpu.memory_space<vmem>>, vector<16xf32>,
      %mul3A_253 = arith.mulf %get3A_249, %get3A_252 : vector<16xf32>
      %get3A_254 = arith.index_cast %scan3A_246 : i32 to index
      %get3A_255 = arith.constant 16 : index
      %get3A_256 = tpu.vector_load %arg8[%get3A_254, %get3A_255] {strides = array<i32>} : memref<128x64xf32, #tpu.memory_space<vmem>>, vector<16xf32>,
      %get3A_257 = arith.index_cast %scan3A_246 : i32 to index
      %get3A_258 = arith.constant 16 : index
      %get3A_259 = tpu.vector_load %arg9[%get3A_257, %get3A_258] {strides = array<i32>} : memref<128x64xf32, #tpu.memory_space<vmem>>, vector<16xf32>,
      %mul3A_260 = arith.mulf %get3A_256, %get3A_259 : vector<16xf32>
      %add3A_261 = arith.addf %mul3A_253, %mul3A_260 : vector<16xf32>
      %get3A_262 = arith.index_cast %scan3A_246 : i32 to index
      %get3A_263 = arith.constant 32 : index
      %get3A_264 = tpu.vector_load %arg8[%get3A_262, %get3A_263] {strides = array<i32>} : memref<128x64xf32, #tpu.memory_space<vmem>>, vector<16xf32>,
      %get3A_265 = arith.index_cast %scan3A_246 : i32 to index
      %get3A_266 = arith.constant 32 : index
      %get3A_267 = tpu.vector_load %arg9[%get3A_265, %get3A_266] {strides = array<i32>} : memref<128x64xf32, #tpu.memory_space<vmem>>, vector<16xf32>,
      %mul3A_268 = arith.mulf %get3A_264, %get3A_267 : vector<16xf32>
      %add3A_269 = arith.addf %add3A_261, %mul3A_268 : vector<16xf32>
      %get3A_270 = arith.index_cast %scan3A_246 : i32 to index
      %get3A_271 = arith.constant 48 : index
      %get3A_272 = tpu.vector_load %arg8[%get3A_270, %get3A_271] {strides = array<i32>} : memref<128x64xf32, #tpu.memory_space<vmem>>, vector<16xf32>,
      %get3A_273 = arith.index_cast %scan3A_246 : i32 to index
      %get3A_274 = arith.constant 48 : index
      %get3A_275 = tpu.vector_load %arg9[%get3A_273, %get3A_274] {strides = array<i32>} : memref<128x64xf32, #tpu.memory_space<vmem>>, vector<16xf32>,
      %mul3A_276 = arith.mulf %get3A_272, %get3A_275 : vector<16xf32>
      %add3A_277 = arith.addf %add3A_269, %mul3A_276 : vector<16xf32>
      %swap3A_278 = arith.index_cast %scan3A_246 : i32 to index
      %swap3A_279 = arith.constant 0 : index
      %swap3A_280 = tpu.vector_load %arg14[%swap3A_278, %swap3A_279] {strides = array<i32>} : memref<128x17xf32, #tpu.memory_space<vmem>>, vector<16xf32>,
      tpu.vector_store %arg14[%swap3A_278, %swap3A_279], %add3A_277 {strides = array<i32>} : memref<128x17xf32, #tpu.memory_space<vmem>>, vector<16xf32>,
      %scan3A_281 = arith.constant 0 : i32
      %scan3A_282 = arith.constant 4 : i32
      %scan3A_283 = arith.addi %scan3A_136, %scan3A_282 : i32
      %get3A_284 = arith.index_cast %scan3A_283 : i32 to index
      %get3A_285 = arith.constant 0 : index
      %get3A_286 = tpu.vector_load %arg8[%get3A_284, %get3A_285] {strides = array<i32>} : memref<128x64xf32, #tpu.memory_space<vmem>>, vector<16xf32>,
      %get3A_287 = arith.index_cast %scan3A_283 : i32 to index
      %get3A_288 = arith.constant 0 : index
      %get3A_289 = tpu.vector_load %arg9[%get3A_287, %get3A_288] {strides = array<i32>} : memref<128x64xf32, #tpu.memory_space<vmem>>, vector<16xf32>,
      %mul3A_290 = arith.mulf %get3A_286, %get3A_289 : vector<16xf32>
      %get3A_291 = arith.index_cast %scan3A_283 : i32 to index
      %get3A_292 = arith.constant 16 : index
      %get3A_293 = tpu.vector_load %arg8[%get3A_291, %get3A_292] {strides = array<i32>} : memref<128x64xf32, #tpu.memory_space<vmem>>, vector<16xf32>,
      %get3A_294 = arith.index_cast %scan3A_283 : i32 to index
      %get3A_295 = arith.constant 16 : index
      %get3A_296 = tpu.vector_load %arg9[%get3A_294, %get3A_295] {strides = array<i32>} : memref<128x64xf32, #tpu.memory_space<vmem>>, vector<16xf32>,
      %mul3A_297 = arith.mulf %get3A_293, %get3A_296 : vector<16xf32>
      %add3A_298 = arith.addf %mul3A_290, %mul3A_297 : vector<16xf32>
      %get3A_299 = arith.index_cast %scan3A_283 : i32 to index
      %get3A_300 = arith.constant 32 : index
      %get3A_301 = tpu.vector_load %arg8[%get3A_299, %get3A_300] {strides = array<i32>} : memref<128x64xf32, #tpu.memory_space<vmem>>, vector<16xf32>,
      %get3A_302 = arith.index_cast %scan3A_283 : i32 to index
      %get3A_303 = arith.constant 32 : index
      %get3A_304 = tpu.vector_load %arg9[%get3A_302, %get3A_303] {strides = array<i32>} : memref<128x64xf32, #tpu.memory_space<vmem>>, vector<16xf32>,
      %mul3A_305 = arith.mulf %get3A_301, %get3A_304 : vector<16xf32>
      %add3A_306 = arith.addf %add3A_298, %mul3A_305 : vector<16xf32>
      %get3A_307 = arith.index_cast %scan3A_283 : i32 to index
      %get3A_308 = arith.constant 48 : index
      %get3A_309 = tpu.vector_load %arg8[%get3A_307, %get3A_308] {strides = array<i32>} : memref<128x64xf32, #tpu.memory_space<vmem>>, vector<16xf32>,
      %get3A_310 = arith.index_cast %scan3A_283 : i32 to index
      %get3A_311 = arith.constant 48 : index
      %get3A_312 = tpu.vector_load %arg9[%get3A_310, %get3A_311] {strides = array<i32>} : memref<128x64xf32, #tpu.memory_space<vmem>>, vector<16xf32>,
      %mul3A_313 = arith.mulf %get3A_309, %get3A_312 : vector<16xf32>
      %add3A_314 = arith.addf %add3A_306, %mul3A_313 : vector<16xf32>
      %swap3A_315 = arith.index_cast %scan3A_283 : i32 to index
      %swap3A_316 = arith.constant 0 : index
      %swap3A_317 = tpu.vector_load %arg14[%swap3A_315, %swap3A_316] {strides = array<i32>} : memref<128x17xf32, #tpu.memory_space<vmem>>, vector<16xf32>,
      tpu.vector_store %arg14[%swap3A_315, %swap3A_316], %add3A_314 {strides = array<i32>} : memref<128x17xf32, #tpu.memory_space<vmem>>, vector<16xf32>,
      %scan3A_318 = arith.constant 0 : i32
      %scan3A_319 = arith.constant 5 : i32
      %scan3A_320 = arith.addi %scan3A_136, %scan3A_319 : i32
      %get3A_321 = arith.index_cast %scan3A_320 : i32 to index
      %get3A_322 = arith.constant 0 : index
      %get3A_323 = tpu.vector_load %arg8[%get3A_321, %get3A_322] {strides = array<i32>} : memref<128x64xf32, #tpu.memory_space<vmem>>, vector<16xf32>,
      %get3A_324 = arith.index_cast %scan3A_320 : i32 to index
      %get3A_325 = arith.constant 0 : index
      %get3A_326 = tpu.vector_load %arg9[%get3A_324, %get3A_325] {strides = array<i32>} : memref<128x64xf32, #tpu.memory_space<vmem>>, vector<16xf32>,
      %mul3A_327 = arith.mulf %get3A_323, %get3A_326 : vector<16xf32>
      %get3A_328 = arith.index_cast %scan3A_320 : i32 to index
      %get3A_329 = arith.constant 16 : index
      %get3A_330 = tpu.vector_load %arg8[%get3A_328, %get3A_329] {strides = array<i32>} : memref<128x64xf32, #tpu.memory_space<vmem>>, vector<16xf32>,
      %get3A_331 = arith.index_cast %scan3A_320 : i32 to index
      %get3A_332 = arith.constant 16 : index
      %get3A_333 = tpu.vector_load %arg9[%get3A_331, %get3A_332] {strides = array<i32>} : memref<128x64xf32, #tpu.memory_space<vmem>>, vector<16xf32>,
      %mul3A_334 = arith.mulf %get3A_330, %get3A_333 : vector<16xf32>
      %add3A_335 = arith.addf %mul3A_327, %mul3A_334 : vector<16xf32>
      %get3A_336 = arith.index_cast %scan3A_320 : i32 to index
      %get3A_337 = arith.constant 32 : index
      %get3A_338 = tpu.vector_load %arg8[%get3A_336, %get3A_337] {strides = array<i32>} : memref<128x64xf32, #tpu.memory_space<vmem>>, vector<16xf32>,
      %get3A_339 = arith.index_cast %scan3A_320 : i32 to index
      %get3A_340 = arith.constant 32 : index
      %get3A_341 = tpu.vector_load %arg9[%get3A_339, %get3A_340] {strides = array<i32>} : memref<128x64xf32, #tpu.memory_space<vmem>>, vector<16xf32>,
      %mul3A_342 = arith.mulf %get3A_338, %get3A_341 : vector<16xf32>
      %add3A_343 = arith.addf %add3A_335, %mul3A_342 : vector<16xf32>
      %get3A_344 = arith.index_cast %scan3A_320 : i32 to index
      %get3A_345 = arith.constant 48 : index
      %get3A_346 = tpu.vector_load %arg8[%get3A_344, %get3A_345] {strides = array<i32>} : memref<128x64xf32, #tpu.memory_space<vmem>>, vector<16xf32>,
      %get3A_347 = arith.index_cast %scan3A_320 : i32 to index
      %get3A_348 = arith.constant 48 : index
      %get3A_349 = tpu.vector_load %arg9[%get3A_347, %get3A_348] {strides = array<i32>} : memref<128x64xf32, #tpu.memory_space<vmem>>, vector<16xf32>,
      %mul3A_350 = arith.mulf %get3A_346, %get3A_349 : vector<16xf32>
      %add3A_351 = arith.addf %add3A_343, %mul3A_350 : vector<16xf32>
      %swap3A_352 = arith.index_cast %scan3A_320 : i32 to index
      %swap3A_353 = arith.constant 0 : index
      %swap3A_354 = tpu.vector_load %arg14[%swap3A_352, %swap3A_353] {strides = array<i32>} : memref<128x17xf32, #tpu.memory_space<vmem>>, vector<16xf32>,
      tpu.vector_store %arg14[%swap3A_352, %swap3A_353], %add3A_351 {strides = array<i32>} : memref<128x17xf32, #tpu.memory_space<vmem>>, vector<16xf32>,
      %scan3A_355 = arith.constant 0 : i32
      %scan3A_356 = arith.constant 6 : i32
      %scan3A_357 = arith.addi %scan3A_136, %scan3A_356 : i32
      %get3A_358 = arith.index_cast %scan3A_357 : i32 to index
      %get3A_359 = arith.constant 0 : index
      %get3A_360 = tpu.vector_load %arg8[%get3A_358, %get3A_359] {strides = array<i32>} : memref<128x64xf32, #tpu.memory_space<vmem>>, vector<16xf32>,
      %get3A_361 = arith.index_cast %scan3A_357 : i32 to index
      %get3A_362 = arith.constant 0 : index
      %get3A_363 = tpu.vector_load %arg9[%get3A_361, %get3A_362] {strides = array<i32>} : memref<128x64xf32, #tpu.memory_space<vmem>>, vector<16xf32>,
      %mul3A_364 = arith.mulf %get3A_360, %get3A_363 : vector<16xf32>
      %get3A_365 = arith.index_cast %scan3A_357 : i32 to index
      %get3A_366 = arith.constant 16 : index
      %get3A_367 = tpu.vector_load %arg8[%get3A_365, %get3A_366] {strides = array<i32>} : memref<128x64xf32, #tpu.memory_space<vmem>>, vector<16xf32>,
      %get3A_368 = arith.index_cast %scan3A_357 : i32 to index
      %get3A_369 = arith.constant 16 : index
      %get3A_370 = tpu.vector_load %arg9[%get3A_368, %get3A_369] {strides = array<i32>} : memref<128x64xf32, #tpu.memory_space<vmem>>, vector<16xf32>,
      %mul3A_371 = arith.mulf %get3A_367, %get3A_370 : vector<16xf32>
      %add3A_372 = arith.addf %mul3A_364, %mul3A_371 : vector<16xf32>
      %get3A_373 = arith.index_cast %scan3A_357 : i32 to index
      %get3A_374 = arith.constant 32 : index
      %get3A_375 = tpu.vector_load %arg8[%get3A_373, %get3A_374] {strides = array<i32>} : memref<128x64xf32, #tpu.memory_space<vmem>>, vector<16xf32>,
      %get3A_376 = arith.index_cast %scan3A_357 : i32 to index
      %get3A_377 = arith.constant 32 : index
      %get3A_378 = tpu.vector_load %arg9[%get3A_376, %get3A_377] {strides = array<i32>} : memref<128x64xf32, #tpu.memory_space<vmem>>, vector<16xf32>,
      %mul3A_379 = arith.mulf %get3A_375, %get3A_378 : vector<16xf32>
      %add3A_380 = arith.addf %add3A_372, %mul3A_379 : vector<16xf32>
      %get3A_381 = arith.index_cast %scan3A_357 : i32 to index
      %get3A_382 = arith.constant 48 : index
      %get3A_383 = tpu.vector_load %arg8[%get3A_381, %get3A_382] {strides = array<i32>} : memref<128x64xf32, #tpu.memory_space<vmem>>, vector<16xf32>,
      %get3A_384 = arith.index_cast %scan3A_357 : i32 to index
      %get3A_385 = arith.constant 48 : index
      %get3A_386 = tpu.vector_load %arg9[%get3A_384, %get3A_385] {strides = array<i32>} : memref<128x64xf32, #tpu.memory_space<vmem>>, vector<16xf32>,
      %mul3A_387 = arith.mulf %get3A_383, %get3A_386 : vector<16xf32>
      %add3A_388 = arith.addf %add3A_380, %mul3A_387 : vector<16xf32>
      %swap3A_389 = arith.index_cast %scan3A_357 : i32 to index
      %swap3A_390 = arith.constant 0 : index
      %swap3A_391 = tpu.vector_load %arg14[%swap3A_389, %swap3A_390] {strides = array<i32>} : memref<128x17xf32, #tpu.memory_space<vmem>>, vector<16xf32>,
      tpu.vector_store %arg14[%swap3A_389, %swap3A_390], %add3A_388 {strides = array<i32>} : memref<128x17xf32, #tpu.memory_space<vmem>>, vector<16xf32>,
      %scan3A_392 = arith.constant 0 : i32
      %scan3A_393 = arith.constant 7 : i32
      %scan3A_394 = arith.addi %scan3A_136, %scan3A_393 : i32
      %get3A_395 = arith.index_cast %scan3A_394 : i32 to index
      %get3A_396 = arith.constant 0 : index
      %get3A_397 = tpu.vector_load %arg8[%get3A_395, %get3A_396] {strides = array<i32>} : memref<128x64xf32, #tpu.memory_space<vmem>>, vector<16xf32>,
      %get3A_398 = arith.index_cast %scan3A_394 : i32 to index
      %get3A_399 = arith.constant 0 : index
      %get3A_400 = tpu.vector_load %arg9[%get3A_398, %get3A_399] {strides = array<i32>} : memref<128x64xf32, #tpu.memory_space<vmem>>, vector<16xf32>,
      %mul3A_401 = arith.mulf %get3A_397, %get3A_400 : vector<16xf32>
      %get3A_402 = arith.index_cast %scan3A_394 : i32 to index
      %get3A_403 = arith.constant 16 : index
      %get3A_404 = tpu.vector_load %arg8[%get3A_402, %get3A_403] {strides = array<i32>} : memref<128x64xf32, #tpu.memory_space<vmem>>, vector<16xf32>,
      %get3A_405 = arith.index_cast %scan3A_394 : i32 to index
      %get3A_406 = arith.constant 16 : index
      %get3A_407 = tpu.vector_load %arg9[%get3A_405, %get3A_406] {strides = array<i32>} : memref<128x64xf32, #tpu.memory_space<vmem>>, vector<16xf32>,
      %mul3A_408 = arith.mulf %get3A_404, %get3A_407 : vector<16xf32>
      %add3A_409 = arith.addf %mul3A_401, %mul3A_408 : vector<16xf32>
      %get3A_410 = arith.index_cast %scan3A_394 : i32 to index
      %get3A_411 = arith.constant 32 : index
      %get3A_412 = tpu.vector_load %arg8[%get3A_410, %get3A_411] {strides = array<i32>} : memref<128x64xf32, #tpu.memory_space<vmem>>, vector<16xf32>,
      %get3A_413 = arith.index_cast %scan3A_394 : i32 to index
      %get3A_414 = arith.constant 32 : index
      %get3A_415 = tpu.vector_load %arg9[%get3A_413, %get3A_414] {strides = array<i32>} : memref<128x64xf32, #tpu.memory_space<vmem>>, vector<16xf32>,
      %mul3A_416 = arith.mulf %get3A_412, %get3A_415 : vector<16xf32>
      %add3A_417 = arith.addf %add3A_409, %mul3A_416 : vector<16xf32>
      %get3A_418 = arith.index_cast %scan3A_394 : i32 to index
      %get3A_419 = arith.constant 48 : index
      %get3A_420 = tpu.vector_load %arg8[%get3A_418, %get3A_419] {strides = array<i32>} : memref<128x64xf32, #tpu.memory_space<vmem>>, vector<16xf32>,
      %get3A_421 = arith.index_cast %scan3A_394 : i32 to index
      %get3A_422 = arith.constant 48 : index
      %get3A_423 = tpu.vector_load %arg9[%get3A_421, %get3A_422] {strides = array<i32>} : memref<128x64xf32, #tpu.memory_space<vmem>>, vector<16xf32>,
      %mul3A_424 = arith.mulf %get3A_420, %get3A_423 : vector<16xf32>
      %add3A_425 = arith.addf %add3A_417, %mul3A_424 : vector<16xf32>
      %swap3A_426 = arith.index_cast %scan3A_394 : i32 to index
      %swap3A_427 = arith.constant 0 : index
      %swap3A_428 = tpu.vector_load %arg14[%swap3A_426, %swap3A_427] {strides = array<i32>} : memref<128x17xf32, #tpu.memory_space<vmem>>, vector<16xf32>,
      tpu.vector_store %arg14[%swap3A_426, %swap3A_427], %add3A_425 {strides = array<i32>} : memref<128x17xf32, #tpu.memory_space<vmem>>, vector<16xf32>,
      %scan3A_429 = arith.constant 0 : i32
      scf.yield %scan3A_429 : i32
    }
    %scan3A_46 = arith.constant 128 : i32
    %scan3A_47 = arith.constant 0 : i32
    %scan3A_48 = arith.constant 0 : i32
    %scan3A_49 = arith.constant 8 : i32
    %scan3A_50 = arith.addi %scan3A_48, %scan3A_49 : i32
    %scan3A_51 = arith.constant 1 : i32
    %scan3A_52 = scf.for %scan3A_136 = %scan3A_48 to %scan3A_50 step %scan3A_51 iter_args(%scan3A_137 = %scan3A_47) -> (i32)  : i32 {
      %mul3A_138 = arith.constant 16 : i32
      %mul3A_139 = arith.muli %scan3A_136, %mul3A_138 : i32
      %add3A_140 = vector.broadcast %mul3A_139 : i32 to vector<16xi32>
      %add3A_141 = arith.addi %add3A_140, %iota3A : vector<16xi32>
      %broadcast_in_dim3A = arith.constant 0 : i32
      %broadcast_in_dim3A_142 = vector.broadcast %broadcast_in_dim3A : i32 to vector<16xi32>
      %gather3A = tpu.vector_load_idx %arg14[%add3A_141, %broadcast_in_dim3A_142] : memref<128x17xf32, #tpu.memory_space<vmem>>[vector<16xi32>, vector<16xi32>], vector<16xf32>,
      %add3A_143 = vector.broadcast %mul3A_139 : i32 to vector<16xi32>
      %add3A_144 = arith.addi %add3A_143, %iota3A : vector<16xi32>
      %broadcast_in_dim3A_145 = arith.constant 1 : i32
      %broadcast_in_dim3A_146 = vector.broadcast %broadcast_in_dim3A_145 : i32 to vector<16xi32>
      %gather3A_147 = tpu.vector_load_idx %arg14[%add3A_144, %broadcast_in_dim3A_146] : memref<128x17xf32, #tpu.memory_space<vmem>>[vector<16xi32>, vector<16xi32>], vector<16xf32>,
      %add3A_148 = arith.addf %gather3A, %gather3A_147 : vector<16xf32>
      %add3A_149 = vector.broadcast %mul3A_139 : i32 to vector<16xi32>
      %add3A_150 = arith.addi %add3A_149, %iota3A : vector<16xi32>
      %broadcast_in_dim3A_151 = arith.constant 2 : i32
      %broadcast_in_dim3A_152 = vector.broadcast %broadcast_in_dim3A_151 : i32 to vector<16xi32>
      %gather3A_153 = tpu.vector_load_idx %arg14[%add3A_150, %broadcast_in_dim3A_152] : memref<128x17xf32, #tpu.memory_space<vmem>>[vector<16xi32>, vector<16xi32>], vector<16xf32>,
      %add3A_154 = arith.addf %add3A_148, %gather3A_153 : vector<16xf32>
      %add3A_155 = vector.broadcast %mul3A_139 : i32 to vector<16xi32>
      %add3A_156 = arith.addi %add3A_155, %iota3A : vector<16xi32>
      %broadcast_in_dim3A_157 = arith.constant 3 : i32
      %broadcast_in_dim3A_158 = vector.broadcast %broadcast_in_dim3A_157 : i32 to vector<16xi32>
      %gather3A_159 = tpu.vector_load_idx %arg14[%add3A_156, %broadcast_in_dim3A_158] : memref<128x17xf32, #tpu.memory_space<vmem>>[vector<16xi32>, vector<16xi32>], vector<16xf32>,
      %add3A_160 = arith.addf %add3A_154, %gather3A_159 : vector<16xf32>
      %add3A_161 = vector.broadcast %mul3A_139 : i32 to vector<16xi32>
      %add3A_162 = arith.addi %add3A_161, %iota3A : vector<16xi32>
      %broadcast_in_dim3A_163 = arith.constant 4 : i32
      %broadcast_in_dim3A_164 = vector.broadcast %broadcast_in_dim3A_163 : i32 to vector<16xi32>
      %gather3A_165 = tpu.vector_load_idx %arg14[%add3A_162, %broadcast_in_dim3A_164] : memref<128x17xf32, #tpu.memory_space<vmem>>[vector<16xi32>, vector<16xi32>], vector<16xf32>,
      %add3A_166 = arith.addf %add3A_160, %gather3A_165 : vector<16xf32>
      %add3A_167 = vector.broadcast %mul3A_139 : i32 to vector<16xi32>
      %add3A_168 = arith.addi %add3A_167, %iota3A : vector<16xi32>
      %broadcast_in_dim3A_169 = arith.constant 5 : i32
      %broadcast_in_dim3A_170 = vector.broadcast %broadcast_in_dim3A_169 : i32 to vector<16xi32>
      %gather3A_171 = tpu.vector_load_idx %arg14[%add3A_168, %broadcast_in_dim3A_170] : memref<128x17xf32, #tpu.memory_space<vmem>>[vector<16xi32>, vector<16xi32>], vector<16xf32>,
      %add3A_172 = arith.addf %add3A_166, %gather3A_171 : vector<16xf32>
      %add3A_173 = vector.broadcast %mul3A_139 : i32 to vector<16xi32>
      %add3A_174 = arith.addi %add3A_173, %iota3A : vector<16xi32>
      %broadcast_in_dim3A_175 = arith.constant 6 : i32
      %broadcast_in_dim3A_176 = vector.broadcast %broadcast_in_dim3A_175 : i32 to vector<16xi32>
      %gather3A_177 = tpu.vector_load_idx %arg14[%add3A_174, %broadcast_in_dim3A_176] : memref<128x17xf32, #tpu.memory_space<vmem>>[vector<16xi32>, vector<16xi32>], vector<16xf32>,
      %add3A_178 = arith.addf %add3A_172, %gather3A_177 : vector<16xf32>
      %add3A_179 = vector.broadcast %mul3A_139 : i32 to vector<16xi32>
      %add3A_180 = arith.addi %add3A_179, %iota3A : vector<16xi32>
      %broadcast_in_dim3A_181 = arith.constant 7 : i32
      %broadcast_in_dim3A_182 = vector.broadcast %broadcast_in_dim3A_181 : i32 to vector<16xi32>
      %gather3A_183 = tpu.vector_load_idx %arg14[%add3A_180, %broadcast_in_dim3A_182] : memref<128x17xf32, #tpu.memory_space<vmem>>[vector<16xi32>, vector<16xi32>], vector<16xf32>,
      %add3A_184 = arith.addf %add3A_178, %gather3A_183 : vector<16xf32>
      %add3A_185 = vector.broadcast %mul3A_139 : i32 to vector<16xi32>
      %add3A_186 = arith.addi %add3A_185, %iota3A : vector<16xi32>
      %broadcast_in_dim3A_187 = arith.constant 8 : i32
      %broadcast_in_dim3A_188 = vector.broadcast %broadcast_in_dim3A_187 : i32 to vector<16xi32>
      %gather3A_189 = tpu.vector_load_idx %arg14[%add3A_186, %broadcast_in_dim3A_188] : memref<128x17xf32, #tpu.memory_space<vmem>>[vector<16xi32>, vector<16xi32>], vector<16xf32>,
      %add3A_190 = arith.addf %add3A_184, %gather3A_189 : vector<16xf32>
      %add3A_191 = vector.broadcast %mul3A_139 : i32 to vector<16xi32>
      %add3A_192 = arith.addi %add3A_191, %iota3A : vector<16xi32>
      %broadcast_in_dim3A_193 = arith.constant 9 : i32
      %broadcast_in_dim3A_194 = vector.broadcast %broadcast_in_dim3A_193 : i32 to vector<16xi32>
      %gather3A_195 = tpu.vector_load_idx %arg14[%add3A_192, %broadcast_in_dim3A_194] : memref<128x17xf32, #tpu.memory_space<vmem>>[vector<16xi32>, vector<16xi32>], vector<16xf32>,
      %add3A_196 = arith.addf %add3A_190, %gather3A_195 : vector<16xf32>
      %add3A_197 = vector.broadcast %mul3A_139 : i32 to vector<16xi32>
      %add3A_198 = arith.addi %add3A_197, %iota3A : vector<16xi32>
      %broadcast_in_dim3A_199 = arith.constant 10 : i32
      %broadcast_in_dim3A_200 = vector.broadcast %broadcast_in_dim3A_199 : i32 to vector<16xi32>
      %gather3A_201 = tpu.vector_load_idx %arg14[%add3A_198, %broadcast_in_dim3A_200] : memref<128x17xf32, #tpu.memory_space<vmem>>[vector<16xi32>, vector<16xi32>], vector<16xf32>,
      %add3A_202 = arith.addf %add3A_196, %gather3A_201 : vector<16xf32>
      %add3A_203 = vector.broadcast %mul3A_139 : i32 to vector<16xi32>
      %add3A_204 = arith.addi %add3A_203, %iota3A : vector<16xi32>
      %broadcast_in_dim3A_205 = arith.constant 11 : i32
      %broadcast_in_dim3A_206 = vector.broadcast %broadcast_in_dim3A_205 : i32 to vector<16xi32>
      %gather3A_207 = tpu.vector_load_idx %arg14[%add3A_204, %broadcast_in_dim3A_206] : memref<128x17xf32, #tpu.memory_space<vmem>>[vector<16xi32>, vector<16xi32>], vector<16xf32>,
      %add3A_208 = arith.addf %add3A_202, %gather3A_207 : vector<16xf32>
      %add3A_209 = vector.broadcast %mul3A_139 : i32 to vector<16xi32>
      %add3A_210 = arith.addi %add3A_209, %iota3A : vector<16xi32>
      %broadcast_in_dim3A_211 = arith.constant 12 : i32
      %broadcast_in_dim3A_212 = vector.broadcast %broadcast_in_dim3A_211 : i32 to vector<16xi32>
      %gather3A_213 = tpu.vector_load_idx %arg14[%add3A_210, %broadcast_in_dim3A_212] : memref<128x17xf32, #tpu.memory_space<vmem>>[vector<16xi32>, vector<16xi32>], vector<16xf32>,
      %add3A_214 = arith.addf %add3A_208, %gather3A_213 : vector<16xf32>
      %add3A_215 = vector.broadcast %mul3A_139 : i32 to vector<16xi32>
      %add3A_216 = arith.addi %add3A_215, %iota3A : vector<16xi32>
      %broadcast_in_dim3A_217 = arith.constant 13 : i32
      %broadcast_in_dim3A_218 = vector.broadcast %broadcast_in_dim3A_217 : i32 to vector<16xi32>
      %gather3A_219 = tpu.vector_load_idx %arg14[%add3A_216, %broadcast_in_dim3A_218] : memref<128x17xf32, #tpu.memory_space<vmem>>[vector<16xi32>, vector<16xi32>], vector<16xf32>,
      %add3A_220 = arith.addf %add3A_214, %gather3A_219 : vector<16xf32>
      %add3A_221 = vector.broadcast %mul3A_139 : i32 to vector<16xi32>
      %add3A_222 = arith.addi %add3A_221, %iota3A : vector<16xi32>
      %broadcast_in_dim3A_223 = arith.constant 14 : i32
      %broadcast_in_dim3A_224 = vector.broadcast %broadcast_in_dim3A_223 : i32 to vector<16xi32>
      %gather3A_225 = tpu.vector_load_idx %arg14[%add3A_222, %broadcast_in_dim3A_224] : memref<128x17xf32, #tpu.memory_space<vmem>>[vector<16xi32>, vector<16xi32>], vector<16xf32>,
      %add3A_226 = arith.addf %add3A_220, %gather3A_225 : vector<16xf32>
      %add3A_227 = vector.broadcast %mul3A_139 : i32 to vector<16xi32>
      %add3A_228 = arith.addi %add3A_227, %iota3A : vector<16xi32>
      %broadcast_in_dim3A_229 = arith.constant 15 : i32
      %broadcast_in_dim3A_230 = vector.broadcast %broadcast_in_dim3A_229 : i32 to vector<16xi32>
      %gather3A_231 = tpu.vector_load_idx %arg14[%add3A_228, %broadcast_in_dim3A_230] : memref<128x17xf32, #tpu.memory_space<vmem>>[vector<16xi32>, vector<16xi32>], vector<16xf32>,
      %add3A_232 = arith.addf %add3A_226, %gather3A_231 : vector<16xf32>
      %neg3A = arith.constant 0.000000e+00 : f32
      %neg3A_233 = vector.broadcast %neg3A : f32 to vector<16xf32>
      %neg3A_234 = arith.subf %neg3A_233, %add3A_232 : vector<16xf32>
      %exp3A = math.exp %neg3A_234 : vector<16xf32>
      %add3A_235 = arith.constant 1.000000e+00 : f32
      %add3A_236 = vector.broadcast %add3A_235 : f32 to vector<16xf32>
      %add3A_237 = arith.addf %add3A_236, %exp3A : vector<16xf32>
      %div3A = arith.constant 1.000000e+00 : f32
      %div3A_238 = vector.broadcast %div3A : f32 to vector<16xf32>
      %div3A_239 = arith.divf %div3A_238, %add3A_237 : vector<16xf32>
      %add3A_240 = arith.constant 0 : i32
      %add3A_241 = arith.addi %add3A_240, %mul3A_139 : i32
      %swap3A = arith.index_cast %add3A_241 : i32 to index
      %swap3A_242 = tpu.vector_load %arg15[%swap3A] {strides = array<i32>} : memref<512xf32, #tpu.memory_space<vmem>>, vector<16xf32>,
      tpu.vector_store %arg15[%swap3A], %div3A_239 {strides = array<i32>} : memref<512xf32, #tpu.memory_space<vmem>>, vector<16xf32>,
      %scan3A_243 = arith.constant 0 : i32
      scf.yield %scan3A_243 : i32
    }
    %scan3A_53 = arith.constant 8 : i32
    %dma_start3A_54 = arith.constant 384 : i32
    %dma_start3A_55 = tpu.memref_slice %arg6[%dma_start3A_54] : memref<512xi32, #tpu.memory_space<vmem>> -> memref<128xi32, #tpu.memory_space<vmem>>
    %dma_start3A_56 = arith.constant 0 : i32
    %dma_start3A_57 = arith.constant 0 : i32
    %dma_start3A_58 = tpu.memref_slice %arg2[%dma_start3A_56, %dma_start3A_57] : memref<200000x64xf32, #tpu.memory_space<hbm>> -> memref<200000x64xf32, #tpu.memory_space<hbm>>
    tpu.enqueue_indirect_dma source(%dma_start3A_58 : memref<200000x64xf32, #tpu.memory_space<hbm>>) target(%arg8 : memref<128x64xf32, #tpu.memory_space<vmem>>) offsets(%dma_start3A_55 : memref<128xi32, #tpu.memory_space<vmem>>) semaphore(%arg16 : memref<!tpu.dma_semaphore, #tpu.memory_space<semaphore_mem>>)
    %dma_start3A_59 = arith.constant 384 : i32
    %dma_start3A_60 = tpu.memref_slice %arg7[%dma_start3A_59] : memref<512xi32, #tpu.memory_space<vmem>> -> memref<128xi32, #tpu.memory_space<vmem>>
    %dma_start3A_61 = arith.constant 0 : i32
    %dma_start3A_62 = arith.constant 0 : i32
    %dma_start3A_63 = tpu.memref_slice %arg2[%dma_start3A_61, %dma_start3A_62] : memref<200000x64xf32, #tpu.memory_space<hbm>> -> memref<200000x64xf32, #tpu.memory_space<hbm>>
    tpu.enqueue_indirect_dma source(%dma_start3A_63 : memref<200000x64xf32, #tpu.memory_space<hbm>>) target(%arg9 : memref<128x64xf32, #tpu.memory_space<vmem>>) offsets(%dma_start3A_60 : memref<128xi32, #tpu.memory_space<vmem>>) semaphore(%arg17 : memref<!tpu.dma_semaphore, #tpu.memory_space<semaphore_mem>>)
    %dma_wait3A_64 = arith.constant 128 : i32
    %dma_wait3A_65 = tpu.memref_slice %arg6[%dma_wait3A_64] : memref<512xi32, #tpu.memory_space<vmem>> -> memref<128xi32, #tpu.memory_space<vmem>>
    %dma_wait3A_66 = arith.constant 0 : i32
    %dma_wait3A_67 = arith.constant 0 : i32
    %dma_wait3A_68 = tpu.memref_slice %arg2[%dma_wait3A_66, %dma_wait3A_67] : memref<200000x64xf32, #tpu.memory_space<hbm>> -> memref<200000x64xf32, #tpu.memory_space<hbm>>
    tpu.wait_indirect_dma semaphore(%arg18 : memref<!tpu.dma_semaphore, #tpu.memory_space<semaphore_mem>>) src(%dma_wait3A_68 : memref<200000x64xf32, #tpu.memory_space<hbm>>) dst(%arg10 : memref<128x64xf32, #tpu.memory_space<vmem>>)
    %dma_wait3A_69 = arith.constant 128 : i32
    %dma_wait3A_70 = tpu.memref_slice %arg7[%dma_wait3A_69] : memref<512xi32, #tpu.memory_space<vmem>> -> memref<128xi32, #tpu.memory_space<vmem>>
    %dma_wait3A_71 = arith.constant 0 : i32
    %dma_wait3A_72 = arith.constant 0 : i32
    %dma_wait3A_73 = tpu.memref_slice %arg2[%dma_wait3A_71, %dma_wait3A_72] : memref<200000x64xf32, #tpu.memory_space<hbm>> -> memref<200000x64xf32, #tpu.memory_space<hbm>>
    tpu.wait_indirect_dma semaphore(%arg19 : memref<!tpu.dma_semaphore, #tpu.memory_space<semaphore_mem>>) src(%dma_wait3A_73 : memref<200000x64xf32, #tpu.memory_space<hbm>>) dst(%arg11 : memref<128x64xf32, #tpu.memory_space<vmem>>)
    %scan3A_74 = arith.constant 0 : i32
    %scan3A_75 = arith.constant 0 : i32
    %scan3A_76 = arith.constant 128 : i32
    %scan3A_77 = arith.addi %scan3A_75, %scan3A_76 : i32
    %scan3A_78 = arith.constant 8 : i32
    %scan3A_79 = scf.for %scan3A_136 = %scan3A_75 to %scan3A_77 step %scan3A_78 iter_args(%scan3A_137 = %scan3A_74) -> (i32)  : i32 {
      %get3A = arith.index_cast %scan3A_136 : i32 to index
      %get3A_138 = arith.constant 0 : index
      %get3A_139 = tpu.vector_load %arg10[%get3A, %get3A_138] {strides = array<i32>} : memref<128x64xf32, #tpu.memory_space<vmem>>, vector<16xf32>,
      %get3A_140 = arith.index_cast %scan3A_136 : i32 to index
      %get3A_141 = arith.constant 0 : index
      %get3A_142 = tpu.vector_load %arg11[%get3A_140, %get3A_141] {strides = array<i32>} : memref<128x64xf32, #tpu.memory_space<vmem>>, vector<16xf32>,
      %mul3A_143 = arith.mulf %get3A_139, %get3A_142 : vector<16xf32>
      %get3A_144 = arith.index_cast %scan3A_136 : i32 to index
      %get3A_145 = arith.constant 16 : index
      %get3A_146 = tpu.vector_load %arg10[%get3A_144, %get3A_145] {strides = array<i32>} : memref<128x64xf32, #tpu.memory_space<vmem>>, vector<16xf32>,
      %get3A_147 = arith.index_cast %scan3A_136 : i32 to index
      %get3A_148 = arith.constant 16 : index
      %get3A_149 = tpu.vector_load %arg11[%get3A_147, %get3A_148] {strides = array<i32>} : memref<128x64xf32, #tpu.memory_space<vmem>>, vector<16xf32>,
      %mul3A_150 = arith.mulf %get3A_146, %get3A_149 : vector<16xf32>
      %add3A_151 = arith.addf %mul3A_143, %mul3A_150 : vector<16xf32>
      %get3A_152 = arith.index_cast %scan3A_136 : i32 to index
      %get3A_153 = arith.constant 32 : index
      %get3A_154 = tpu.vector_load %arg10[%get3A_152, %get3A_153] {strides = array<i32>} : memref<128x64xf32, #tpu.memory_space<vmem>>, vector<16xf32>,
      %get3A_155 = arith.index_cast %scan3A_136 : i32 to index
      %get3A_156 = arith.constant 32 : index
      %get3A_157 = tpu.vector_load %arg11[%get3A_155, %get3A_156] {strides = array<i32>} : memref<128x64xf32, #tpu.memory_space<vmem>>, vector<16xf32>,
      %mul3A_158 = arith.mulf %get3A_154, %get3A_157 : vector<16xf32>
      %add3A_159 = arith.addf %add3A_151, %mul3A_158 : vector<16xf32>
      %get3A_160 = arith.index_cast %scan3A_136 : i32 to index
      %get3A_161 = arith.constant 48 : index
      %get3A_162 = tpu.vector_load %arg10[%get3A_160, %get3A_161] {strides = array<i32>} : memref<128x64xf32, #tpu.memory_space<vmem>>, vector<16xf32>,
      %get3A_163 = arith.index_cast %scan3A_136 : i32 to index
      %get3A_164 = arith.constant 48 : index
      %get3A_165 = tpu.vector_load %arg11[%get3A_163, %get3A_164] {strides = array<i32>} : memref<128x64xf32, #tpu.memory_space<vmem>>, vector<16xf32>,
      %mul3A_166 = arith.mulf %get3A_162, %get3A_165 : vector<16xf32>
      %add3A_167 = arith.addf %add3A_159, %mul3A_166 : vector<16xf32>
      %swap3A = arith.index_cast %scan3A_136 : i32 to index
      %swap3A_168 = arith.constant 0 : index
      %swap3A_169 = tpu.vector_load %arg14[%swap3A, %swap3A_168] {strides = array<i32>} : memref<128x17xf32, #tpu.memory_space<vmem>>, vector<16xf32>,
      tpu.vector_store %arg14[%swap3A, %swap3A_168], %add3A_167 {strides = array<i32>} : memref<128x17xf32, #tpu.memory_space<vmem>>, vector<16xf32>,
      %scan3A_170 = arith.constant 0 : i32
      %scan3A_171 = arith.constant 1 : i32
      %scan3A_172 = arith.addi %scan3A_136, %scan3A_171 : i32
      %get3A_173 = arith.index_cast %scan3A_172 : i32 to index
      %get3A_174 = arith.constant 0 : index
      %get3A_175 = tpu.vector_load %arg10[%get3A_173, %get3A_174] {strides = array<i32>} : memref<128x64xf32, #tpu.memory_space<vmem>>, vector<16xf32>,
      %get3A_176 = arith.index_cast %scan3A_172 : i32 to index
      %get3A_177 = arith.constant 0 : index
      %get3A_178 = tpu.vector_load %arg11[%get3A_176, %get3A_177] {strides = array<i32>} : memref<128x64xf32, #tpu.memory_space<vmem>>, vector<16xf32>,
      %mul3A_179 = arith.mulf %get3A_175, %get3A_178 : vector<16xf32>
      %get3A_180 = arith.index_cast %scan3A_172 : i32 to index
      %get3A_181 = arith.constant 16 : index
      %get3A_182 = tpu.vector_load %arg10[%get3A_180, %get3A_181] {strides = array<i32>} : memref<128x64xf32, #tpu.memory_space<vmem>>, vector<16xf32>,
      %get3A_183 = arith.index_cast %scan3A_172 : i32 to index
      %get3A_184 = arith.constant 16 : index
      %get3A_185 = tpu.vector_load %arg11[%get3A_183, %get3A_184] {strides = array<i32>} : memref<128x64xf32, #tpu.memory_space<vmem>>, vector<16xf32>,
      %mul3A_186 = arith.mulf %get3A_182, %get3A_185 : vector<16xf32>
      %add3A_187 = arith.addf %mul3A_179, %mul3A_186 : vector<16xf32>
      %get3A_188 = arith.index_cast %scan3A_172 : i32 to index
      %get3A_189 = arith.constant 32 : index
      %get3A_190 = tpu.vector_load %arg10[%get3A_188, %get3A_189] {strides = array<i32>} : memref<128x64xf32, #tpu.memory_space<vmem>>, vector<16xf32>,
      %get3A_191 = arith.index_cast %scan3A_172 : i32 to index
      %get3A_192 = arith.constant 32 : index
      %get3A_193 = tpu.vector_load %arg11[%get3A_191, %get3A_192] {strides = array<i32>} : memref<128x64xf32, #tpu.memory_space<vmem>>, vector<16xf32>,
      %mul3A_194 = arith.mulf %get3A_190, %get3A_193 : vector<16xf32>
      %add3A_195 = arith.addf %add3A_187, %mul3A_194 : vector<16xf32>
      %get3A_196 = arith.index_cast %scan3A_172 : i32 to index
      %get3A_197 = arith.constant 48 : index
      %get3A_198 = tpu.vector_load %arg10[%get3A_196, %get3A_197] {strides = array<i32>} : memref<128x64xf32, #tpu.memory_space<vmem>>, vector<16xf32>,
      %get3A_199 = arith.index_cast %scan3A_172 : i32 to index
      %get3A_200 = arith.constant 48 : index
      %get3A_201 = tpu.vector_load %arg11[%get3A_199, %get3A_200] {strides = array<i32>} : memref<128x64xf32, #tpu.memory_space<vmem>>, vector<16xf32>,
      %mul3A_202 = arith.mulf %get3A_198, %get3A_201 : vector<16xf32>
      %add3A_203 = arith.addf %add3A_195, %mul3A_202 : vector<16xf32>
      %swap3A_204 = arith.index_cast %scan3A_172 : i32 to index
      %swap3A_205 = arith.constant 0 : index
      %swap3A_206 = tpu.vector_load %arg14[%swap3A_204, %swap3A_205] {strides = array<i32>} : memref<128x17xf32, #tpu.memory_space<vmem>>, vector<16xf32>,
      tpu.vector_store %arg14[%swap3A_204, %swap3A_205], %add3A_203 {strides = array<i32>} : memref<128x17xf32, #tpu.memory_space<vmem>>, vector<16xf32>,
      %scan3A_207 = arith.constant 0 : i32
      %scan3A_208 = arith.constant 2 : i32
      %scan3A_209 = arith.addi %scan3A_136, %scan3A_208 : i32
      %get3A_210 = arith.index_cast %scan3A_209 : i32 to index
      %get3A_211 = arith.constant 0 : index
      %get3A_212 = tpu.vector_load %arg10[%get3A_210, %get3A_211] {strides = array<i32>} : memref<128x64xf32, #tpu.memory_space<vmem>>, vector<16xf32>,
      %get3A_213 = arith.index_cast %scan3A_209 : i32 to index
      %get3A_214 = arith.constant 0 : index
      %get3A_215 = tpu.vector_load %arg11[%get3A_213, %get3A_214] {strides = array<i32>} : memref<128x64xf32, #tpu.memory_space<vmem>>, vector<16xf32>,
      %mul3A_216 = arith.mulf %get3A_212, %get3A_215 : vector<16xf32>
      %get3A_217 = arith.index_cast %scan3A_209 : i32 to index
      %get3A_218 = arith.constant 16 : index
      %get3A_219 = tpu.vector_load %arg10[%get3A_217, %get3A_218] {strides = array<i32>} : memref<128x64xf32, #tpu.memory_space<vmem>>, vector<16xf32>,
      %get3A_220 = arith.index_cast %scan3A_209 : i32 to index
      %get3A_221 = arith.constant 16 : index
      %get3A_222 = tpu.vector_load %arg11[%get3A_220, %get3A_221] {strides = array<i32>} : memref<128x64xf32, #tpu.memory_space<vmem>>, vector<16xf32>,
      %mul3A_223 = arith.mulf %get3A_219, %get3A_222 : vector<16xf32>
      %add3A_224 = arith.addf %mul3A_216, %mul3A_223 : vector<16xf32>
      %get3A_225 = arith.index_cast %scan3A_209 : i32 to index
      %get3A_226 = arith.constant 32 : index
      %get3A_227 = tpu.vector_load %arg10[%get3A_225, %get3A_226] {strides = array<i32>} : memref<128x64xf32, #tpu.memory_space<vmem>>, vector<16xf32>,
      %get3A_228 = arith.index_cast %scan3A_209 : i32 to index
      %get3A_229 = arith.constant 32 : index
      %get3A_230 = tpu.vector_load %arg11[%get3A_228, %get3A_229] {strides = array<i32>} : memref<128x64xf32, #tpu.memory_space<vmem>>, vector<16xf32>,
      %mul3A_231 = arith.mulf %get3A_227, %get3A_230 : vector<16xf32>
      %add3A_232 = arith.addf %add3A_224, %mul3A_231 : vector<16xf32>
      %get3A_233 = arith.index_cast %scan3A_209 : i32 to index
      %get3A_234 = arith.constant 48 : index
      %get3A_235 = tpu.vector_load %arg10[%get3A_233, %get3A_234] {strides = array<i32>} : memref<128x64xf32, #tpu.memory_space<vmem>>, vector<16xf32>,
      %get3A_236 = arith.index_cast %scan3A_209 : i32 to index
      %get3A_237 = arith.constant 48 : index
      %get3A_238 = tpu.vector_load %arg11[%get3A_236, %get3A_237] {strides = array<i32>} : memref<128x64xf32, #tpu.memory_space<vmem>>, vector<16xf32>,
      %mul3A_239 = arith.mulf %get3A_235, %get3A_238 : vector<16xf32>
      %add3A_240 = arith.addf %add3A_232, %mul3A_239 : vector<16xf32>
      %swap3A_241 = arith.index_cast %scan3A_209 : i32 to index
      %swap3A_242 = arith.constant 0 : index
      %swap3A_243 = tpu.vector_load %arg14[%swap3A_241, %swap3A_242] {strides = array<i32>} : memref<128x17xf32, #tpu.memory_space<vmem>>, vector<16xf32>,
      tpu.vector_store %arg14[%swap3A_241, %swap3A_242], %add3A_240 {strides = array<i32>} : memref<128x17xf32, #tpu.memory_space<vmem>>, vector<16xf32>,
      %scan3A_244 = arith.constant 0 : i32
      %scan3A_245 = arith.constant 3 : i32
      %scan3A_246 = arith.addi %scan3A_136, %scan3A_245 : i32
      %get3A_247 = arith.index_cast %scan3A_246 : i32 to index
      %get3A_248 = arith.constant 0 : index
      %get3A_249 = tpu.vector_load %arg10[%get3A_247, %get3A_248] {strides = array<i32>} : memref<128x64xf32, #tpu.memory_space<vmem>>, vector<16xf32>,
      %get3A_250 = arith.index_cast %scan3A_246 : i32 to index
      %get3A_251 = arith.constant 0 : index
      %get3A_252 = tpu.vector_load %arg11[%get3A_250, %get3A_251] {strides = array<i32>} : memref<128x64xf32, #tpu.memory_space<vmem>>, vector<16xf32>,
      %mul3A_253 = arith.mulf %get3A_249, %get3A_252 : vector<16xf32>
      %get3A_254 = arith.index_cast %scan3A_246 : i32 to index
      %get3A_255 = arith.constant 16 : index
      %get3A_256 = tpu.vector_load %arg10[%get3A_254, %get3A_255] {strides = array<i32>} : memref<128x64xf32, #tpu.memory_space<vmem>>, vector<16xf32>,
      %get3A_257 = arith.index_cast %scan3A_246 : i32 to index
      %get3A_258 = arith.constant 16 : index
      %get3A_259 = tpu.vector_load %arg11[%get3A_257, %get3A_258] {strides = array<i32>} : memref<128x64xf32, #tpu.memory_space<vmem>>, vector<16xf32>,
      %mul3A_260 = arith.mulf %get3A_256, %get3A_259 : vector<16xf32>
      %add3A_261 = arith.addf %mul3A_253, %mul3A_260 : vector<16xf32>
      %get3A_262 = arith.index_cast %scan3A_246 : i32 to index
      %get3A_263 = arith.constant 32 : index
      %get3A_264 = tpu.vector_load %arg10[%get3A_262, %get3A_263] {strides = array<i32>} : memref<128x64xf32, #tpu.memory_space<vmem>>, vector<16xf32>,
      %get3A_265 = arith.index_cast %scan3A_246 : i32 to index
      %get3A_266 = arith.constant 32 : index
      %get3A_267 = tpu.vector_load %arg11[%get3A_265, %get3A_266] {strides = array<i32>} : memref<128x64xf32, #tpu.memory_space<vmem>>, vector<16xf32>,
      %mul3A_268 = arith.mulf %get3A_264, %get3A_267 : vector<16xf32>
      %add3A_269 = arith.addf %add3A_261, %mul3A_268 : vector<16xf32>
      %get3A_270 = arith.index_cast %scan3A_246 : i32 to index
      %get3A_271 = arith.constant 48 : index
      %get3A_272 = tpu.vector_load %arg10[%get3A_270, %get3A_271] {strides = array<i32>} : memref<128x64xf32, #tpu.memory_space<vmem>>, vector<16xf32>,
      %get3A_273 = arith.index_cast %scan3A_246 : i32 to index
      %get3A_274 = arith.constant 48 : index
      %get3A_275 = tpu.vector_load %arg11[%get3A_273, %get3A_274] {strides = array<i32>} : memref<128x64xf32, #tpu.memory_space<vmem>>, vector<16xf32>,
      %mul3A_276 = arith.mulf %get3A_272, %get3A_275 : vector<16xf32>
      %add3A_277 = arith.addf %add3A_269, %mul3A_276 : vector<16xf32>
      %swap3A_278 = arith.index_cast %scan3A_246 : i32 to index
      %swap3A_279 = arith.constant 0 : index
      %swap3A_280 = tpu.vector_load %arg14[%swap3A_278, %swap3A_279] {strides = array<i32>} : memref<128x17xf32, #tpu.memory_space<vmem>>, vector<16xf32>,
      tpu.vector_store %arg14[%swap3A_278, %swap3A_279], %add3A_277 {strides = array<i32>} : memref<128x17xf32, #tpu.memory_space<vmem>>, vector<16xf32>,
      %scan3A_281 = arith.constant 0 : i32
      %scan3A_282 = arith.constant 4 : i32
      %scan3A_283 = arith.addi %scan3A_136, %scan3A_282 : i32
      %get3A_284 = arith.index_cast %scan3A_283 : i32 to index
      %get3A_285 = arith.constant 0 : index
      %get3A_286 = tpu.vector_load %arg10[%get3A_284, %get3A_285] {strides = array<i32>} : memref<128x64xf32, #tpu.memory_space<vmem>>, vector<16xf32>,
      %get3A_287 = arith.index_cast %scan3A_283 : i32 to index
      %get3A_288 = arith.constant 0 : index
      %get3A_289 = tpu.vector_load %arg11[%get3A_287, %get3A_288] {strides = array<i32>} : memref<128x64xf32, #tpu.memory_space<vmem>>, vector<16xf32>,
      %mul3A_290 = arith.mulf %get3A_286, %get3A_289 : vector<16xf32>
      %get3A_291 = arith.index_cast %scan3A_283 : i32 to index
      %get3A_292 = arith.constant 16 : index
      %get3A_293 = tpu.vector_load %arg10[%get3A_291, %get3A_292] {strides = array<i32>} : memref<128x64xf32, #tpu.memory_space<vmem>>, vector<16xf32>,
      %get3A_294 = arith.index_cast %scan3A_283 : i32 to index
      %get3A_295 = arith.constant 16 : index
      %get3A_296 = tpu.vector_load %arg11[%get3A_294, %get3A_295] {strides = array<i32>} : memref<128x64xf32, #tpu.memory_space<vmem>>, vector<16xf32>,
      %mul3A_297 = arith.mulf %get3A_293, %get3A_296 : vector<16xf32>
      %add3A_298 = arith.addf %mul3A_290, %mul3A_297 : vector<16xf32>
      %get3A_299 = arith.index_cast %scan3A_283 : i32 to index
      %get3A_300 = arith.constant 32 : index
      %get3A_301 = tpu.vector_load %arg10[%get3A_299, %get3A_300] {strides = array<i32>} : memref<128x64xf32, #tpu.memory_space<vmem>>, vector<16xf32>,
      %get3A_302 = arith.index_cast %scan3A_283 : i32 to index
      %get3A_303 = arith.constant 32 : index
      %get3A_304 = tpu.vector_load %arg11[%get3A_302, %get3A_303] {strides = array<i32>} : memref<128x64xf32, #tpu.memory_space<vmem>>, vector<16xf32>,
      %mul3A_305 = arith.mulf %get3A_301, %get3A_304 : vector<16xf32>
      %add3A_306 = arith.addf %add3A_298, %mul3A_305 : vector<16xf32>
      %get3A_307 = arith.index_cast %scan3A_283 : i32 to index
      %get3A_308 = arith.constant 48 : index
      %get3A_309 = tpu.vector_load %arg10[%get3A_307, %get3A_308] {strides = array<i32>} : memref<128x64xf32, #tpu.memory_space<vmem>>, vector<16xf32>,
      %get3A_310 = arith.index_cast %scan3A_283 : i32 to index
      %get3A_311 = arith.constant 48 : index
      %get3A_312 = tpu.vector_load %arg11[%get3A_310, %get3A_311] {strides = array<i32>} : memref<128x64xf32, #tpu.memory_space<vmem>>, vector<16xf32>,
      %mul3A_313 = arith.mulf %get3A_309, %get3A_312 : vector<16xf32>
      %add3A_314 = arith.addf %add3A_306, %mul3A_313 : vector<16xf32>
      %swap3A_315 = arith.index_cast %scan3A_283 : i32 to index
      %swap3A_316 = arith.constant 0 : index
      %swap3A_317 = tpu.vector_load %arg14[%swap3A_315, %swap3A_316] {strides = array<i32>} : memref<128x17xf32, #tpu.memory_space<vmem>>, vector<16xf32>,
      tpu.vector_store %arg14[%swap3A_315, %swap3A_316], %add3A_314 {strides = array<i32>} : memref<128x17xf32, #tpu.memory_space<vmem>>, vector<16xf32>,
      %scan3A_318 = arith.constant 0 : i32
      %scan3A_319 = arith.constant 5 : i32
      %scan3A_320 = arith.addi %scan3A_136, %scan3A_319 : i32
      %get3A_321 = arith.index_cast %scan3A_320 : i32 to index
      %get3A_322 = arith.constant 0 : index
      %get3A_323 = tpu.vector_load %arg10[%get3A_321, %get3A_322] {strides = array<i32>} : memref<128x64xf32, #tpu.memory_space<vmem>>, vector<16xf32>,
      %get3A_324 = arith.index_cast %scan3A_320 : i32 to index
      %get3A_325 = arith.constant 0 : index
      %get3A_326 = tpu.vector_load %arg11[%get3A_324, %get3A_325] {strides = array<i32>} : memref<128x64xf32, #tpu.memory_space<vmem>>, vector<16xf32>,
      %mul3A_327 = arith.mulf %get3A_323, %get3A_326 : vector<16xf32>
      %get3A_328 = arith.index_cast %scan3A_320 : i32 to index
      %get3A_329 = arith.constant 16 : index
      %get3A_330 = tpu.vector_load %arg10[%get3A_328, %get3A_329] {strides = array<i32>} : memref<128x64xf32, #tpu.memory_space<vmem>>, vector<16xf32>,
      %get3A_331 = arith.index_cast %scan3A_320 : i32 to index
      %get3A_332 = arith.constant 16 : index
      %get3A_333 = tpu.vector_load %arg11[%get3A_331, %get3A_332] {strides = array<i32>} : memref<128x64xf32, #tpu.memory_space<vmem>>, vector<16xf32>,
      %mul3A_334 = arith.mulf %get3A_330, %get3A_333 : vector<16xf32>
      %add3A_335 = arith.addf %mul3A_327, %mul3A_334 : vector<16xf32>
      %get3A_336 = arith.index_cast %scan3A_320 : i32 to index
      %get3A_337 = arith.constant 32 : index
      %get3A_338 = tpu.vector_load %arg10[%get3A_336, %get3A_337] {strides = array<i32>} : memref<128x64xf32, #tpu.memory_space<vmem>>, vector<16xf32>,
      %get3A_339 = arith.index_cast %scan3A_320 : i32 to index
      %get3A_340 = arith.constant 32 : index
      %get3A_341 = tpu.vector_load %arg11[%get3A_339, %get3A_340] {strides = array<i32>} : memref<128x64xf32, #tpu.memory_space<vmem>>, vector<16xf32>,
      %mul3A_342 = arith.mulf %get3A_338, %get3A_341 : vector<16xf32>
      %add3A_343 = arith.addf %add3A_335, %mul3A_342 : vector<16xf32>
      %get3A_344 = arith.index_cast %scan3A_320 : i32 to index
      %get3A_345 = arith.constant 48 : index
      %get3A_346 = tpu.vector_load %arg10[%get3A_344, %get3A_345] {strides = array<i32>} : memref<128x64xf32, #tpu.memory_space<vmem>>, vector<16xf32>,
      %get3A_347 = arith.index_cast %scan3A_320 : i32 to index
      %get3A_348 = arith.constant 48 : index
      %get3A_349 = tpu.vector_load %arg11[%get3A_347, %get3A_348] {strides = array<i32>} : memref<128x64xf32, #tpu.memory_space<vmem>>, vector<16xf32>,
      %mul3A_350 = arith.mulf %get3A_346, %get3A_349 : vector<16xf32>
      %add3A_351 = arith.addf %add3A_343, %mul3A_350 : vector<16xf32>
      %swap3A_352 = arith.index_cast %scan3A_320 : i32 to index
      %swap3A_353 = arith.constant 0 : index
      %swap3A_354 = tpu.vector_load %arg14[%swap3A_352, %swap3A_353] {strides = array<i32>} : memref<128x17xf32, #tpu.memory_space<vmem>>, vector<16xf32>,
      tpu.vector_store %arg14[%swap3A_352, %swap3A_353], %add3A_351 {strides = array<i32>} : memref<128x17xf32, #tpu.memory_space<vmem>>, vector<16xf32>,
      %scan3A_355 = arith.constant 0 : i32
      %scan3A_356 = arith.constant 6 : i32
      %scan3A_357 = arith.addi %scan3A_136, %scan3A_356 : i32
      %get3A_358 = arith.index_cast %scan3A_357 : i32 to index
      %get3A_359 = arith.constant 0 : index
      %get3A_360 = tpu.vector_load %arg10[%get3A_358, %get3A_359] {strides = array<i32>} : memref<128x64xf32, #tpu.memory_space<vmem>>, vector<16xf32>,
      %get3A_361 = arith.index_cast %scan3A_357 : i32 to index
      %get3A_362 = arith.constant 0 : index
      %get3A_363 = tpu.vector_load %arg11[%get3A_361, %get3A_362] {strides = array<i32>} : memref<128x64xf32, #tpu.memory_space<vmem>>, vector<16xf32>,
      %mul3A_364 = arith.mulf %get3A_360, %get3A_363 : vector<16xf32>
      %get3A_365 = arith.index_cast %scan3A_357 : i32 to index
      %get3A_366 = arith.constant 16 : index
      %get3A_367 = tpu.vector_load %arg10[%get3A_365, %get3A_366] {strides = array<i32>} : memref<128x64xf32, #tpu.memory_space<vmem>>, vector<16xf32>,
      %get3A_368 = arith.index_cast %scan3A_357 : i32 to index
      %get3A_369 = arith.constant 16 : index
      %get3A_370 = tpu.vector_load %arg11[%get3A_368, %get3A_369] {strides = array<i32>} : memref<128x64xf32, #tpu.memory_space<vmem>>, vector<16xf32>,
      %mul3A_371 = arith.mulf %get3A_367, %get3A_370 : vector<16xf32>
      %add3A_372 = arith.addf %mul3A_364, %mul3A_371 : vector<16xf32>
      %get3A_373 = arith.index_cast %scan3A_357 : i32 to index
      %get3A_374 = arith.constant 32 : index
      %get3A_375 = tpu.vector_load %arg10[%get3A_373, %get3A_374] {strides = array<i32>} : memref<128x64xf32, #tpu.memory_space<vmem>>, vector<16xf32>,
      %get3A_376 = arith.index_cast %scan3A_357 : i32 to index
      %get3A_377 = arith.constant 32 : index
      %get3A_378 = tpu.vector_load %arg11[%get3A_376, %get3A_377] {strides = array<i32>} : memref<128x64xf32, #tpu.memory_space<vmem>>, vector<16xf32>,
      %mul3A_379 = arith.mulf %get3A_375, %get3A_378 : vector<16xf32>
      %add3A_380 = arith.addf %add3A_372, %mul3A_379 : vector<16xf32>
      %get3A_381 = arith.index_cast %scan3A_357 : i32 to index
      %get3A_382 = arith.constant 48 : index
      %get3A_383 = tpu.vector_load %arg10[%get3A_381, %get3A_382] {strides = array<i32>} : memref<128x64xf32, #tpu.memory_space<vmem>>, vector<16xf32>,
      %get3A_384 = arith.index_cast %scan3A_357 : i32 to index
      %get3A_385 = arith.constant 48 : index
      %get3A_386 = tpu.vector_load %arg11[%get3A_384, %get3A_385] {strides = array<i32>} : memref<128x64xf32, #tpu.memory_space<vmem>>, vector<16xf32>,
      %mul3A_387 = arith.mulf %get3A_383, %get3A_386 : vector<16xf32>
      %add3A_388 = arith.addf %add3A_380, %mul3A_387 : vector<16xf32>
      %swap3A_389 = arith.index_cast %scan3A_357 : i32 to index
      %swap3A_390 = arith.constant 0 : index
      %swap3A_391 = tpu.vector_load %arg14[%swap3A_389, %swap3A_390] {strides = array<i32>} : memref<128x17xf32, #tpu.memory_space<vmem>>, vector<16xf32>,
      tpu.vector_store %arg14[%swap3A_389, %swap3A_390], %add3A_388 {strides = array<i32>} : memref<128x17xf32, #tpu.memory_space<vmem>>, vector<16xf32>,
      %scan3A_392 = arith.constant 0 : i32
      %scan3A_393 = arith.constant 7 : i32
      %scan3A_394 = arith.addi %scan3A_136, %scan3A_393 : i32
      %get3A_395 = arith.index_cast %scan3A_394 : i32 to index
      %get3A_396 = arith.constant 0 : index
      %get3A_397 = tpu.vector_load %arg10[%get3A_395, %get3A_396] {strides = array<i32>} : memref<128x64xf32, #tpu.memory_space<vmem>>, vector<16xf32>,
      %get3A_398 = arith.index_cast %scan3A_394 : i32 to index
      %get3A_399 = arith.constant 0 : index
      %get3A_400 = tpu.vector_load %arg11[%get3A_398, %get3A_399] {strides = array<i32>} : memref<128x64xf32, #tpu.memory_space<vmem>>, vector<16xf32>,
      %mul3A_401 = arith.mulf %get3A_397, %get3A_400 : vector<16xf32>
      %get3A_402 = arith.index_cast %scan3A_394 : i32 to index
      %get3A_403 = arith.constant 16 : index
      %get3A_404 = tpu.vector_load %arg10[%get3A_402, %get3A_403] {strides = array<i32>} : memref<128x64xf32, #tpu.memory_space<vmem>>, vector<16xf32>,
      %get3A_405 = arith.index_cast %scan3A_394 : i32 to index
      %get3A_406 = arith.constant 16 : index
      %get3A_407 = tpu.vector_load %arg11[%get3A_405, %get3A_406] {strides = array<i32>} : memref<128x64xf32, #tpu.memory_space<vmem>>, vector<16xf32>,
      %mul3A_408 = arith.mulf %get3A_404, %get3A_407 : vector<16xf32>
      %add3A_409 = arith.addf %mul3A_401, %mul3A_408 : vector<16xf32>
      %get3A_410 = arith.index_cast %scan3A_394 : i32 to index
      %get3A_411 = arith.constant 32 : index
      %get3A_412 = tpu.vector_load %arg10[%get3A_410, %get3A_411] {strides = array<i32>} : memref<128x64xf32, #tpu.memory_space<vmem>>, vector<16xf32>,
      %get3A_413 = arith.index_cast %scan3A_394 : i32 to index
      %get3A_414 = arith.constant 32 : index
      %get3A_415 = tpu.vector_load %arg11[%get3A_413, %get3A_414] {strides = array<i32>} : memref<128x64xf32, #tpu.memory_space<vmem>>, vector<16xf32>,
      %mul3A_416 = arith.mulf %get3A_412, %get3A_415 : vector<16xf32>
      %add3A_417 = arith.addf %add3A_409, %mul3A_416 : vector<16xf32>
      %get3A_418 = arith.index_cast %scan3A_394 : i32 to index
      %get3A_419 = arith.constant 48 : index
      %get3A_420 = tpu.vector_load %arg10[%get3A_418, %get3A_419] {strides = array<i32>} : memref<128x64xf32, #tpu.memory_space<vmem>>, vector<16xf32>,
      %get3A_421 = arith.index_cast %scan3A_394 : i32 to index
      %get3A_422 = arith.constant 48 : index
      %get3A_423 = tpu.vector_load %arg11[%get3A_421, %get3A_422] {strides = array<i32>} : memref<128x64xf32, #tpu.memory_space<vmem>>, vector<16xf32>,
      %mul3A_424 = arith.mulf %get3A_420, %get3A_423 : vector<16xf32>
      %add3A_425 = arith.addf %add3A_417, %mul3A_424 : vector<16xf32>
      %swap3A_426 = arith.index_cast %scan3A_394 : i32 to index
      %swap3A_427 = arith.constant 0 : index
      %swap3A_428 = tpu.vector_load %arg14[%swap3A_426, %swap3A_427] {strides = array<i32>} : memref<128x17xf32, #tpu.memory_space<vmem>>, vector<16xf32>,
      tpu.vector_store %arg14[%swap3A_426, %swap3A_427], %add3A_425 {strides = array<i32>} : memref<128x17xf32, #tpu.memory_space<vmem>>, vector<16xf32>,
      %scan3A_429 = arith.constant 0 : i32
      scf.yield %scan3A_429 : i32
    }
    %scan3A_80 = arith.constant 128 : i32
    %scan3A_81 = arith.constant 0 : i32
    %scan3A_82 = arith.constant 0 : i32
    %scan3A_83 = arith.constant 8 : i32
    %scan3A_84 = arith.addi %scan3A_82, %scan3A_83 : i32
    %scan3A_85 = arith.constant 1 : i32
    %scan3A_86 = scf.for %scan3A_136 = %scan3A_82 to %scan3A_84 step %scan3A_85 iter_args(%scan3A_137 = %scan3A_81) -> (i32)  : i32 {
      %mul3A_138 = arith.constant 16 : i32
      %mul3A_139 = arith.muli %scan3A_136, %mul3A_138 : i32
      %add3A_140 = vector.broadcast %mul3A_139 : i32 to vector<16xi32>
      %add3A_141 = arith.addi %add3A_140, %iota3A : vector<16xi32>
      %broadcast_in_dim3A = arith.constant 0 : i32
      %broadcast_in_dim3A_142 = vector.broadcast %broadcast_in_dim3A : i32 to vector<16xi32>
      %gather3A = tpu.vector_load_idx %arg14[%add3A_141, %broadcast_in_dim3A_142] : memref<128x17xf32, #tpu.memory_space<vmem>>[vector<16xi32>, vector<16xi32>], vector<16xf32>,
      %add3A_143 = vector.broadcast %mul3A_139 : i32 to vector<16xi32>
      %add3A_144 = arith.addi %add3A_143, %iota3A : vector<16xi32>
      %broadcast_in_dim3A_145 = arith.constant 1 : i32
      %broadcast_in_dim3A_146 = vector.broadcast %broadcast_in_dim3A_145 : i32 to vector<16xi32>
      %gather3A_147 = tpu.vector_load_idx %arg14[%add3A_144, %broadcast_in_dim3A_146] : memref<128x17xf32, #tpu.memory_space<vmem>>[vector<16xi32>, vector<16xi32>], vector<16xf32>,
      %add3A_148 = arith.addf %gather3A, %gather3A_147 : vector<16xf32>
      %add3A_149 = vector.broadcast %mul3A_139 : i32 to vector<16xi32>
      %add3A_150 = arith.addi %add3A_149, %iota3A : vector<16xi32>
      %broadcast_in_dim3A_151 = arith.constant 2 : i32
      %broadcast_in_dim3A_152 = vector.broadcast %broadcast_in_dim3A_151 : i32 to vector<16xi32>
      %gather3A_153 = tpu.vector_load_idx %arg14[%add3A_150, %broadcast_in_dim3A_152] : memref<128x17xf32, #tpu.memory_space<vmem>>[vector<16xi32>, vector<16xi32>], vector<16xf32>,
      %add3A_154 = arith.addf %add3A_148, %gather3A_153 : vector<16xf32>
      %add3A_155 = vector.broadcast %mul3A_139 : i32 to vector<16xi32>
      %add3A_156 = arith.addi %add3A_155, %iota3A : vector<16xi32>
      %broadcast_in_dim3A_157 = arith.constant 3 : i32
      %broadcast_in_dim3A_158 = vector.broadcast %broadcast_in_dim3A_157 : i32 to vector<16xi32>
      %gather3A_159 = tpu.vector_load_idx %arg14[%add3A_156, %broadcast_in_dim3A_158] : memref<128x17xf32, #tpu.memory_space<vmem>>[vector<16xi32>, vector<16xi32>], vector<16xf32>,
      %add3A_160 = arith.addf %add3A_154, %gather3A_159 : vector<16xf32>
      %add3A_161 = vector.broadcast %mul3A_139 : i32 to vector<16xi32>
      %add3A_162 = arith.addi %add3A_161, %iota3A : vector<16xi32>
      %broadcast_in_dim3A_163 = arith.constant 4 : i32
      %broadcast_in_dim3A_164 = vector.broadcast %broadcast_in_dim3A_163 : i32 to vector<16xi32>
      %gather3A_165 = tpu.vector_load_idx %arg14[%add3A_162, %broadcast_in_dim3A_164] : memref<128x17xf32, #tpu.memory_space<vmem>>[vector<16xi32>, vector<16xi32>], vector<16xf32>,
      %add3A_166 = arith.addf %add3A_160, %gather3A_165 : vector<16xf32>
      %add3A_167 = vector.broadcast %mul3A_139 : i32 to vector<16xi32>
      %add3A_168 = arith.addi %add3A_167, %iota3A : vector<16xi32>
      %broadcast_in_dim3A_169 = arith.constant 5 : i32
      %broadcast_in_dim3A_170 = vector.broadcast %broadcast_in_dim3A_169 : i32 to vector<16xi32>
      %gather3A_171 = tpu.vector_load_idx %arg14[%add3A_168, %broadcast_in_dim3A_170] : memref<128x17xf32, #tpu.memory_space<vmem>>[vector<16xi32>, vector<16xi32>], vector<16xf32>,
      %add3A_172 = arith.addf %add3A_166, %gather3A_171 : vector<16xf32>
      %add3A_173 = vector.broadcast %mul3A_139 : i32 to vector<16xi32>
      %add3A_174 = arith.addi %add3A_173, %iota3A : vector<16xi32>
      %broadcast_in_dim3A_175 = arith.constant 6 : i32
      %broadcast_in_dim3A_176 = vector.broadcast %broadcast_in_dim3A_175 : i32 to vector<16xi32>
      %gather3A_177 = tpu.vector_load_idx %arg14[%add3A_174, %broadcast_in_dim3A_176] : memref<128x17xf32, #tpu.memory_space<vmem>>[vector<16xi32>, vector<16xi32>], vector<16xf32>,
      %add3A_178 = arith.addf %add3A_172, %gather3A_177 : vector<16xf32>
      %add3A_179 = vector.broadcast %mul3A_139 : i32 to vector<16xi32>
      %add3A_180 = arith.addi %add3A_179, %iota3A : vector<16xi32>
      %broadcast_in_dim3A_181 = arith.constant 7 : i32
      %broadcast_in_dim3A_182 = vector.broadcast %broadcast_in_dim3A_181 : i32 to vector<16xi32>
      %gather3A_183 = tpu.vector_load_idx %arg14[%add3A_180, %broadcast_in_dim3A_182] : memref<128x17xf32, #tpu.memory_space<vmem>>[vector<16xi32>, vector<16xi32>], vector<16xf32>,
      %add3A_184 = arith.addf %add3A_178, %gather3A_183 : vector<16xf32>
      %add3A_185 = vector.broadcast %mul3A_139 : i32 to vector<16xi32>
      %add3A_186 = arith.addi %add3A_185, %iota3A : vector<16xi32>
      %broadcast_in_dim3A_187 = arith.constant 8 : i32
      %broadcast_in_dim3A_188 = vector.broadcast %broadcast_in_dim3A_187 : i32 to vector<16xi32>
      %gather3A_189 = tpu.vector_load_idx %arg14[%add3A_186, %broadcast_in_dim3A_188] : memref<128x17xf32, #tpu.memory_space<vmem>>[vector<16xi32>, vector<16xi32>], vector<16xf32>,
      %add3A_190 = arith.addf %add3A_184, %gather3A_189 : vector<16xf32>
      %add3A_191 = vector.broadcast %mul3A_139 : i32 to vector<16xi32>
      %add3A_192 = arith.addi %add3A_191, %iota3A : vector<16xi32>
      %broadcast_in_dim3A_193 = arith.constant 9 : i32
      %broadcast_in_dim3A_194 = vector.broadcast %broadcast_in_dim3A_193 : i32 to vector<16xi32>
      %gather3A_195 = tpu.vector_load_idx %arg14[%add3A_192, %broadcast_in_dim3A_194] : memref<128x17xf32, #tpu.memory_space<vmem>>[vector<16xi32>, vector<16xi32>], vector<16xf32>,
      %add3A_196 = arith.addf %add3A_190, %gather3A_195 : vector<16xf32>
      %add3A_197 = vector.broadcast %mul3A_139 : i32 to vector<16xi32>
      %add3A_198 = arith.addi %add3A_197, %iota3A : vector<16xi32>
      %broadcast_in_dim3A_199 = arith.constant 10 : i32
      %broadcast_in_dim3A_200 = vector.broadcast %broadcast_in_dim3A_199 : i32 to vector<16xi32>
      %gather3A_201 = tpu.vector_load_idx %arg14[%add3A_198, %broadcast_in_dim3A_200] : memref<128x17xf32, #tpu.memory_space<vmem>>[vector<16xi32>, vector<16xi32>], vector<16xf32>,
      %add3A_202 = arith.addf %add3A_196, %gather3A_201 : vector<16xf32>
      %add3A_203 = vector.broadcast %mul3A_139 : i32 to vector<16xi32>
      %add3A_204 = arith.addi %add3A_203, %iota3A : vector<16xi32>
      %broadcast_in_dim3A_205 = arith.constant 11 : i32
      %broadcast_in_dim3A_206 = vector.broadcast %broadcast_in_dim3A_205 : i32 to vector<16xi32>
      %gather3A_207 = tpu.vector_load_idx %arg14[%add3A_204, %broadcast_in_dim3A_206] : memref<128x17xf32, #tpu.memory_space<vmem>>[vector<16xi32>, vector<16xi32>], vector<16xf32>,
      %add3A_208 = arith.addf %add3A_202, %gather3A_207 : vector<16xf32>
      %add3A_209 = vector.broadcast %mul3A_139 : i32 to vector<16xi32>
      %add3A_210 = arith.addi %add3A_209, %iota3A : vector<16xi32>
      %broadcast_in_dim3A_211 = arith.constant 12 : i32
      %broadcast_in_dim3A_212 = vector.broadcast %broadcast_in_dim3A_211 : i32 to vector<16xi32>
      %gather3A_213 = tpu.vector_load_idx %arg14[%add3A_210, %broadcast_in_dim3A_212] : memref<128x17xf32, #tpu.memory_space<vmem>>[vector<16xi32>, vector<16xi32>], vector<16xf32>,
      %add3A_214 = arith.addf %add3A_208, %gather3A_213 : vector<16xf32>
      %add3A_215 = vector.broadcast %mul3A_139 : i32 to vector<16xi32>
      %add3A_216 = arith.addi %add3A_215, %iota3A : vector<16xi32>
      %broadcast_in_dim3A_217 = arith.constant 13 : i32
      %broadcast_in_dim3A_218 = vector.broadcast %broadcast_in_dim3A_217 : i32 to vector<16xi32>
      %gather3A_219 = tpu.vector_load_idx %arg14[%add3A_216, %broadcast_in_dim3A_218] : memref<128x17xf32, #tpu.memory_space<vmem>>[vector<16xi32>, vector<16xi32>], vector<16xf32>,
      %add3A_220 = arith.addf %add3A_214, %gather3A_219 : vector<16xf32>
      %add3A_221 = vector.broadcast %mul3A_139 : i32 to vector<16xi32>
      %add3A_222 = arith.addi %add3A_221, %iota3A : vector<16xi32>
      %broadcast_in_dim3A_223 = arith.constant 14 : i32
      %broadcast_in_dim3A_224 = vector.broadcast %broadcast_in_dim3A_223 : i32 to vector<16xi32>
      %gather3A_225 = tpu.vector_load_idx %arg14[%add3A_222, %broadcast_in_dim3A_224] : memref<128x17xf32, #tpu.memory_space<vmem>>[vector<16xi32>, vector<16xi32>], vector<16xf32>,
      %add3A_226 = arith.addf %add3A_220, %gather3A_225 : vector<16xf32>
      %add3A_227 = vector.broadcast %mul3A_139 : i32 to vector<16xi32>
      %add3A_228 = arith.addi %add3A_227, %iota3A : vector<16xi32>
      %broadcast_in_dim3A_229 = arith.constant 15 : i32
      %broadcast_in_dim3A_230 = vector.broadcast %broadcast_in_dim3A_229 : i32 to vector<16xi32>
      %gather3A_231 = tpu.vector_load_idx %arg14[%add3A_228, %broadcast_in_dim3A_230] : memref<128x17xf32, #tpu.memory_space<vmem>>[vector<16xi32>, vector<16xi32>], vector<16xf32>,
      %add3A_232 = arith.addf %add3A_226, %gather3A_231 : vector<16xf32>
      %neg3A = arith.constant 0.000000e+00 : f32
      %neg3A_233 = vector.broadcast %neg3A : f32 to vector<16xf32>
      %neg3A_234 = arith.subf %neg3A_233, %add3A_232 : vector<16xf32>
      %exp3A = math.exp %neg3A_234 : vector<16xf32>
      %add3A_235 = arith.constant 1.000000e+00 : f32
      %add3A_236 = vector.broadcast %add3A_235 : f32 to vector<16xf32>
      %add3A_237 = arith.addf %add3A_236, %exp3A : vector<16xf32>
      %div3A = arith.constant 1.000000e+00 : f32
      %div3A_238 = vector.broadcast %div3A : f32 to vector<16xf32>
      %div3A_239 = arith.divf %div3A_238, %add3A_237 : vector<16xf32>
      %add3A_240 = arith.constant 128 : i32
      %add3A_241 = arith.addi %add3A_240, %mul3A_139 : i32
      %swap3A = arith.index_cast %add3A_241 : i32 to index
      %swap3A_242 = tpu.vector_load %arg15[%swap3A] {strides = array<i32>} : memref<512xf32, #tpu.memory_space<vmem>>, vector<16xf32>,
      tpu.vector_store %arg15[%swap3A], %div3A_239 {strides = array<i32>} : memref<512xf32, #tpu.memory_space<vmem>>, vector<16xf32>,
      %scan3A_243 = arith.constant 0 : i32
      scf.yield %scan3A_243 : i32
    }
    %scan3A_87 = arith.constant 8 : i32
    %dma_wait3A_88 = arith.constant 256 : i32
    %dma_wait3A_89 = tpu.memref_slice %arg6[%dma_wait3A_88] : memref<512xi32, #tpu.memory_space<vmem>> -> memref<128xi32, #tpu.memory_space<vmem>>
    %dma_wait3A_90 = arith.constant 0 : i32
    %dma_wait3A_91 = arith.constant 0 : i32
    %dma_wait3A_92 = tpu.memref_slice %arg2[%dma_wait3A_90, %dma_wait3A_91] : memref<200000x64xf32, #tpu.memory_space<hbm>> -> memref<200000x64xf32, #tpu.memory_space<hbm>>
    tpu.wait_indirect_dma semaphore(%arg20 : memref<!tpu.dma_semaphore, #tpu.memory_space<semaphore_mem>>) src(%dma_wait3A_92 : memref<200000x64xf32, #tpu.memory_space<hbm>>) dst(%arg12 : memref<128x64xf32, #tpu.memory_space<vmem>>)
    %dma_wait3A_93 = arith.constant 256 : i32
    %dma_wait3A_94 = tpu.memref_slice %arg7[%dma_wait3A_93] : memref<512xi32, #tpu.memory_space<vmem>> -> memref<128xi32, #tpu.memory_space<vmem>>
    %dma_wait3A_95 = arith.constant 0 : i32
    %dma_wait3A_96 = arith.constant 0 : i32
    %dma_wait3A_97 = tpu.memref_slice %arg2[%dma_wait3A_95, %dma_wait3A_96] : memref<200000x64xf32, #tpu.memory_space<hbm>> -> memref<200000x64xf32, #tpu.memory_space<hbm>>
    tpu.wait_indirect_dma semaphore(%arg21 : memref<!tpu.dma_semaphore, #tpu.memory_space<semaphore_mem>>) src(%dma_wait3A_97 : memref<200000x64xf32, #tpu.memory_space<hbm>>) dst(%arg13 : memref<128x64xf32, #tpu.memory_space<vmem>>)
    %scan3A_98 = arith.constant 0 : i32
    %scan3A_99 = arith.constant 0 : i32
    %scan3A_100 = arith.constant 128 : i32
    %scan3A_101 = arith.addi %scan3A_99, %scan3A_100 : i32
    %scan3A_102 = arith.constant 8 : i32
    %scan3A_103 = scf.for %scan3A_136 = %scan3A_99 to %scan3A_101 step %scan3A_102 iter_args(%scan3A_137 = %scan3A_98) -> (i32)  : i32 {
      %get3A = arith.index_cast %scan3A_136 : i32 to index
      %get3A_138 = arith.constant 0 : index
      %get3A_139 = tpu.vector_load %arg12[%get3A, %get3A_138] {strides = array<i32>} : memref<128x64xf32, #tpu.memory_space<vmem>>, vector<16xf32>,
      %get3A_140 = arith.index_cast %scan3A_136 : i32 to index
      %get3A_141 = arith.constant 0 : index
      %get3A_142 = tpu.vector_load %arg13[%get3A_140, %get3A_141] {strides = array<i32>} : memref<128x64xf32, #tpu.memory_space<vmem>>, vector<16xf32>,
      %mul3A_143 = arith.mulf %get3A_139, %get3A_142 : vector<16xf32>
      %get3A_144 = arith.index_cast %scan3A_136 : i32 to index
      %get3A_145 = arith.constant 16 : index
      %get3A_146 = tpu.vector_load %arg12[%get3A_144, %get3A_145] {strides = array<i32>} : memref<128x64xf32, #tpu.memory_space<vmem>>, vector<16xf32>,
      %get3A_147 = arith.index_cast %scan3A_136 : i32 to index
      %get3A_148 = arith.constant 16 : index
      %get3A_149 = tpu.vector_load %arg13[%get3A_147, %get3A_148] {strides = array<i32>} : memref<128x64xf32, #tpu.memory_space<vmem>>, vector<16xf32>,
      %mul3A_150 = arith.mulf %get3A_146, %get3A_149 : vector<16xf32>
      %add3A_151 = arith.addf %mul3A_143, %mul3A_150 : vector<16xf32>
      %get3A_152 = arith.index_cast %scan3A_136 : i32 to index
      %get3A_153 = arith.constant 32 : index
      %get3A_154 = tpu.vector_load %arg12[%get3A_152, %get3A_153] {strides = array<i32>} : memref<128x64xf32, #tpu.memory_space<vmem>>, vector<16xf32>,
      %get3A_155 = arith.index_cast %scan3A_136 : i32 to index
      %get3A_156 = arith.constant 32 : index
      %get3A_157 = tpu.vector_load %arg13[%get3A_155, %get3A_156] {strides = array<i32>} : memref<128x64xf32, #tpu.memory_space<vmem>>, vector<16xf32>,
      %mul3A_158 = arith.mulf %get3A_154, %get3A_157 : vector<16xf32>
      %add3A_159 = arith.addf %add3A_151, %mul3A_158 : vector<16xf32>
      %get3A_160 = arith.index_cast %scan3A_136 : i32 to index
      %get3A_161 = arith.constant 48 : index
      %get3A_162 = tpu.vector_load %arg12[%get3A_160, %get3A_161] {strides = array<i32>} : memref<128x64xf32, #tpu.memory_space<vmem>>, vector<16xf32>,
      %get3A_163 = arith.index_cast %scan3A_136 : i32 to index
      %get3A_164 = arith.constant 48 : index
      %get3A_165 = tpu.vector_load %arg13[%get3A_163, %get3A_164] {strides = array<i32>} : memref<128x64xf32, #tpu.memory_space<vmem>>, vector<16xf32>,
      %mul3A_166 = arith.mulf %get3A_162, %get3A_165 : vector<16xf32>
      %add3A_167 = arith.addf %add3A_159, %mul3A_166 : vector<16xf32>
      %swap3A = arith.index_cast %scan3A_136 : i32 to index
      %swap3A_168 = arith.constant 0 : index
      %swap3A_169 = tpu.vector_load %arg14[%swap3A, %swap3A_168] {strides = array<i32>} : memref<128x17xf32, #tpu.memory_space<vmem>>, vector<16xf32>,
      tpu.vector_store %arg14[%swap3A, %swap3A_168], %add3A_167 {strides = array<i32>} : memref<128x17xf32, #tpu.memory_space<vmem>>, vector<16xf32>,
      %scan3A_170 = arith.constant 0 : i32
      %scan3A_171 = arith.constant 1 : i32
      %scan3A_172 = arith.addi %scan3A_136, %scan3A_171 : i32
      %get3A_173 = arith.index_cast %scan3A_172 : i32 to index
      %get3A_174 = arith.constant 0 : index
      %get3A_175 = tpu.vector_load %arg12[%get3A_173, %get3A_174] {strides = array<i32>} : memref<128x64xf32, #tpu.memory_space<vmem>>, vector<16xf32>,
      %get3A_176 = arith.index_cast %scan3A_172 : i32 to index
      %get3A_177 = arith.constant 0 : index
      %get3A_178 = tpu.vector_load %arg13[%get3A_176, %get3A_177] {strides = array<i32>} : memref<128x64xf32, #tpu.memory_space<vmem>>, vector<16xf32>,
      %mul3A_179 = arith.mulf %get3A_175, %get3A_178 : vector<16xf32>
      %get3A_180 = arith.index_cast %scan3A_172 : i32 to index
      %get3A_181 = arith.constant 16 : index
      %get3A_182 = tpu.vector_load %arg12[%get3A_180, %get3A_181] {strides = array<i32>} : memref<128x64xf32, #tpu.memory_space<vmem>>, vector<16xf32>,
      %get3A_183 = arith.index_cast %scan3A_172 : i32 to index
      %get3A_184 = arith.constant 16 : index
      %get3A_185 = tpu.vector_load %arg13[%get3A_183, %get3A_184] {strides = array<i32>} : memref<128x64xf32, #tpu.memory_space<vmem>>, vector<16xf32>,
      %mul3A_186 = arith.mulf %get3A_182, %get3A_185 : vector<16xf32>
      %add3A_187 = arith.addf %mul3A_179, %mul3A_186 : vector<16xf32>
      %get3A_188 = arith.index_cast %scan3A_172 : i32 to index
      %get3A_189 = arith.constant 32 : index
      %get3A_190 = tpu.vector_load %arg12[%get3A_188, %get3A_189] {strides = array<i32>} : memref<128x64xf32, #tpu.memory_space<vmem>>, vector<16xf32>,
      %get3A_191 = arith.index_cast %scan3A_172 : i32 to index
      %get3A_192 = arith.constant 32 : index
      %get3A_193 = tpu.vector_load %arg13[%get3A_191, %get3A_192] {strides = array<i32>} : memref<128x64xf32, #tpu.memory_space<vmem>>, vector<16xf32>,
      %mul3A_194 = arith.mulf %get3A_190, %get3A_193 : vector<16xf32>
      %add3A_195 = arith.addf %add3A_187, %mul3A_194 : vector<16xf32>
      %get3A_196 = arith.index_cast %scan3A_172 : i32 to index
      %get3A_197 = arith.constant 48 : index
      %get3A_198 = tpu.vector_load %arg12[%get3A_196, %get3A_197] {strides = array<i32>} : memref<128x64xf32, #tpu.memory_space<vmem>>, vector<16xf32>,
      %get3A_199 = arith.index_cast %scan3A_172 : i32 to index
      %get3A_200 = arith.constant 48 : index
      %get3A_201 = tpu.vector_load %arg13[%get3A_199, %get3A_200] {strides = array<i32>} : memref<128x64xf32, #tpu.memory_space<vmem>>, vector<16xf32>,
      %mul3A_202 = arith.mulf %get3A_198, %get3A_201 : vector<16xf32>
      %add3A_203 = arith.addf %add3A_195, %mul3A_202 : vector<16xf32>
      %swap3A_204 = arith.index_cast %scan3A_172 : i32 to index
      %swap3A_205 = arith.constant 0 : index
      %swap3A_206 = tpu.vector_load %arg14[%swap3A_204, %swap3A_205] {strides = array<i32>} : memref<128x17xf32, #tpu.memory_space<vmem>>, vector<16xf32>,
      tpu.vector_store %arg14[%swap3A_204, %swap3A_205], %add3A_203 {strides = array<i32>} : memref<128x17xf32, #tpu.memory_space<vmem>>, vector<16xf32>,
      %scan3A_207 = arith.constant 0 : i32
      %scan3A_208 = arith.constant 2 : i32
      %scan3A_209 = arith.addi %scan3A_136, %scan3A_208 : i32
      %get3A_210 = arith.index_cast %scan3A_209 : i32 to index
      %get3A_211 = arith.constant 0 : index
      %get3A_212 = tpu.vector_load %arg12[%get3A_210, %get3A_211] {strides = array<i32>} : memref<128x64xf32, #tpu.memory_space<vmem>>, vector<16xf32>,
      %get3A_213 = arith.index_cast %scan3A_209 : i32 to index
      %get3A_214 = arith.constant 0 : index
      %get3A_215 = tpu.vector_load %arg13[%get3A_213, %get3A_214] {strides = array<i32>} : memref<128x64xf32, #tpu.memory_space<vmem>>, vector<16xf32>,
      %mul3A_216 = arith.mulf %get3A_212, %get3A_215 : vector<16xf32>
      %get3A_217 = arith.index_cast %scan3A_209 : i32 to index
      %get3A_218 = arith.constant 16 : index
      %get3A_219 = tpu.vector_load %arg12[%get3A_217, %get3A_218] {strides = array<i32>} : memref<128x64xf32, #tpu.memory_space<vmem>>, vector<16xf32>,
      %get3A_220 = arith.index_cast %scan3A_209 : i32 to index
      %get3A_221 = arith.constant 16 : index
      %get3A_222 = tpu.vector_load %arg13[%get3A_220, %get3A_221] {strides = array<i32>} : memref<128x64xf32, #tpu.memory_space<vmem>>, vector<16xf32>,
      %mul3A_223 = arith.mulf %get3A_219, %get3A_222 : vector<16xf32>
      %add3A_224 = arith.addf %mul3A_216, %mul3A_223 : vector<16xf32>
      %get3A_225 = arith.index_cast %scan3A_209 : i32 to index
      %get3A_226 = arith.constant 32 : index
      %get3A_227 = tpu.vector_load %arg12[%get3A_225, %get3A_226] {strides = array<i32>} : memref<128x64xf32, #tpu.memory_space<vmem>>, vector<16xf32>,
      %get3A_228 = arith.index_cast %scan3A_209 : i32 to index
      %get3A_229 = arith.constant 32 : index
      %get3A_230 = tpu.vector_load %arg13[%get3A_228, %get3A_229] {strides = array<i32>} : memref<128x64xf32, #tpu.memory_space<vmem>>, vector<16xf32>,
      %mul3A_231 = arith.mulf %get3A_227, %get3A_230 : vector<16xf32>
      %add3A_232 = arith.addf %add3A_224, %mul3A_231 : vector<16xf32>
      %get3A_233 = arith.index_cast %scan3A_209 : i32 to index
      %get3A_234 = arith.constant 48 : index
      %get3A_235 = tpu.vector_load %arg12[%get3A_233, %get3A_234] {strides = array<i32>} : memref<128x64xf32, #tpu.memory_space<vmem>>, vector<16xf32>,
      %get3A_236 = arith.index_cast %scan3A_209 : i32 to index
      %get3A_237 = arith.constant 48 : index
      %get3A_238 = tpu.vector_load %arg13[%get3A_236, %get3A_237] {strides = array<i32>} : memref<128x64xf32, #tpu.memory_space<vmem>>, vector<16xf32>,
      %mul3A_239 = arith.mulf %get3A_235, %get3A_238 : vector<16xf32>
      %add3A_240 = arith.addf %add3A_232, %mul3A_239 : vector<16xf32>
      %swap3A_241 = arith.index_cast %scan3A_209 : i32 to index
      %swap3A_242 = arith.constant 0 : index
      %swap3A_243 = tpu.vector_load %arg14[%swap3A_241, %swap3A_242] {strides = array<i32>} : memref<128x17xf32, #tpu.memory_space<vmem>>, vector<16xf32>,
      tpu.vector_store %arg14[%swap3A_241, %swap3A_242], %add3A_240 {strides = array<i32>} : memref<128x17xf32, #tpu.memory_space<vmem>>, vector<16xf32>,
      %scan3A_244 = arith.constant 0 : i32
      %scan3A_245 = arith.constant 3 : i32
      %scan3A_246 = arith.addi %scan3A_136, %scan3A_245 : i32
      %get3A_247 = arith.index_cast %scan3A_246 : i32 to index
      %get3A_248 = arith.constant 0 : index
      %get3A_249 = tpu.vector_load %arg12[%get3A_247, %get3A_248] {strides = array<i32>} : memref<128x64xf32, #tpu.memory_space<vmem>>, vector<16xf32>,
      %get3A_250 = arith.index_cast %scan3A_246 : i32 to index
      %get3A_251 = arith.constant 0 : index
      %get3A_252 = tpu.vector_load %arg13[%get3A_250, %get3A_251] {strides = array<i32>} : memref<128x64xf32, #tpu.memory_space<vmem>>, vector<16xf32>,
      %mul3A_253 = arith.mulf %get3A_249, %get3A_252 : vector<16xf32>
      %get3A_254 = arith.index_cast %scan3A_246 : i32 to index
      %get3A_255 = arith.constant 16 : index
      %get3A_256 = tpu.vector_load %arg12[%get3A_254, %get3A_255] {strides = array<i32>} : memref<128x64xf32, #tpu.memory_space<vmem>>, vector<16xf32>,
      %get3A_257 = arith.index_cast %scan3A_246 : i32 to index
      %get3A_258 = arith.constant 16 : index
      %get3A_259 = tpu.vector_load %arg13[%get3A_257, %get3A_258] {strides = array<i32>} : memref<128x64xf32, #tpu.memory_space<vmem>>, vector<16xf32>,
      %mul3A_260 = arith.mulf %get3A_256, %get3A_259 : vector<16xf32>
      %add3A_261 = arith.addf %mul3A_253, %mul3A_260 : vector<16xf32>
      %get3A_262 = arith.index_cast %scan3A_246 : i32 to index
      %get3A_263 = arith.constant 32 : index
      %get3A_264 = tpu.vector_load %arg12[%get3A_262, %get3A_263] {strides = array<i32>} : memref<128x64xf32, #tpu.memory_space<vmem>>, vector<16xf32>,
      %get3A_265 = arith.index_cast %scan3A_246 : i32 to index
      %get3A_266 = arith.constant 32 : index
      %get3A_267 = tpu.vector_load %arg13[%get3A_265, %get3A_266] {strides = array<i32>} : memref<128x64xf32, #tpu.memory_space<vmem>>, vector<16xf32>,
      %mul3A_268 = arith.mulf %get3A_264, %get3A_267 : vector<16xf32>
      %add3A_269 = arith.addf %add3A_261, %mul3A_268 : vector<16xf32>
      %get3A_270 = arith.index_cast %scan3A_246 : i32 to index
      %get3A_271 = arith.constant 48 : index
      %get3A_272 = tpu.vector_load %arg12[%get3A_270, %get3A_271] {strides = array<i32>} : memref<128x64xf32, #tpu.memory_space<vmem>>, vector<16xf32>,
      %get3A_273 = arith.index_cast %scan3A_246 : i32 to index
      %get3A_274 = arith.constant 48 : index
      %get3A_275 = tpu.vector_load %arg13[%get3A_273, %get3A_274] {strides = array<i32>} : memref<128x64xf32, #tpu.memory_space<vmem>>, vector<16xf32>,
      %mul3A_276 = arith.mulf %get3A_272, %get3A_275 : vector<16xf32>
      %add3A_277 = arith.addf %add3A_269, %mul3A_276 : vector<16xf32>
      %swap3A_278 = arith.index_cast %scan3A_246 : i32 to index
      %swap3A_279 = arith.constant 0 : index
      %swap3A_280 = tpu.vector_load %arg14[%swap3A_278, %swap3A_279] {strides = array<i32>} : memref<128x17xf32, #tpu.memory_space<vmem>>, vector<16xf32>,
      tpu.vector_store %arg14[%swap3A_278, %swap3A_279], %add3A_277 {strides = array<i32>} : memref<128x17xf32, #tpu.memory_space<vmem>>, vector<16xf32>,
      %scan3A_281 = arith.constant 0 : i32
      %scan3A_282 = arith.constant 4 : i32
      %scan3A_283 = arith.addi %scan3A_136, %scan3A_282 : i32
      %get3A_284 = arith.index_cast %scan3A_283 : i32 to index
      %get3A_285 = arith.constant 0 : index
      %get3A_286 = tpu.vector_load %arg12[%get3A_284, %get3A_285] {strides = array<i32>} : memref<128x64xf32, #tpu.memory_space<vmem>>, vector<16xf32>,
      %get3A_287 = arith.index_cast %scan3A_283 : i32 to index
      %get3A_288 = arith.constant 0 : index
      %get3A_289 = tpu.vector_load %arg13[%get3A_287, %get3A_288] {strides = array<i32>} : memref<128x64xf32, #tpu.memory_space<vmem>>, vector<16xf32>,
      %mul3A_290 = arith.mulf %get3A_286, %get3A_289 : vector<16xf32>
      %get3A_291 = arith.index_cast %scan3A_283 : i32 to index
      %get3A_292 = arith.constant 16 : index
      %get3A_293 = tpu.vector_load %arg12[%get3A_291, %get3A_292] {strides = array<i32>} : memref<128x64xf32, #tpu.memory_space<vmem>>, vector<16xf32>,
      %get3A_294 = arith.index_cast %scan3A_283 : i32 to index
      %get3A_295 = arith.constant 16 : index
      %get3A_296 = tpu.vector_load %arg13[%get3A_294, %get3A_295] {strides = array<i32>} : memref<128x64xf32, #tpu.memory_space<vmem>>, vector<16xf32>,
      %mul3A_297 = arith.mulf %get3A_293, %get3A_296 : vector<16xf32>
      %add3A_298 = arith.addf %mul3A_290, %mul3A_297 : vector<16xf32>
      %get3A_299 = arith.index_cast %scan3A_283 : i32 to index
      %get3A_300 = arith.constant 32 : index
      %get3A_301 = tpu.vector_load %arg12[%get3A_299, %get3A_300] {strides = array<i32>} : memref<128x64xf32, #tpu.memory_space<vmem>>, vector<16xf32>,
      %get3A_302 = arith.index_cast %scan3A_283 : i32 to index
      %get3A_303 = arith.constant 32 : index
      %get3A_304 = tpu.vector_load %arg13[%get3A_302, %get3A_303] {strides = array<i32>} : memref<128x64xf32, #tpu.memory_space<vmem>>, vector<16xf32>,
      %mul3A_305 = arith.mulf %get3A_301, %get3A_304 : vector<16xf32>
      %add3A_306 = arith.addf %add3A_298, %mul3A_305 : vector<16xf32>
      %get3A_307 = arith.index_cast %scan3A_283 : i32 to index
      %get3A_308 = arith.constant 48 : index
      %get3A_309 = tpu.vector_load %arg12[%get3A_307, %get3A_308] {strides = array<i32>} : memref<128x64xf32, #tpu.memory_space<vmem>>, vector<16xf32>,
      %get3A_310 = arith.index_cast %scan3A_283 : i32 to index
      %get3A_311 = arith.constant 48 : index
      %get3A_312 = tpu.vector_load %arg13[%get3A_310, %get3A_311] {strides = array<i32>} : memref<128x64xf32, #tpu.memory_space<vmem>>, vector<16xf32>,
      %mul3A_313 = arith.mulf %get3A_309, %get3A_312 : vector<16xf32>
      %add3A_314 = arith.addf %add3A_306, %mul3A_313 : vector<16xf32>
      %swap3A_315 = arith.index_cast %scan3A_283 : i32 to index
      %swap3A_316 = arith.constant 0 : index
      %swap3A_317 = tpu.vector_load %arg14[%swap3A_315, %swap3A_316] {strides = array<i32>} : memref<128x17xf32, #tpu.memory_space<vmem>>, vector<16xf32>,
      tpu.vector_store %arg14[%swap3A_315, %swap3A_316], %add3A_314 {strides = array<i32>} : memref<128x17xf32, #tpu.memory_space<vmem>>, vector<16xf32>,
      %scan3A_318 = arith.constant 0 : i32
      %scan3A_319 = arith.constant 5 : i32
      %scan3A_320 = arith.addi %scan3A_136, %scan3A_319 : i32
      %get3A_321 = arith.index_cast %scan3A_320 : i32 to index
      %get3A_322 = arith.constant 0 : index
      %get3A_323 = tpu.vector_load %arg12[%get3A_321, %get3A_322] {strides = array<i32>} : memref<128x64xf32, #tpu.memory_space<vmem>>, vector<16xf32>,
      %get3A_324 = arith.index_cast %scan3A_320 : i32 to index
      %get3A_325 = arith.constant 0 : index
      %get3A_326 = tpu.vector_load %arg13[%get3A_324, %get3A_325] {strides = array<i32>} : memref<128x64xf32, #tpu.memory_space<vmem>>, vector<16xf32>,
      %mul3A_327 = arith.mulf %get3A_323, %get3A_326 : vector<16xf32>
      %get3A_328 = arith.index_cast %scan3A_320 : i32 to index
      %get3A_329 = arith.constant 16 : index
      %get3A_330 = tpu.vector_load %arg12[%get3A_328, %get3A_329] {strides = array<i32>} : memref<128x64xf32, #tpu.memory_space<vmem>>, vector<16xf32>,
      %get3A_331 = arith.index_cast %scan3A_320 : i32 to index
      %get3A_332 = arith.constant 16 : index
      %get3A_333 = tpu.vector_load %arg13[%get3A_331, %get3A_332] {strides = array<i32>} : memref<128x64xf32, #tpu.memory_space<vmem>>, vector<16xf32>,
      %mul3A_334 = arith.mulf %get3A_330, %get3A_333 : vector<16xf32>
      %add3A_335 = arith.addf %mul3A_327, %mul3A_334 : vector<16xf32>
      %get3A_336 = arith.index_cast %scan3A_320 : i32 to index
      %get3A_337 = arith.constant 32 : index
      %get3A_338 = tpu.vector_load %arg12[%get3A_336, %get3A_337] {strides = array<i32>} : memref<128x64xf32, #tpu.memory_space<vmem>>, vector<16xf32>,
      %get3A_339 = arith.index_cast %scan3A_320 : i32 to index
      %get3A_340 = arith.constant 32 : index
      %get3A_341 = tpu.vector_load %arg13[%get3A_339, %get3A_340] {strides = array<i32>} : memref<128x64xf32, #tpu.memory_space<vmem>>, vector<16xf32>,
      %mul3A_342 = arith.mulf %get3A_338, %get3A_341 : vector<16xf32>
      %add3A_343 = arith.addf %add3A_335, %mul3A_342 : vector<16xf32>
      %get3A_344 = arith.index_cast %scan3A_320 : i32 to index
      %get3A_345 = arith.constant 48 : index
      %get3A_346 = tpu.vector_load %arg12[%get3A_344, %get3A_345] {strides = array<i32>} : memref<128x64xf32, #tpu.memory_space<vmem>>, vector<16xf32>,
      %get3A_347 = arith.index_cast %scan3A_320 : i32 to index
      %get3A_348 = arith.constant 48 : index
      %get3A_349 = tpu.vector_load %arg13[%get3A_347, %get3A_348] {strides = array<i32>} : memref<128x64xf32, #tpu.memory_space<vmem>>, vector<16xf32>,
      %mul3A_350 = arith.mulf %get3A_346, %get3A_349 : vector<16xf32>
      %add3A_351 = arith.addf %add3A_343, %mul3A_350 : vector<16xf32>
      %swap3A_352 = arith.index_cast %scan3A_320 : i32 to index
      %swap3A_353 = arith.constant 0 : index
      %swap3A_354 = tpu.vector_load %arg14[%swap3A_352, %swap3A_353] {strides = array<i32>} : memref<128x17xf32, #tpu.memory_space<vmem>>, vector<16xf32>,
      tpu.vector_store %arg14[%swap3A_352, %swap3A_353], %add3A_351 {strides = array<i32>} : memref<128x17xf32, #tpu.memory_space<vmem>>, vector<16xf32>,
      %scan3A_355 = arith.constant 0 : i32
      %scan3A_356 = arith.constant 6 : i32
      %scan3A_357 = arith.addi %scan3A_136, %scan3A_356 : i32
      %get3A_358 = arith.index_cast %scan3A_357 : i32 to index
      %get3A_359 = arith.constant 0 : index
      %get3A_360 = tpu.vector_load %arg12[%get3A_358, %get3A_359] {strides = array<i32>} : memref<128x64xf32, #tpu.memory_space<vmem>>, vector<16xf32>,
      %get3A_361 = arith.index_cast %scan3A_357 : i32 to index
      %get3A_362 = arith.constant 0 : index
      %get3A_363 = tpu.vector_load %arg13[%get3A_361, %get3A_362] {strides = array<i32>} : memref<128x64xf32, #tpu.memory_space<vmem>>, vector<16xf32>,
      %mul3A_364 = arith.mulf %get3A_360, %get3A_363 : vector<16xf32>
      %get3A_365 = arith.index_cast %scan3A_357 : i32 to index
      %get3A_366 = arith.constant 16 : index
      %get3A_367 = tpu.vector_load %arg12[%get3A_365, %get3A_366] {strides = array<i32>} : memref<128x64xf32, #tpu.memory_space<vmem>>, vector<16xf32>,
      %get3A_368 = arith.index_cast %scan3A_357 : i32 to index
      %get3A_369 = arith.constant 16 : index
      %get3A_370 = tpu.vector_load %arg13[%get3A_368, %get3A_369] {strides = array<i32>} : memref<128x64xf32, #tpu.memory_space<vmem>>, vector<16xf32>,
      %mul3A_371 = arith.mulf %get3A_367, %get3A_370 : vector<16xf32>
      %add3A_372 = arith.addf %mul3A_364, %mul3A_371 : vector<16xf32>
      %get3A_373 = arith.index_cast %scan3A_357 : i32 to index
      %get3A_374 = arith.constant 32 : index
      %get3A_375 = tpu.vector_load %arg12[%get3A_373, %get3A_374] {strides = array<i32>} : memref<128x64xf32, #tpu.memory_space<vmem>>, vector<16xf32>,
      %get3A_376 = arith.index_cast %scan3A_357 : i32 to index
      %get3A_377 = arith.constant 32 : index
      %get3A_378 = tpu.vector_load %arg13[%get3A_376, %get3A_377] {strides = array<i32>} : memref<128x64xf32, #tpu.memory_space<vmem>>, vector<16xf32>,
      %mul3A_379 = arith.mulf %get3A_375, %get3A_378 : vector<16xf32>
      %add3A_380 = arith.addf %add3A_372, %mul3A_379 : vector<16xf32>
      %get3A_381 = arith.index_cast %scan3A_357 : i32 to index
      %get3A_382 = arith.constant 48 : index
      %get3A_383 = tpu.vector_load %arg12[%get3A_381, %get3A_382] {strides = array<i32>} : memref<128x64xf32, #tpu.memory_space<vmem>>, vector<16xf32>,
      %get3A_384 = arith.index_cast %scan3A_357 : i32 to index
      %get3A_385 = arith.constant 48 : index
      %get3A_386 = tpu.vector_load %arg13[%get3A_384, %get3A_385] {strides = array<i32>} : memref<128x64xf32, #tpu.memory_space<vmem>>, vector<16xf32>,
      %mul3A_387 = arith.mulf %get3A_383, %get3A_386 : vector<16xf32>
      %add3A_388 = arith.addf %add3A_380, %mul3A_387 : vector<16xf32>
      %swap3A_389 = arith.index_cast %scan3A_357 : i32 to index
      %swap3A_390 = arith.constant 0 : index
      %swap3A_391 = tpu.vector_load %arg14[%swap3A_389, %swap3A_390] {strides = array<i32>} : memref<128x17xf32, #tpu.memory_space<vmem>>, vector<16xf32>,
      tpu.vector_store %arg14[%swap3A_389, %swap3A_390], %add3A_388 {strides = array<i32>} : memref<128x17xf32, #tpu.memory_space<vmem>>, vector<16xf32>,
      %scan3A_392 = arith.constant 0 : i32
      %scan3A_393 = arith.constant 7 : i32
      %scan3A_394 = arith.addi %scan3A_136, %scan3A_393 : i32
      %get3A_395 = arith.index_cast %scan3A_394 : i32 to index
      %get3A_396 = arith.constant 0 : index
      %get3A_397 = tpu.vector_load %arg12[%get3A_395, %get3A_396] {strides = array<i32>} : memref<128x64xf32, #tpu.memory_space<vmem>>, vector<16xf32>,
      %get3A_398 = arith.index_cast %scan3A_394 : i32 to index
      %get3A_399 = arith.constant 0 : index
      %get3A_400 = tpu.vector_load %arg13[%get3A_398, %get3A_399] {strides = array<i32>} : memref<128x64xf32, #tpu.memory_space<vmem>>, vector<16xf32>,
      %mul3A_401 = arith.mulf %get3A_397, %get3A_400 : vector<16xf32>
      %get3A_402 = arith.index_cast %scan3A_394 : i32 to index
      %get3A_403 = arith.constant 16 : index
      %get3A_404 = tpu.vector_load %arg12[%get3A_402, %get3A_403] {strides = array<i32>} : memref<128x64xf32, #tpu.memory_space<vmem>>, vector<16xf32>,
      %get3A_405 = arith.index_cast %scan3A_394 : i32 to index
      %get3A_406 = arith.constant 16 : index
      %get3A_407 = tpu.vector_load %arg13[%get3A_405, %get3A_406] {strides = array<i32>} : memref<128x64xf32, #tpu.memory_space<vmem>>, vector<16xf32>,
      %mul3A_408 = arith.mulf %get3A_404, %get3A_407 : vector<16xf32>
      %add3A_409 = arith.addf %mul3A_401, %mul3A_408 : vector<16xf32>
      %get3A_410 = arith.index_cast %scan3A_394 : i32 to index
      %get3A_411 = arith.constant 32 : index
      %get3A_412 = tpu.vector_load %arg12[%get3A_410, %get3A_411] {strides = array<i32>} : memref<128x64xf32, #tpu.memory_space<vmem>>, vector<16xf32>,
      %get3A_413 = arith.index_cast %scan3A_394 : i32 to index
      %get3A_414 = arith.constant 32 : index
      %get3A_415 = tpu.vector_load %arg13[%get3A_413, %get3A_414] {strides = array<i32>} : memref<128x64xf32, #tpu.memory_space<vmem>>, vector<16xf32>,
      %mul3A_416 = arith.mulf %get3A_412, %get3A_415 : vector<16xf32>
      %add3A_417 = arith.addf %add3A_409, %mul3A_416 : vector<16xf32>
      %get3A_418 = arith.index_cast %scan3A_394 : i32 to index
      %get3A_419 = arith.constant 48 : index
      %get3A_420 = tpu.vector_load %arg12[%get3A_418, %get3A_419] {strides = array<i32>} : memref<128x64xf32, #tpu.memory_space<vmem>>, vector<16xf32>,
      %get3A_421 = arith.index_cast %scan3A_394 : i32 to index
      %get3A_422 = arith.constant 48 : index
      %get3A_423 = tpu.vector_load %arg13[%get3A_421, %get3A_422] {strides = array<i32>} : memref<128x64xf32, #tpu.memory_space<vmem>>, vector<16xf32>,
      %mul3A_424 = arith.mulf %get3A_420, %get3A_423 : vector<16xf32>
      %add3A_425 = arith.addf %add3A_417, %mul3A_424 : vector<16xf32>
      %swap3A_426 = arith.index_cast %scan3A_394 : i32 to index
      %swap3A_427 = arith.constant 0 : index
      %swap3A_428 = tpu.vector_load %arg14[%swap3A_426, %swap3A_427] {strides = array<i32>} : memref<128x17xf32, #tpu.memory_space<vmem>>, vector<16xf32>,
      tpu.vector_store %arg14[%swap3A_426, %swap3A_427], %add3A_425 {strides = array<i32>} : memref<128x17xf32, #tpu.memory_space<vmem>>, vector<16xf32>,
      %scan3A_429 = arith.constant 0 : i32
      scf.yield %scan3A_429 : i32
    }
    %scan3A_104 = arith.constant 128 : i32
    %scan3A_105 = arith.constant 0 : i32
    %scan3A_106 = arith.constant 0 : i32
    %scan3A_107 = arith.constant 8 : i32
    %scan3A_108 = arith.addi %scan3A_106, %scan3A_107 : i32
    %scan3A_109 = arith.constant 1 : i32
    %scan3A_110 = scf.for %scan3A_136 = %scan3A_106 to %scan3A_108 step %scan3A_109 iter_args(%scan3A_137 = %scan3A_105) -> (i32)  : i32 {
      %mul3A_138 = arith.constant 16 : i32
      %mul3A_139 = arith.muli %scan3A_136, %mul3A_138 : i32
      %add3A_140 = vector.broadcast %mul3A_139 : i32 to vector<16xi32>
      %add3A_141 = arith.addi %add3A_140, %iota3A : vector<16xi32>
      %broadcast_in_dim3A = arith.constant 0 : i32
      %broadcast_in_dim3A_142 = vector.broadcast %broadcast_in_dim3A : i32 to vector<16xi32>
      %gather3A = tpu.vector_load_idx %arg14[%add3A_141, %broadcast_in_dim3A_142] : memref<128x17xf32, #tpu.memory_space<vmem>>[vector<16xi32>, vector<16xi32>], vector<16xf32>,
      %add3A_143 = vector.broadcast %mul3A_139 : i32 to vector<16xi32>
      %add3A_144 = arith.addi %add3A_143, %iota3A : vector<16xi32>
      %broadcast_in_dim3A_145 = arith.constant 1 : i32
      %broadcast_in_dim3A_146 = vector.broadcast %broadcast_in_dim3A_145 : i32 to vector<16xi32>
      %gather3A_147 = tpu.vector_load_idx %arg14[%add3A_144, %broadcast_in_dim3A_146] : memref<128x17xf32, #tpu.memory_space<vmem>>[vector<16xi32>, vector<16xi32>], vector<16xf32>,
      %add3A_148 = arith.addf %gather3A, %gather3A_147 : vector<16xf32>
      %add3A_149 = vector.broadcast %mul3A_139 : i32 to vector<16xi32>
      %add3A_150 = arith.addi %add3A_149, %iota3A : vector<16xi32>
      %broadcast_in_dim3A_151 = arith.constant 2 : i32
      %broadcast_in_dim3A_152 = vector.broadcast %broadcast_in_dim3A_151 : i32 to vector<16xi32>
      %gather3A_153 = tpu.vector_load_idx %arg14[%add3A_150, %broadcast_in_dim3A_152] : memref<128x17xf32, #tpu.memory_space<vmem>>[vector<16xi32>, vector<16xi32>], vector<16xf32>,
      %add3A_154 = arith.addf %add3A_148, %gather3A_153 : vector<16xf32>
      %add3A_155 = vector.broadcast %mul3A_139 : i32 to vector<16xi32>
      %add3A_156 = arith.addi %add3A_155, %iota3A : vector<16xi32>
      %broadcast_in_dim3A_157 = arith.constant 3 : i32
      %broadcast_in_dim3A_158 = vector.broadcast %broadcast_in_dim3A_157 : i32 to vector<16xi32>
      %gather3A_159 = tpu.vector_load_idx %arg14[%add3A_156, %broadcast_in_dim3A_158] : memref<128x17xf32, #tpu.memory_space<vmem>>[vector<16xi32>, vector<16xi32>], vector<16xf32>,
      %add3A_160 = arith.addf %add3A_154, %gather3A_159 : vector<16xf32>
      %add3A_161 = vector.broadcast %mul3A_139 : i32 to vector<16xi32>
      %add3A_162 = arith.addi %add3A_161, %iota3A : vector<16xi32>
      %broadcast_in_dim3A_163 = arith.constant 4 : i32
      %broadcast_in_dim3A_164 = vector.broadcast %broadcast_in_dim3A_163 : i32 to vector<16xi32>
      %gather3A_165 = tpu.vector_load_idx %arg14[%add3A_162, %broadcast_in_dim3A_164] : memref<128x17xf32, #tpu.memory_space<vmem>>[vector<16xi32>, vector<16xi32>], vector<16xf32>,
      %add3A_166 = arith.addf %add3A_160, %gather3A_165 : vector<16xf32>
      %add3A_167 = vector.broadcast %mul3A_139 : i32 to vector<16xi32>
      %add3A_168 = arith.addi %add3A_167, %iota3A : vector<16xi32>
      %broadcast_in_dim3A_169 = arith.constant 5 : i32
      %broadcast_in_dim3A_170 = vector.broadcast %broadcast_in_dim3A_169 : i32 to vector<16xi32>
      %gather3A_171 = tpu.vector_load_idx %arg14[%add3A_168, %broadcast_in_dim3A_170] : memref<128x17xf32, #tpu.memory_space<vmem>>[vector<16xi32>, vector<16xi32>], vector<16xf32>,
      %add3A_172 = arith.addf %add3A_166, %gather3A_171 : vector<16xf32>
      %add3A_173 = vector.broadcast %mul3A_139 : i32 to vector<16xi32>
      %add3A_174 = arith.addi %add3A_173, %iota3A : vector<16xi32>
      %broadcast_in_dim3A_175 = arith.constant 6 : i32
      %broadcast_in_dim3A_176 = vector.broadcast %broadcast_in_dim3A_175 : i32 to vector<16xi32>
      %gather3A_177 = tpu.vector_load_idx %arg14[%add3A_174, %broadcast_in_dim3A_176] : memref<128x17xf32, #tpu.memory_space<vmem>>[vector<16xi32>, vector<16xi32>], vector<16xf32>,
      %add3A_178 = arith.addf %add3A_172, %gather3A_177 : vector<16xf32>
      %add3A_179 = vector.broadcast %mul3A_139 : i32 to vector<16xi32>
      %add3A_180 = arith.addi %add3A_179, %iota3A : vector<16xi32>
      %broadcast_in_dim3A_181 = arith.constant 7 : i32
      %broadcast_in_dim3A_182 = vector.broadcast %broadcast_in_dim3A_181 : i32 to vector<16xi32>
      %gather3A_183 = tpu.vector_load_idx %arg14[%add3A_180, %broadcast_in_dim3A_182] : memref<128x17xf32, #tpu.memory_space<vmem>>[vector<16xi32>, vector<16xi32>], vector<16xf32>,
      %add3A_184 = arith.addf %add3A_178, %gather3A_183 : vector<16xf32>
      %add3A_185 = vector.broadcast %mul3A_139 : i32 to vector<16xi32>
      %add3A_186 = arith.addi %add3A_185, %iota3A : vector<16xi32>
      %broadcast_in_dim3A_187 = arith.constant 8 : i32
      %broadcast_in_dim3A_188 = vector.broadcast %broadcast_in_dim3A_187 : i32 to vector<16xi32>
      %gather3A_189 = tpu.vector_load_idx %arg14[%add3A_186, %broadcast_in_dim3A_188] : memref<128x17xf32, #tpu.memory_space<vmem>>[vector<16xi32>, vector<16xi32>], vector<16xf32>,
      %add3A_190 = arith.addf %add3A_184, %gather3A_189 : vector<16xf32>
      %add3A_191 = vector.broadcast %mul3A_139 : i32 to vector<16xi32>
      %add3A_192 = arith.addi %add3A_191, %iota3A : vector<16xi32>
      %broadcast_in_dim3A_193 = arith.constant 9 : i32
      %broadcast_in_dim3A_194 = vector.broadcast %broadcast_in_dim3A_193 : i32 to vector<16xi32>
      %gather3A_195 = tpu.vector_load_idx %arg14[%add3A_192, %broadcast_in_dim3A_194] : memref<128x17xf32, #tpu.memory_space<vmem>>[vector<16xi32>, vector<16xi32>], vector<16xf32>,
      %add3A_196 = arith.addf %add3A_190, %gather3A_195 : vector<16xf32>
      %add3A_197 = vector.broadcast %mul3A_139 : i32 to vector<16xi32>
      %add3A_198 = arith.addi %add3A_197, %iota3A : vector<16xi32>
      %broadcast_in_dim3A_199 = arith.constant 10 : i32
      %broadcast_in_dim3A_200 = vector.broadcast %broadcast_in_dim3A_199 : i32 to vector<16xi32>
      %gather3A_201 = tpu.vector_load_idx %arg14[%add3A_198, %broadcast_in_dim3A_200] : memref<128x17xf32, #tpu.memory_space<vmem>>[vector<16xi32>, vector<16xi32>], vector<16xf32>,
      %add3A_202 = arith.addf %add3A_196, %gather3A_201 : vector<16xf32>
      %add3A_203 = vector.broadcast %mul3A_139 : i32 to vector<16xi32>
      %add3A_204 = arith.addi %add3A_203, %iota3A : vector<16xi32>
      %broadcast_in_dim3A_205 = arith.constant 11 : i32
      %broadcast_in_dim3A_206 = vector.broadcast %broadcast_in_dim3A_205 : i32 to vector<16xi32>
      %gather3A_207 = tpu.vector_load_idx %arg14[%add3A_204, %broadcast_in_dim3A_206] : memref<128x17xf32, #tpu.memory_space<vmem>>[vector<16xi32>, vector<16xi32>], vector<16xf32>,
      %add3A_208 = arith.addf %add3A_202, %gather3A_207 : vector<16xf32>
      %add3A_209 = vector.broadcast %mul3A_139 : i32 to vector<16xi32>
      %add3A_210 = arith.addi %add3A_209, %iota3A : vector<16xi32>
      %broadcast_in_dim3A_211 = arith.constant 12 : i32
      %broadcast_in_dim3A_212 = vector.broadcast %broadcast_in_dim3A_211 : i32 to vector<16xi32>
      %gather3A_213 = tpu.vector_load_idx %arg14[%add3A_210, %broadcast_in_dim3A_212] : memref<128x17xf32, #tpu.memory_space<vmem>>[vector<16xi32>, vector<16xi32>], vector<16xf32>,
      %add3A_214 = arith.addf %add3A_208, %gather3A_213 : vector<16xf32>
      %add3A_215 = vector.broadcast %mul3A_139 : i32 to vector<16xi32>
      %add3A_216 = arith.addi %add3A_215, %iota3A : vector<16xi32>
      %broadcast_in_dim3A_217 = arith.constant 13 : i32
      %broadcast_in_dim3A_218 = vector.broadcast %broadcast_in_dim3A_217 : i32 to vector<16xi32>
      %gather3A_219 = tpu.vector_load_idx %arg14[%add3A_216, %broadcast_in_dim3A_218] : memref<128x17xf32, #tpu.memory_space<vmem>>[vector<16xi32>, vector<16xi32>], vector<16xf32>,
      %add3A_220 = arith.addf %add3A_214, %gather3A_219 : vector<16xf32>
      %add3A_221 = vector.broadcast %mul3A_139 : i32 to vector<16xi32>
      %add3A_222 = arith.addi %add3A_221, %iota3A : vector<16xi32>
      %broadcast_in_dim3A_223 = arith.constant 14 : i32
      %broadcast_in_dim3A_224 = vector.broadcast %broadcast_in_dim3A_223 : i32 to vector<16xi32>
      %gather3A_225 = tpu.vector_load_idx %arg14[%add3A_222, %broadcast_in_dim3A_224] : memref<128x17xf32, #tpu.memory_space<vmem>>[vector<16xi32>, vector<16xi32>], vector<16xf32>,
      %add3A_226 = arith.addf %add3A_220, %gather3A_225 : vector<16xf32>
      %add3A_227 = vector.broadcast %mul3A_139 : i32 to vector<16xi32>
      %add3A_228 = arith.addi %add3A_227, %iota3A : vector<16xi32>
      %broadcast_in_dim3A_229 = arith.constant 15 : i32
      %broadcast_in_dim3A_230 = vector.broadcast %broadcast_in_dim3A_229 : i32 to vector<16xi32>
      %gather3A_231 = tpu.vector_load_idx %arg14[%add3A_228, %broadcast_in_dim3A_230] : memref<128x17xf32, #tpu.memory_space<vmem>>[vector<16xi32>, vector<16xi32>], vector<16xf32>,
      %add3A_232 = arith.addf %add3A_226, %gather3A_231 : vector<16xf32>
      %neg3A = arith.constant 0.000000e+00 : f32
      %neg3A_233 = vector.broadcast %neg3A : f32 to vector<16xf32>
      %neg3A_234 = arith.subf %neg3A_233, %add3A_232 : vector<16xf32>
      %exp3A = math.exp %neg3A_234 : vector<16xf32>
      %add3A_235 = arith.constant 1.000000e+00 : f32
      %add3A_236 = vector.broadcast %add3A_235 : f32 to vector<16xf32>
      %add3A_237 = arith.addf %add3A_236, %exp3A : vector<16xf32>
      %div3A = arith.constant 1.000000e+00 : f32
      %div3A_238 = vector.broadcast %div3A : f32 to vector<16xf32>
      %div3A_239 = arith.divf %div3A_238, %add3A_237 : vector<16xf32>
      %add3A_240 = arith.constant 256 : i32
      %add3A_241 = arith.addi %add3A_240, %mul3A_139 : i32
      %swap3A = arith.index_cast %add3A_241 : i32 to index
      %swap3A_242 = tpu.vector_load %arg15[%swap3A] {strides = array<i32>} : memref<512xf32, #tpu.memory_space<vmem>>, vector<16xf32>,
      tpu.vector_store %arg15[%swap3A], %div3A_239 {strides = array<i32>} : memref<512xf32, #tpu.memory_space<vmem>>, vector<16xf32>,
      %scan3A_243 = arith.constant 0 : i32
      scf.yield %scan3A_243 : i32
    }
    %scan3A_111 = arith.constant 8 : i32
    %dma_wait3A_112 = arith.constant 384 : i32
    %dma_wait3A_113 = tpu.memref_slice %arg6[%dma_wait3A_112] : memref<512xi32, #tpu.memory_space<vmem>> -> memref<128xi32, #tpu.memory_space<vmem>>
    %dma_wait3A_114 = arith.constant 0 : i32
    %dma_wait3A_115 = arith.constant 0 : i32
    %dma_wait3A_116 = tpu.memref_slice %arg2[%dma_wait3A_114, %dma_wait3A_115] : memref<200000x64xf32, #tpu.memory_space<hbm>> -> memref<200000x64xf32, #tpu.memory_space<hbm>>
    tpu.wait_indirect_dma semaphore(%arg16 : memref<!tpu.dma_semaphore, #tpu.memory_space<semaphore_mem>>) src(%dma_wait3A_116 : memref<200000x64xf32, #tpu.memory_space<hbm>>) dst(%arg8 : memref<128x64xf32, #tpu.memory_space<vmem>>)
    %dma_wait3A_117 = arith.constant 384 : i32
    %dma_wait3A_118 = tpu.memref_slice %arg7[%dma_wait3A_117] : memref<512xi32, #tpu.memory_space<vmem>> -> memref<128xi32, #tpu.memory_space<vmem>>
    %dma_wait3A_119 = arith.constant 0 : i32
    %dma_wait3A_120 = arith.constant 0 : i32
    %dma_wait3A_121 = tpu.memref_slice %arg2[%dma_wait3A_119, %dma_wait3A_120] : memref<200000x64xf32, #tpu.memory_space<hbm>> -> memref<200000x64xf32, #tpu.memory_space<hbm>>
    tpu.wait_indirect_dma semaphore(%arg17 : memref<!tpu.dma_semaphore, #tpu.memory_space<semaphore_mem>>) src(%dma_wait3A_121 : memref<200000x64xf32, #tpu.memory_space<hbm>>) dst(%arg9 : memref<128x64xf32, #tpu.memory_space<vmem>>)
    %scan3A_122 = arith.constant 0 : i32
    %scan3A_123 = arith.constant 0 : i32
    %scan3A_124 = arith.constant 128 : i32
    %scan3A_125 = arith.addi %scan3A_123, %scan3A_124 : i32
    %scan3A_126 = arith.constant 8 : i32
    %scan3A_127 = scf.for %scan3A_136 = %scan3A_123 to %scan3A_125 step %scan3A_126 iter_args(%scan3A_137 = %scan3A_122) -> (i32)  : i32 {
      %get3A = arith.index_cast %scan3A_136 : i32 to index
      %get3A_138 = arith.constant 0 : index
      %get3A_139 = tpu.vector_load %arg8[%get3A, %get3A_138] {strides = array<i32>} : memref<128x64xf32, #tpu.memory_space<vmem>>, vector<16xf32>,
      %get3A_140 = arith.index_cast %scan3A_136 : i32 to index
      %get3A_141 = arith.constant 0 : index
      %get3A_142 = tpu.vector_load %arg9[%get3A_140, %get3A_141] {strides = array<i32>} : memref<128x64xf32, #tpu.memory_space<vmem>>, vector<16xf32>,
      %mul3A_143 = arith.mulf %get3A_139, %get3A_142 : vector<16xf32>
      %get3A_144 = arith.index_cast %scan3A_136 : i32 to index
      %get3A_145 = arith.constant 16 : index
      %get3A_146 = tpu.vector_load %arg8[%get3A_144, %get3A_145] {strides = array<i32>} : memref<128x64xf32, #tpu.memory_space<vmem>>, vector<16xf32>,
      %get3A_147 = arith.index_cast %scan3A_136 : i32 to index
      %get3A_148 = arith.constant 16 : index
      %get3A_149 = tpu.vector_load %arg9[%get3A_147, %get3A_148] {strides = array<i32>} : memref<128x64xf32, #tpu.memory_space<vmem>>, vector<16xf32>,
      %mul3A_150 = arith.mulf %get3A_146, %get3A_149 : vector<16xf32>
      %add3A_151 = arith.addf %mul3A_143, %mul3A_150 : vector<16xf32>
      %get3A_152 = arith.index_cast %scan3A_136 : i32 to index
      %get3A_153 = arith.constant 32 : index
      %get3A_154 = tpu.vector_load %arg8[%get3A_152, %get3A_153] {strides = array<i32>} : memref<128x64xf32, #tpu.memory_space<vmem>>, vector<16xf32>,
      %get3A_155 = arith.index_cast %scan3A_136 : i32 to index
      %get3A_156 = arith.constant 32 : index
      %get3A_157 = tpu.vector_load %arg9[%get3A_155, %get3A_156] {strides = array<i32>} : memref<128x64xf32, #tpu.memory_space<vmem>>, vector<16xf32>,
      %mul3A_158 = arith.mulf %get3A_154, %get3A_157 : vector<16xf32>
      %add3A_159 = arith.addf %add3A_151, %mul3A_158 : vector<16xf32>
      %get3A_160 = arith.index_cast %scan3A_136 : i32 to index
      %get3A_161 = arith.constant 48 : index
      %get3A_162 = tpu.vector_load %arg8[%get3A_160, %get3A_161] {strides = array<i32>} : memref<128x64xf32, #tpu.memory_space<vmem>>, vector<16xf32>,
      %get3A_163 = arith.index_cast %scan3A_136 : i32 to index
      %get3A_164 = arith.constant 48 : index
      %get3A_165 = tpu.vector_load %arg9[%get3A_163, %get3A_164] {strides = array<i32>} : memref<128x64xf32, #tpu.memory_space<vmem>>, vector<16xf32>,
      %mul3A_166 = arith.mulf %get3A_162, %get3A_165 : vector<16xf32>
      %add3A_167 = arith.addf %add3A_159, %mul3A_166 : vector<16xf32>
      %swap3A = arith.index_cast %scan3A_136 : i32 to index
      %swap3A_168 = arith.constant 0 : index
      %swap3A_169 = tpu.vector_load %arg14[%swap3A, %swap3A_168] {strides = array<i32>} : memref<128x17xf32, #tpu.memory_space<vmem>>, vector<16xf32>,
      tpu.vector_store %arg14[%swap3A, %swap3A_168], %add3A_167 {strides = array<i32>} : memref<128x17xf32, #tpu.memory_space<vmem>>, vector<16xf32>,
      %scan3A_170 = arith.constant 0 : i32
      %scan3A_171 = arith.constant 1 : i32
      %scan3A_172 = arith.addi %scan3A_136, %scan3A_171 : i32
      %get3A_173 = arith.index_cast %scan3A_172 : i32 to index
      %get3A_174 = arith.constant 0 : index
      %get3A_175 = tpu.vector_load %arg8[%get3A_173, %get3A_174] {strides = array<i32>} : memref<128x64xf32, #tpu.memory_space<vmem>>, vector<16xf32>,
      %get3A_176 = arith.index_cast %scan3A_172 : i32 to index
      %get3A_177 = arith.constant 0 : index
      %get3A_178 = tpu.vector_load %arg9[%get3A_176, %get3A_177] {strides = array<i32>} : memref<128x64xf32, #tpu.memory_space<vmem>>, vector<16xf32>,
      %mul3A_179 = arith.mulf %get3A_175, %get3A_178 : vector<16xf32>
      %get3A_180 = arith.index_cast %scan3A_172 : i32 to index
      %get3A_181 = arith.constant 16 : index
      %get3A_182 = tpu.vector_load %arg8[%get3A_180, %get3A_181] {strides = array<i32>} : memref<128x64xf32, #tpu.memory_space<vmem>>, vector<16xf32>,
      %get3A_183 = arith.index_cast %scan3A_172 : i32 to index
      %get3A_184 = arith.constant 16 : index
      %get3A_185 = tpu.vector_load %arg9[%get3A_183, %get3A_184] {strides = array<i32>} : memref<128x64xf32, #tpu.memory_space<vmem>>, vector<16xf32>,
      %mul3A_186 = arith.mulf %get3A_182, %get3A_185 : vector<16xf32>
      %add3A_187 = arith.addf %mul3A_179, %mul3A_186 : vector<16xf32>
      %get3A_188 = arith.index_cast %scan3A_172 : i32 to index
      %get3A_189 = arith.constant 32 : index
      %get3A_190 = tpu.vector_load %arg8[%get3A_188, %get3A_189] {strides = array<i32>} : memref<128x64xf32, #tpu.memory_space<vmem>>, vector<16xf32>,
      %get3A_191 = arith.index_cast %scan3A_172 : i32 to index
      %get3A_192 = arith.constant 32 : index
      %get3A_193 = tpu.vector_load %arg9[%get3A_191, %get3A_192] {strides = array<i32>} : memref<128x64xf32, #tpu.memory_space<vmem>>, vector<16xf32>,
      %mul3A_194 = arith.mulf %get3A_190, %get3A_193 : vector<16xf32>
      %add3A_195 = arith.addf %add3A_187, %mul3A_194 : vector<16xf32>
      %get3A_196 = arith.index_cast %scan3A_172 : i32 to index
      %get3A_197 = arith.constant 48 : index
      %get3A_198 = tpu.vector_load %arg8[%get3A_196, %get3A_197] {strides = array<i32>} : memref<128x64xf32, #tpu.memory_space<vmem>>, vector<16xf32>,
      %get3A_199 = arith.index_cast %scan3A_172 : i32 to index
      %get3A_200 = arith.constant 48 : index
      %get3A_201 = tpu.vector_load %arg9[%get3A_199, %get3A_200] {strides = array<i32>} : memref<128x64xf32, #tpu.memory_space<vmem>>, vector<16xf32>,
      %mul3A_202 = arith.mulf %get3A_198, %get3A_201 : vector<16xf32>
      %add3A_203 = arith.addf %add3A_195, %mul3A_202 : vector<16xf32>
      %swap3A_204 = arith.index_cast %scan3A_172 : i32 to index
      %swap3A_205 = arith.constant 0 : index
      %swap3A_206 = tpu.vector_load %arg14[%swap3A_204, %swap3A_205] {strides = array<i32>} : memref<128x17xf32, #tpu.memory_space<vmem>>, vector<16xf32>,
      tpu.vector_store %arg14[%swap3A_204, %swap3A_205], %add3A_203 {strides = array<i32>} : memref<128x17xf32, #tpu.memory_space<vmem>>, vector<16xf32>,
      %scan3A_207 = arith.constant 0 : i32
      %scan3A_208 = arith.constant 2 : i32
      %scan3A_209 = arith.addi %scan3A_136, %scan3A_208 : i32
      %get3A_210 = arith.index_cast %scan3A_209 : i32 to index
      %get3A_211 = arith.constant 0 : index
      %get3A_212 = tpu.vector_load %arg8[%get3A_210, %get3A_211] {strides = array<i32>} : memref<128x64xf32, #tpu.memory_space<vmem>>, vector<16xf32>,
      %get3A_213 = arith.index_cast %scan3A_209 : i32 to index
      %get3A_214 = arith.constant 0 : index
      %get3A_215 = tpu.vector_load %arg9[%get3A_213, %get3A_214] {strides = array<i32>} : memref<128x64xf32, #tpu.memory_space<vmem>>, vector<16xf32>,
      %mul3A_216 = arith.mulf %get3A_212, %get3A_215 : vector<16xf32>
      %get3A_217 = arith.index_cast %scan3A_209 : i32 to index
      %get3A_218 = arith.constant 16 : index
      %get3A_219 = tpu.vector_load %arg8[%get3A_217, %get3A_218] {strides = array<i32>} : memref<128x64xf32, #tpu.memory_space<vmem>>, vector<16xf32>,
      %get3A_220 = arith.index_cast %scan3A_209 : i32 to index
      %get3A_221 = arith.constant 16 : index
      %get3A_222 = tpu.vector_load %arg9[%get3A_220, %get3A_221] {strides = array<i32>} : memref<128x64xf32, #tpu.memory_space<vmem>>, vector<16xf32>,
      %mul3A_223 = arith.mulf %get3A_219, %get3A_222 : vector<16xf32>
      %add3A_224 = arith.addf %mul3A_216, %mul3A_223 : vector<16xf32>
      %get3A_225 = arith.index_cast %scan3A_209 : i32 to index
      %get3A_226 = arith.constant 32 : index
      %get3A_227 = tpu.vector_load %arg8[%get3A_225, %get3A_226] {strides = array<i32>} : memref<128x64xf32, #tpu.memory_space<vmem>>, vector<16xf32>,
      %get3A_228 = arith.index_cast %scan3A_209 : i32 to index
      %get3A_229 = arith.constant 32 : index
      %get3A_230 = tpu.vector_load %arg9[%get3A_228, %get3A_229] {strides = array<i32>} : memref<128x64xf32, #tpu.memory_space<vmem>>, vector<16xf32>,
      %mul3A_231 = arith.mulf %get3A_227, %get3A_230 : vector<16xf32>
      %add3A_232 = arith.addf %add3A_224, %mul3A_231 : vector<16xf32>
      %get3A_233 = arith.index_cast %scan3A_209 : i32 to index
      %get3A_234 = arith.constant 48 : index
      %get3A_235 = tpu.vector_load %arg8[%get3A_233, %get3A_234] {strides = array<i32>} : memref<128x64xf32, #tpu.memory_space<vmem>>, vector<16xf32>,
      %get3A_236 = arith.index_cast %scan3A_209 : i32 to index
      %get3A_237 = arith.constant 48 : index
      %get3A_238 = tpu.vector_load %arg9[%get3A_236, %get3A_237] {strides = array<i32>} : memref<128x64xf32, #tpu.memory_space<vmem>>, vector<16xf32>,
      %mul3A_239 = arith.mulf %get3A_235, %get3A_238 : vector<16xf32>
      %add3A_240 = arith.addf %add3A_232, %mul3A_239 : vector<16xf32>
      %swap3A_241 = arith.index_cast %scan3A_209 : i32 to index
      %swap3A_242 = arith.constant 0 : index
      %swap3A_243 = tpu.vector_load %arg14[%swap3A_241, %swap3A_242] {strides = array<i32>} : memref<128x17xf32, #tpu.memory_space<vmem>>, vector<16xf32>,
      tpu.vector_store %arg14[%swap3A_241, %swap3A_242], %add3A_240 {strides = array<i32>} : memref<128x17xf32, #tpu.memory_space<vmem>>, vector<16xf32>,
      %scan3A_244 = arith.constant 0 : i32
      %scan3A_245 = arith.constant 3 : i32
      %scan3A_246 = arith.addi %scan3A_136, %scan3A_245 : i32
      %get3A_247 = arith.index_cast %scan3A_246 : i32 to index
      %get3A_248 = arith.constant 0 : index
      %get3A_249 = tpu.vector_load %arg8[%get3A_247, %get3A_248] {strides = array<i32>} : memref<128x64xf32, #tpu.memory_space<vmem>>, vector<16xf32>,
      %get3A_250 = arith.index_cast %scan3A_246 : i32 to index
      %get3A_251 = arith.constant 0 : index
      %get3A_252 = tpu.vector_load %arg9[%get3A_250, %get3A_251] {strides = array<i32>} : memref<128x64xf32, #tpu.memory_space<vmem>>, vector<16xf32>,
      %mul3A_253 = arith.mulf %get3A_249, %get3A_252 : vector<16xf32>
      %get3A_254 = arith.index_cast %scan3A_246 : i32 to index
      %get3A_255 = arith.constant 16 : index
      %get3A_256 = tpu.vector_load %arg8[%get3A_254, %get3A_255] {strides = array<i32>} : memref<128x64xf32, #tpu.memory_space<vmem>>, vector<16xf32>,
      %get3A_257 = arith.index_cast %scan3A_246 : i32 to index
      %get3A_258 = arith.constant 16 : index
      %get3A_259 = tpu.vector_load %arg9[%get3A_257, %get3A_258] {strides = array<i32>} : memref<128x64xf32, #tpu.memory_space<vmem>>, vector<16xf32>,
      %mul3A_260 = arith.mulf %get3A_256, %get3A_259 : vector<16xf32>
      %add3A_261 = arith.addf %mul3A_253, %mul3A_260 : vector<16xf32>
      %get3A_262 = arith.index_cast %scan3A_246 : i32 to index
      %get3A_263 = arith.constant 32 : index
      %get3A_264 = tpu.vector_load %arg8[%get3A_262, %get3A_263] {strides = array<i32>} : memref<128x64xf32, #tpu.memory_space<vmem>>, vector<16xf32>,
      %get3A_265 = arith.index_cast %scan3A_246 : i32 to index
      %get3A_266 = arith.constant 32 : index
      %get3A_267 = tpu.vector_load %arg9[%get3A_265, %get3A_266] {strides = array<i32>} : memref<128x64xf32, #tpu.memory_space<vmem>>, vector<16xf32>,
      %mul3A_268 = arith.mulf %get3A_264, %get3A_267 : vector<16xf32>
      %add3A_269 = arith.addf %add3A_261, %mul3A_268 : vector<16xf32>
      %get3A_270 = arith.index_cast %scan3A_246 : i32 to index
      %get3A_271 = arith.constant 48 : index
      %get3A_272 = tpu.vector_load %arg8[%get3A_270, %get3A_271] {strides = array<i32>} : memref<128x64xf32, #tpu.memory_space<vmem>>, vector<16xf32>,
      %get3A_273 = arith.index_cast %scan3A_246 : i32 to index
      %get3A_274 = arith.constant 48 : index
      %get3A_275 = tpu.vector_load %arg9[%get3A_273, %get3A_274] {strides = array<i32>} : memref<128x64xf32, #tpu.memory_space<vmem>>, vector<16xf32>,
      %mul3A_276 = arith.mulf %get3A_272, %get3A_275 : vector<16xf32>
      %add3A_277 = arith.addf %add3A_269, %mul3A_276 : vector<16xf32>
      %swap3A_278 = arith.index_cast %scan3A_246 : i32 to index
      %swap3A_279 = arith.constant 0 : index
      %swap3A_280 = tpu.vector_load %arg14[%swap3A_278, %swap3A_279] {strides = array<i32>} : memref<128x17xf32, #tpu.memory_space<vmem>>, vector<16xf32>,
      tpu.vector_store %arg14[%swap3A_278, %swap3A_279], %add3A_277 {strides = array<i32>} : memref<128x17xf32, #tpu.memory_space<vmem>>, vector<16xf32>,
      %scan3A_281 = arith.constant 0 : i32
      %scan3A_282 = arith.constant 4 : i32
      %scan3A_283 = arith.addi %scan3A_136, %scan3A_282 : i32
      %get3A_284 = arith.index_cast %scan3A_283 : i32 to index
      %get3A_285 = arith.constant 0 : index
      %get3A_286 = tpu.vector_load %arg8[%get3A_284, %get3A_285] {strides = array<i32>} : memref<128x64xf32, #tpu.memory_space<vmem>>, vector<16xf32>,
      %get3A_287 = arith.index_cast %scan3A_283 : i32 to index
      %get3A_288 = arith.constant 0 : index
      %get3A_289 = tpu.vector_load %arg9[%get3A_287, %get3A_288] {strides = array<i32>} : memref<128x64xf32, #tpu.memory_space<vmem>>, vector<16xf32>,
      %mul3A_290 = arith.mulf %get3A_286, %get3A_289 : vector<16xf32>
      %get3A_291 = arith.index_cast %scan3A_283 : i32 to index
      %get3A_292 = arith.constant 16 : index
      %get3A_293 = tpu.vector_load %arg8[%get3A_291, %get3A_292] {strides = array<i32>} : memref<128x64xf32, #tpu.memory_space<vmem>>, vector<16xf32>,
      %get3A_294 = arith.index_cast %scan3A_283 : i32 to index
      %get3A_295 = arith.constant 16 : index
      %get3A_296 = tpu.vector_load %arg9[%get3A_294, %get3A_295] {strides = array<i32>} : memref<128x64xf32, #tpu.memory_space<vmem>>, vector<16xf32>,
      %mul3A_297 = arith.mulf %get3A_293, %get3A_296 : vector<16xf32>
      %add3A_298 = arith.addf %mul3A_290, %mul3A_297 : vector<16xf32>
      %get3A_299 = arith.index_cast %scan3A_283 : i32 to index
      %get3A_300 = arith.constant 32 : index
      %get3A_301 = tpu.vector_load %arg8[%get3A_299, %get3A_300] {strides = array<i32>} : memref<128x64xf32, #tpu.memory_space<vmem>>, vector<16xf32>,
      %get3A_302 = arith.index_cast %scan3A_283 : i32 to index
      %get3A_303 = arith.constant 32 : index
      %get3A_304 = tpu.vector_load %arg9[%get3A_302, %get3A_303] {strides = array<i32>} : memref<128x64xf32, #tpu.memory_space<vmem>>, vector<16xf32>,
      %mul3A_305 = arith.mulf %get3A_301, %get3A_304 : vector<16xf32>
      %add3A_306 = arith.addf %add3A_298, %mul3A_305 : vector<16xf32>
      %get3A_307 = arith.index_cast %scan3A_283 : i32 to index
      %get3A_308 = arith.constant 48 : index
      %get3A_309 = tpu.vector_load %arg8[%get3A_307, %get3A_308] {strides = array<i32>} : memref<128x64xf32, #tpu.memory_space<vmem>>, vector<16xf32>,
      %get3A_310 = arith.index_cast %scan3A_283 : i32 to index
      %get3A_311 = arith.constant 48 : index
      %get3A_312 = tpu.vector_load %arg9[%get3A_310, %get3A_311] {strides = array<i32>} : memref<128x64xf32, #tpu.memory_space<vmem>>, vector<16xf32>,
      %mul3A_313 = arith.mulf %get3A_309, %get3A_312 : vector<16xf32>
      %add3A_314 = arith.addf %add3A_306, %mul3A_313 : vector<16xf32>
      %swap3A_315 = arith.index_cast %scan3A_283 : i32 to index
      %swap3A_316 = arith.constant 0 : index
      %swap3A_317 = tpu.vector_load %arg14[%swap3A_315, %swap3A_316] {strides = array<i32>} : memref<128x17xf32, #tpu.memory_space<vmem>>, vector<16xf32>,
      tpu.vector_store %arg14[%swap3A_315, %swap3A_316], %add3A_314 {strides = array<i32>} : memref<128x17xf32, #tpu.memory_space<vmem>>, vector<16xf32>,
      %scan3A_318 = arith.constant 0 : i32
      %scan3A_319 = arith.constant 5 : i32
      %scan3A_320 = arith.addi %scan3A_136, %scan3A_319 : i32
      %get3A_321 = arith.index_cast %scan3A_320 : i32 to index
      %get3A_322 = arith.constant 0 : index
      %get3A_323 = tpu.vector_load %arg8[%get3A_321, %get3A_322] {strides = array<i32>} : memref<128x64xf32, #tpu.memory_space<vmem>>, vector<16xf32>,
      %get3A_324 = arith.index_cast %scan3A_320 : i32 to index
      %get3A_325 = arith.constant 0 : index
      %get3A_326 = tpu.vector_load %arg9[%get3A_324, %get3A_325] {strides = array<i32>} : memref<128x64xf32, #tpu.memory_space<vmem>>, vector<16xf32>,
      %mul3A_327 = arith.mulf %get3A_323, %get3A_326 : vector<16xf32>
      %get3A_328 = arith.index_cast %scan3A_320 : i32 to index
      %get3A_329 = arith.constant 16 : index
      %get3A_330 = tpu.vector_load %arg8[%get3A_328, %get3A_329] {strides = array<i32>} : memref<128x64xf32, #tpu.memory_space<vmem>>, vector<16xf32>,
      %get3A_331 = arith.index_cast %scan3A_320 : i32 to index
      %get3A_332 = arith.constant 16 : index
      %get3A_333 = tpu.vector_load %arg9[%get3A_331, %get3A_332] {strides = array<i32>} : memref<128x64xf32, #tpu.memory_space<vmem>>, vector<16xf32>,
      %mul3A_334 = arith.mulf %get3A_330, %get3A_333 : vector<16xf32>
      %add3A_335 = arith.addf %mul3A_327, %mul3A_334 : vector<16xf32>
      %get3A_336 = arith.index_cast %scan3A_320 : i32 to index
      %get3A_337 = arith.constant 32 : index
      %get3A_338 = tpu.vector_load %arg8[%get3A_336, %get3A_337] {strides = array<i32>} : memref<128x64xf32, #tpu.memory_space<vmem>>, vector<16xf32>,
      %get3A_339 = arith.index_cast %scan3A_320 : i32 to index
      %get3A_340 = arith.constant 32 : index
      %get3A_341 = tpu.vector_load %arg9[%get3A_339, %get3A_340] {strides = array<i32>} : memref<128x64xf32, #tpu.memory_space<vmem>>, vector<16xf32>,
      %mul3A_342 = arith.mulf %get3A_338, %get3A_341 : vector<16xf32>
      %add3A_343 = arith.addf %add3A_335, %mul3A_342 : vector<16xf32>
      %get3A_344 = arith.index_cast %scan3A_320 : i32 to index
      %get3A_345 = arith.constant 48 : index
      %get3A_346 = tpu.vector_load %arg8[%get3A_344, %get3A_345] {strides = array<i32>} : memref<128x64xf32, #tpu.memory_space<vmem>>, vector<16xf32>,
      %get3A_347 = arith.index_cast %scan3A_320 : i32 to index
      %get3A_348 = arith.constant 48 : index
      %get3A_349 = tpu.vector_load %arg9[%get3A_347, %get3A_348] {strides = array<i32>} : memref<128x64xf32, #tpu.memory_space<vmem>>, vector<16xf32>,
      %mul3A_350 = arith.mulf %get3A_346, %get3A_349 : vector<16xf32>
      %add3A_351 = arith.addf %add3A_343, %mul3A_350 : vector<16xf32>
      %swap3A_352 = arith.index_cast %scan3A_320 : i32 to index
      %swap3A_353 = arith.constant 0 : index
      %swap3A_354 = tpu.vector_load %arg14[%swap3A_352, %swap3A_353] {strides = array<i32>} : memref<128x17xf32, #tpu.memory_space<vmem>>, vector<16xf32>,
      tpu.vector_store %arg14[%swap3A_352, %swap3A_353], %add3A_351 {strides = array<i32>} : memref<128x17xf32, #tpu.memory_space<vmem>>, vector<16xf32>,
      %scan3A_355 = arith.constant 0 : i32
      %scan3A_356 = arith.constant 6 : i32
      %scan3A_357 = arith.addi %scan3A_136, %scan3A_356 : i32
      %get3A_358 = arith.index_cast %scan3A_357 : i32 to index
      %get3A_359 = arith.constant 0 : index
      %get3A_360 = tpu.vector_load %arg8[%get3A_358, %get3A_359] {strides = array<i32>} : memref<128x64xf32, #tpu.memory_space<vmem>>, vector<16xf32>,
      %get3A_361 = arith.index_cast %scan3A_357 : i32 to index
      %get3A_362 = arith.constant 0 : index
      %get3A_363 = tpu.vector_load %arg9[%get3A_361, %get3A_362] {strides = array<i32>} : memref<128x64xf32, #tpu.memory_space<vmem>>, vector<16xf32>,
      %mul3A_364 = arith.mulf %get3A_360, %get3A_363 : vector<16xf32>
      %get3A_365 = arith.index_cast %scan3A_357 : i32 to index
      %get3A_366 = arith.constant 16 : index
      %get3A_367 = tpu.vector_load %arg8[%get3A_365, %get3A_366] {strides = array<i32>} : memref<128x64xf32, #tpu.memory_space<vmem>>, vector<16xf32>,
      %get3A_368 = arith.index_cast %scan3A_357 : i32 to index
      %get3A_369 = arith.constant 16 : index
      %get3A_370 = tpu.vector_load %arg9[%get3A_368, %get3A_369] {strides = array<i32>} : memref<128x64xf32, #tpu.memory_space<vmem>>, vector<16xf32>,
      %mul3A_371 = arith.mulf %get3A_367, %get3A_370 : vector<16xf32>
      %add3A_372 = arith.addf %mul3A_364, %mul3A_371 : vector<16xf32>
      %get3A_373 = arith.index_cast %scan3A_357 : i32 to index
      %get3A_374 = arith.constant 32 : index
      %get3A_375 = tpu.vector_load %arg8[%get3A_373, %get3A_374] {strides = array<i32>} : memref<128x64xf32, #tpu.memory_space<vmem>>, vector<16xf32>,
      %get3A_376 = arith.index_cast %scan3A_357 : i32 to index
      %get3A_377 = arith.constant 32 : index
      %get3A_378 = tpu.vector_load %arg9[%get3A_376, %get3A_377] {strides = array<i32>} : memref<128x64xf32, #tpu.memory_space<vmem>>, vector<16xf32>,
      %mul3A_379 = arith.mulf %get3A_375, %get3A_378 : vector<16xf32>
      %add3A_380 = arith.addf %add3A_372, %mul3A_379 : vector<16xf32>
      %get3A_381 = arith.index_cast %scan3A_357 : i32 to index
      %get3A_382 = arith.constant 48 : index
      %get3A_383 = tpu.vector_load %arg8[%get3A_381, %get3A_382] {strides = array<i32>} : memref<128x64xf32, #tpu.memory_space<vmem>>, vector<16xf32>,
      %get3A_384 = arith.index_cast %scan3A_357 : i32 to index
      %get3A_385 = arith.constant 48 : index
      %get3A_386 = tpu.vector_load %arg9[%get3A_384, %get3A_385] {strides = array<i32>} : memref<128x64xf32, #tpu.memory_space<vmem>>, vector<16xf32>,
      %mul3A_387 = arith.mulf %get3A_383, %get3A_386 : vector<16xf32>
      %add3A_388 = arith.addf %add3A_380, %mul3A_387 : vector<16xf32>
      %swap3A_389 = arith.index_cast %scan3A_357 : i32 to index
      %swap3A_390 = arith.constant 0 : index
      %swap3A_391 = tpu.vector_load %arg14[%swap3A_389, %swap3A_390] {strides = array<i32>} : memref<128x17xf32, #tpu.memory_space<vmem>>, vector<16xf32>,
      tpu.vector_store %arg14[%swap3A_389, %swap3A_390], %add3A_388 {strides = array<i32>} : memref<128x17xf32, #tpu.memory_space<vmem>>, vector<16xf32>,
      %scan3A_392 = arith.constant 0 : i32
      %scan3A_393 = arith.constant 7 : i32
      %scan3A_394 = arith.addi %scan3A_136, %scan3A_393 : i32
      %get3A_395 = arith.index_cast %scan3A_394 : i32 to index
      %get3A_396 = arith.constant 0 : index
      %get3A_397 = tpu.vector_load %arg8[%get3A_395, %get3A_396] {strides = array<i32>} : memref<128x64xf32, #tpu.memory_space<vmem>>, vector<16xf32>,
      %get3A_398 = arith.index_cast %scan3A_394 : i32 to index
      %get3A_399 = arith.constant 0 : index
      %get3A_400 = tpu.vector_load %arg9[%get3A_398, %get3A_399] {strides = array<i32>} : memref<128x64xf32, #tpu.memory_space<vmem>>, vector<16xf32>,
      %mul3A_401 = arith.mulf %get3A_397, %get3A_400 : vector<16xf32>
      %get3A_402 = arith.index_cast %scan3A_394 : i32 to index
      %get3A_403 = arith.constant 16 : index
      %get3A_404 = tpu.vector_load %arg8[%get3A_402, %get3A_403] {strides = array<i32>} : memref<128x64xf32, #tpu.memory_space<vmem>>, vector<16xf32>,
      %get3A_405 = arith.index_cast %scan3A_394 : i32 to index
      %get3A_406 = arith.constant 16 : index
      %get3A_407 = tpu.vector_load %arg9[%get3A_405, %get3A_406] {strides = array<i32>} : memref<128x64xf32, #tpu.memory_space<vmem>>, vector<16xf32>,
      %mul3A_408 = arith.mulf %get3A_404, %get3A_407 : vector<16xf32>
      %add3A_409 = arith.addf %mul3A_401, %mul3A_408 : vector<16xf32>
      %get3A_410 = arith.index_cast %scan3A_394 : i32 to index
      %get3A_411 = arith.constant 32 : index
      %get3A_412 = tpu.vector_load %arg8[%get3A_410, %get3A_411] {strides = array<i32>} : memref<128x64xf32, #tpu.memory_space<vmem>>, vector<16xf32>,
      %get3A_413 = arith.index_cast %scan3A_394 : i32 to index
      %get3A_414 = arith.constant 32 : index
      %get3A_415 = tpu.vector_load %arg9[%get3A_413, %get3A_414] {strides = array<i32>} : memref<128x64xf32, #tpu.memory_space<vmem>>, vector<16xf32>,
      %mul3A_416 = arith.mulf %get3A_412, %get3A_415 : vector<16xf32>
      %add3A_417 = arith.addf %add3A_409, %mul3A_416 : vector<16xf32>
      %get3A_418 = arith.index_cast %scan3A_394 : i32 to index
      %get3A_419 = arith.constant 48 : index
      %get3A_420 = tpu.vector_load %arg8[%get3A_418, %get3A_419] {strides = array<i32>} : memref<128x64xf32, #tpu.memory_space<vmem>>, vector<16xf32>,
      %get3A_421 = arith.index_cast %scan3A_394 : i32 to index
      %get3A_422 = arith.constant 48 : index
      %get3A_423 = tpu.vector_load %arg9[%get3A_421, %get3A_422] {strides = array<i32>} : memref<128x64xf32, #tpu.memory_space<vmem>>, vector<16xf32>,
      %mul3A_424 = arith.mulf %get3A_420, %get3A_423 : vector<16xf32>
      %add3A_425 = arith.addf %add3A_417, %mul3A_424 : vector<16xf32>
      %swap3A_426 = arith.index_cast %scan3A_394 : i32 to index
      %swap3A_427 = arith.constant 0 : index
      %swap3A_428 = tpu.vector_load %arg14[%swap3A_426, %swap3A_427] {strides = array<i32>} : memref<128x17xf32, #tpu.memory_space<vmem>>, vector<16xf32>,
      tpu.vector_store %arg14[%swap3A_426, %swap3A_427], %add3A_425 {strides = array<i32>} : memref<128x17xf32, #tpu.memory_space<vmem>>, vector<16xf32>,
      %scan3A_429 = arith.constant 0 : i32
      scf.yield %scan3A_429 : i32
    }
    %scan3A_128 = arith.constant 128 : i32
    %scan3A_129 = arith.constant 0 : i32
    %scan3A_130 = arith.constant 0 : i32
    %scan3A_131 = arith.constant 8 : i32
    %scan3A_132 = arith.addi %scan3A_130, %scan3A_131 : i32
    %scan3A_133 = arith.constant 1 : i32
    %scan3A_134 = scf.for %scan3A_136 = %scan3A_130 to %scan3A_132 step %scan3A_133 iter_args(%scan3A_137 = %scan3A_129) -> (i32)  : i32 {
      %mul3A_138 = arith.constant 16 : i32
      %mul3A_139 = arith.muli %scan3A_136, %mul3A_138 : i32
      %add3A_140 = vector.broadcast %mul3A_139 : i32 to vector<16xi32>
      %add3A_141 = arith.addi %add3A_140, %iota3A : vector<16xi32>
      %broadcast_in_dim3A = arith.constant 0 : i32
      %broadcast_in_dim3A_142 = vector.broadcast %broadcast_in_dim3A : i32 to vector<16xi32>
      %gather3A = tpu.vector_load_idx %arg14[%add3A_141, %broadcast_in_dim3A_142] : memref<128x17xf32, #tpu.memory_space<vmem>>[vector<16xi32>, vector<16xi32>], vector<16xf32>,
      %add3A_143 = vector.broadcast %mul3A_139 : i32 to vector<16xi32>
      %add3A_144 = arith.addi %add3A_143, %iota3A : vector<16xi32>
      %broadcast_in_dim3A_145 = arith.constant 1 : i32
      %broadcast_in_dim3A_146 = vector.broadcast %broadcast_in_dim3A_145 : i32 to vector<16xi32>
      %gather3A_147 = tpu.vector_load_idx %arg14[%add3A_144, %broadcast_in_dim3A_146] : memref<128x17xf32, #tpu.memory_space<vmem>>[vector<16xi32>, vector<16xi32>], vector<16xf32>,
      %add3A_148 = arith.addf %gather3A, %gather3A_147 : vector<16xf32>
      %add3A_149 = vector.broadcast %mul3A_139 : i32 to vector<16xi32>
      %add3A_150 = arith.addi %add3A_149, %iota3A : vector<16xi32>
      %broadcast_in_dim3A_151 = arith.constant 2 : i32
      %broadcast_in_dim3A_152 = vector.broadcast %broadcast_in_dim3A_151 : i32 to vector<16xi32>
      %gather3A_153 = tpu.vector_load_idx %arg14[%add3A_150, %broadcast_in_dim3A_152] : memref<128x17xf32, #tpu.memory_space<vmem>>[vector<16xi32>, vector<16xi32>], vector<16xf32>,
      %add3A_154 = arith.addf %add3A_148, %gather3A_153 : vector<16xf32>
      %add3A_155 = vector.broadcast %mul3A_139 : i32 to vector<16xi32>
      %add3A_156 = arith.addi %add3A_155, %iota3A : vector<16xi32>
      %broadcast_in_dim3A_157 = arith.constant 3 : i32
      %broadcast_in_dim3A_158 = vector.broadcast %broadcast_in_dim3A_157 : i32 to vector<16xi32>
      %gather3A_159 = tpu.vector_load_idx %arg14[%add3A_156, %broadcast_in_dim3A_158] : memref<128x17xf32, #tpu.memory_space<vmem>>[vector<16xi32>, vector<16xi32>], vector<16xf32>,
      %add3A_160 = arith.addf %add3A_154, %gather3A_159 : vector<16xf32>
      %add3A_161 = vector.broadcast %mul3A_139 : i32 to vector<16xi32>
      %add3A_162 = arith.addi %add3A_161, %iota3A : vector<16xi32>
      %broadcast_in_dim3A_163 = arith.constant 4 : i32
      %broadcast_in_dim3A_164 = vector.broadcast %broadcast_in_dim3A_163 : i32 to vector<16xi32>
      %gather3A_165 = tpu.vector_load_idx %arg14[%add3A_162, %broadcast_in_dim3A_164] : memref<128x17xf32, #tpu.memory_space<vmem>>[vector<16xi32>, vector<16xi32>], vector<16xf32>,
      %add3A_166 = arith.addf %add3A_160, %gather3A_165 : vector<16xf32>
      %add3A_167 = vector.broadcast %mul3A_139 : i32 to vector<16xi32>
      %add3A_168 = arith.addi %add3A_167, %iota3A : vector<16xi32>
      %broadcast_in_dim3A_169 = arith.constant 5 : i32
      %broadcast_in_dim3A_170 = vector.broadcast %broadcast_in_dim3A_169 : i32 to vector<16xi32>
      %gather3A_171 = tpu.vector_load_idx %arg14[%add3A_168, %broadcast_in_dim3A_170] : memref<128x17xf32, #tpu.memory_space<vmem>>[vector<16xi32>, vector<16xi32>], vector<16xf32>,
      %add3A_172 = arith.addf %add3A_166, %gather3A_171 : vector<16xf32>
      %add3A_173 = vector.broadcast %mul3A_139 : i32 to vector<16xi32>
      %add3A_174 = arith.addi %add3A_173, %iota3A : vector<16xi32>
      %broadcast_in_dim3A_175 = arith.constant 6 : i32
      %broadcast_in_dim3A_176 = vector.broadcast %broadcast_in_dim3A_175 : i32 to vector<16xi32>
      %gather3A_177 = tpu.vector_load_idx %arg14[%add3A_174, %broadcast_in_dim3A_176] : memref<128x17xf32, #tpu.memory_space<vmem>>[vector<16xi32>, vector<16xi32>], vector<16xf32>,
      %add3A_178 = arith.addf %add3A_172, %gather3A_177 : vector<16xf32>
      %add3A_179 = vector.broadcast %mul3A_139 : i32 to vector<16xi32>
      %add3A_180 = arith.addi %add3A_179, %iota3A : vector<16xi32>
      %broadcast_in_dim3A_181 = arith.constant 7 : i32
      %broadcast_in_dim3A_182 = vector.broadcast %broadcast_in_dim3A_181 : i32 to vector<16xi32>
      %gather3A_183 = tpu.vector_load_idx %arg14[%add3A_180, %broadcast_in_dim3A_182] : memref<128x17xf32, #tpu.memory_space<vmem>>[vector<16xi32>, vector<16xi32>], vector<16xf32>,
      %add3A_184 = arith.addf %add3A_178, %gather3A_183 : vector<16xf32>
      %add3A_185 = vector.broadcast %mul3A_139 : i32 to vector<16xi32>
      %add3A_186 = arith.addi %add3A_185, %iota3A : vector<16xi32>
      %broadcast_in_dim3A_187 = arith.constant 8 : i32
      %broadcast_in_dim3A_188 = vector.broadcast %broadcast_in_dim3A_187 : i32 to vector<16xi32>
      %gather3A_189 = tpu.vector_load_idx %arg14[%add3A_186, %broadcast_in_dim3A_188] : memref<128x17xf32, #tpu.memory_space<vmem>>[vector<16xi32>, vector<16xi32>], vector<16xf32>,
      %add3A_190 = arith.addf %add3A_184, %gather3A_189 : vector<16xf32>
      %add3A_191 = vector.broadcast %mul3A_139 : i32 to vector<16xi32>
      %add3A_192 = arith.addi %add3A_191, %iota3A : vector<16xi32>
      %broadcast_in_dim3A_193 = arith.constant 9 : i32
      %broadcast_in_dim3A_194 = vector.broadcast %broadcast_in_dim3A_193 : i32 to vector<16xi32>
      %gather3A_195 = tpu.vector_load_idx %arg14[%add3A_192, %broadcast_in_dim3A_194] : memref<128x17xf32, #tpu.memory_space<vmem>>[vector<16xi32>, vector<16xi32>], vector<16xf32>,
      %add3A_196 = arith.addf %add3A_190, %gather3A_195 : vector<16xf32>
      %add3A_197 = vector.broadcast %mul3A_139 : i32 to vector<16xi32>
      %add3A_198 = arith.addi %add3A_197, %iota3A : vector<16xi32>
      %broadcast_in_dim3A_199 = arith.constant 10 : i32
      %broadcast_in_dim3A_200 = vector.broadcast %broadcast_in_dim3A_199 : i32 to vector<16xi32>
      %gather3A_201 = tpu.vector_load_idx %arg14[%add3A_198, %broadcast_in_dim3A_200] : memref<128x17xf32, #tpu.memory_space<vmem>>[vector<16xi32>, vector<16xi32>], vector<16xf32>,
      %add3A_202 = arith.addf %add3A_196, %gather3A_201 : vector<16xf32>
      %add3A_203 = vector.broadcast %mul3A_139 : i32 to vector<16xi32>
      %add3A_204 = arith.addi %add3A_203, %iota3A : vector<16xi32>
      %broadcast_in_dim3A_205 = arith.constant 11 : i32
      %broadcast_in_dim3A_206 = vector.broadcast %broadcast_in_dim3A_205 : i32 to vector<16xi32>
      %gather3A_207 = tpu.vector_load_idx %arg14[%add3A_204, %broadcast_in_dim3A_206] : memref<128x17xf32, #tpu.memory_space<vmem>>[vector<16xi32>, vector<16xi32>], vector<16xf32>,
      %add3A_208 = arith.addf %add3A_202, %gather3A_207 : vector<16xf32>
      %add3A_209 = vector.broadcast %mul3A_139 : i32 to vector<16xi32>
      %add3A_210 = arith.addi %add3A_209, %iota3A : vector<16xi32>
      %broadcast_in_dim3A_211 = arith.constant 12 : i32
      %broadcast_in_dim3A_212 = vector.broadcast %broadcast_in_dim3A_211 : i32 to vector<16xi32>
      %gather3A_213 = tpu.vector_load_idx %arg14[%add3A_210, %broadcast_in_dim3A_212] : memref<128x17xf32, #tpu.memory_space<vmem>>[vector<16xi32>, vector<16xi32>], vector<16xf32>,
      %add3A_214 = arith.addf %add3A_208, %gather3A_213 : vector<16xf32>
      %add3A_215 = vector.broadcast %mul3A_139 : i32 to vector<16xi32>
      %add3A_216 = arith.addi %add3A_215, %iota3A : vector<16xi32>
      %broadcast_in_dim3A_217 = arith.constant 13 : i32
      %broadcast_in_dim3A_218 = vector.broadcast %broadcast_in_dim3A_217 : i32 to vector<16xi32>
      %gather3A_219 = tpu.vector_load_idx %arg14[%add3A_216, %broadcast_in_dim3A_218] : memref<128x17xf32, #tpu.memory_space<vmem>>[vector<16xi32>, vector<16xi32>], vector<16xf32>,
      %add3A_220 = arith.addf %add3A_214, %gather3A_219 : vector<16xf32>
      %add3A_221 = vector.broadcast %mul3A_139 : i32 to vector<16xi32>
      %add3A_222 = arith.addi %add3A_221, %iota3A : vector<16xi32>
      %broadcast_in_dim3A_223 = arith.constant 14 : i32
      %broadcast_in_dim3A_224 = vector.broadcast %broadcast_in_dim3A_223 : i32 to vector<16xi32>
      %gather3A_225 = tpu.vector_load_idx %arg14[%add3A_222, %broadcast_in_dim3A_224] : memref<128x17xf32, #tpu.memory_space<vmem>>[vector<16xi32>, vector<16xi32>], vector<16xf32>,
      %add3A_226 = arith.addf %add3A_220, %gather3A_225 : vector<16xf32>
      %add3A_227 = vector.broadcast %mul3A_139 : i32 to vector<16xi32>
      %add3A_228 = arith.addi %add3A_227, %iota3A : vector<16xi32>
      %broadcast_in_dim3A_229 = arith.constant 15 : i32
      %broadcast_in_dim3A_230 = vector.broadcast %broadcast_in_dim3A_229 : i32 to vector<16xi32>
      %gather3A_231 = tpu.vector_load_idx %arg14[%add3A_228, %broadcast_in_dim3A_230] : memref<128x17xf32, #tpu.memory_space<vmem>>[vector<16xi32>, vector<16xi32>], vector<16xf32>,
      %add3A_232 = arith.addf %add3A_226, %gather3A_231 : vector<16xf32>
      %neg3A = arith.constant 0.000000e+00 : f32
      %neg3A_233 = vector.broadcast %neg3A : f32 to vector<16xf32>
      %neg3A_234 = arith.subf %neg3A_233, %add3A_232 : vector<16xf32>
      %exp3A = math.exp %neg3A_234 : vector<16xf32>
      %add3A_235 = arith.constant 1.000000e+00 : f32
      %add3A_236 = vector.broadcast %add3A_235 : f32 to vector<16xf32>
      %add3A_237 = arith.addf %add3A_236, %exp3A : vector<16xf32>
      %div3A = arith.constant 1.000000e+00 : f32
      %div3A_238 = vector.broadcast %div3A : f32 to vector<16xf32>
      %div3A_239 = arith.divf %div3A_238, %add3A_237 : vector<16xf32>
      %add3A_240 = arith.constant 384 : i32
      %add3A_241 = arith.addi %add3A_240, %mul3A_139 : i32
      %swap3A = arith.index_cast %add3A_241 : i32 to index
      %swap3A_242 = tpu.vector_load %arg15[%swap3A] {strides = array<i32>} : memref<512xf32, #tpu.memory_space<vmem>>, vector<16xf32>,
      tpu.vector_store %arg15[%swap3A], %div3A_239 {strides = array<i32>} : memref<512xf32, #tpu.memory_space<vmem>>, vector<16xf32>,
      %scan3A_243 = arith.constant 0 : i32
      scf.yield %scan3A_243 : i32
    }
    %scan3A_135 = arith.constant 8 : i32
    "tpu.region"() ({
      %run_scoped3A = tpu.sem_alloc : memref<!tpu.dma_semaphore, #tpu.memory_space<semaphore_mem>>
      %dma_start3A_136 = tpu.memref_slice %arg5[%mul3A_2] : memref<16384xf32, #tpu.memory_space<hbm>> -> memref<512xf32, #tpu.memory_space<hbm>>
      %dma_start3A_137 = tpu.memref_slice %arg5[%mul3A_2] : memref<16384xf32, #tpu.memory_space<hbm>> -> memref<512xf32, #tpu.memory_space<hbm>>
      tpu.enqueue_dma source(%arg15 : memref<512xf32, #tpu.memory_space<vmem>>) target(%dma_start3A_137 : memref<512xf32, #tpu.memory_space<hbm>>) target_semaphore(%run_scoped3A : memref<!tpu.dma_semaphore, #tpu.memory_space<semaphore_mem>>)
      %dma_wait3A_138 = tpu.memref_slice %arg5[%mul3A_2] : memref<16384xf32, #tpu.memory_space<hbm>> -> memref<512xf32, #tpu.memory_space<hbm>>
      %dma_wait3A_139 = tpu.memref_slice %arg5[%mul3A_2] : memref<16384xf32, #tpu.memory_space<hbm>> -> memref<512xf32, #tpu.memory_space<hbm>>
      tpu.wait_dma2 semaphore(%run_scoped3A : memref<!tpu.dma_semaphore, #tpu.memory_space<semaphore_mem>>) src(%arg15 : memref<512xf32, #tpu.memory_space<vmem>>) dst(%dma_wait3A_139 : memref<512xf32, #tpu.memory_space<hbm>>)
      tpu.yield
    }) : () -> ()
    return
  }
}

module attributes {stable_mosaic.version = 14 : i64} {
  func.func @_combo_body(%arg0: i32, %arg1: memref<64x8192xf32, #tpu.memory_space<vmem>>, %arg2: memref<64x8192xf32, #tpu.memory_space<vmem>>, %arg3: memref<32x64xf32, #tpu.memory_space<vmem>>, %arg4: memref<32x64xf32, #tpu.memory_space<vmem>>, %arg5: memref<8192x128xf32, #tpu.memory_space<vmem>>) attributes {dimension_semantics = [#tpu.dimension_semantics<arbitrary>], iteration_bounds = array<i64: 13>, scalar_prefetch = 0 : i64, scratch_operands = 0 : i64, tpu.core_type = #tpu.core_type<tc>, window_params = [{transform_indices = @transform_0, window_bounds = array<i64: 64, 8192>}, {transform_indices = @transform_1, window_bounds = array<i64: 64, 8192>}, {pipeline_mode = #tpu.pipeline_mode<synchronous>, transform_indices = @transform_2, window_bounds = array<i64: 32, 64>}, {pipeline_mode = #tpu.pipeline_mode<synchronous>, transform_indices = @transform_3, window_bounds = array<i64: 32, 64>}, {transform_indices = @transform_4, window_bounds = array<i64: 8192, 128>}]} {
    %get3A = arith.constant 0 : index
    %get3A_0 = arith.constant 0 : index
    %get3A_1 = vector.load %arg1[%get3A, %get3A_0] : memref<64x8192xf32, #tpu.memory_space<vmem>>, vector<64x8192xf32>
    %get3A_2 = arith.constant 0 : index
    %get3A_3 = arith.constant 0 : index
    %get3A_4 = vector.load %arg2[%get3A_2, %get3A_3] : memref<64x8192xf32, #tpu.memory_space<vmem>>, vector<64x8192xf32>
    %concatenate3A = tpu.concatenate %get3A_1, %get3A_4 in 0 : vector<64x8192xf32>, vector<64x8192xf32> -> vector<128x8192xf32>
    %transpose3A = tpu.transpose %concatenate3A, [1, 0] : vector<128x8192xf32> -> vector<8192x128xf32>
    %get3A_5 = arith.constant 0 : index
    %get3A_6 = arith.constant 0 : index
    %get3A_7 = vector.load %arg3[%get3A_5, %get3A_6] : memref<32x64xf32, #tpu.memory_space<vmem>>, vector<32x64xf32>
    %get3A_8 = arith.constant 0 : index
    %get3A_9 = arith.constant 0 : index
    %get3A_10 = vector.load %arg4[%get3A_8, %get3A_9] : memref<32x64xf32, #tpu.memory_space<vmem>>, vector<32x64xf32>
    %concatenate3A_11 = tpu.concatenate %get3A_7, %get3A_10 in 0 : vector<32x64xf32>, vector<32x64xf32> -> vector<64x64xf32>
    %transpose3A_12 = tpu.transpose %concatenate3A_11, [1, 0] : vector<64x64xf32> -> vector<64x64xf32>
    %slice3A = vector.extract_strided_slice %transpose3A {offsets = [0, 0], sizes = [8192, 64], strides = [1, 1]} : vector<8192x128xf32> to vector<8192x64xf32>
    %dot_general3A = arith.constant dense<0.000000e+00> : vector<8192x64xf32>
    %dot_general3A_13 = tpu.matmul %slice3A, %transpose3A_12, %dot_general3A {dimension_numbers = #tpu.dot_dimension_numbers<[1], [0], [0], [1], [0, 0, 1, 1], [], []>, transpose_lhs_hint = false} : vector<8192x64xf32>, vector<64x64xf32>, vector<8192x64xf32> -> vector<8192x64xf32>
    %slice3A_14 = vector.extract_strided_slice %transpose3A {offsets = [0, 64], sizes = [8192, 64], strides = [1, 1]} : vector<8192x128xf32> to vector<8192x64xf32>
    %concatenate3A_15 = tpu.concatenate %dot_general3A_13, %slice3A_14 in 1 : vector<8192x64xf32>, vector<8192x64xf32> -> vector<8192x128xf32>
    %swap3A = arith.constant 0 : index
    %swap3A_16 = arith.constant 0 : index
    %swap3A_17 = vector.load %arg5[%swap3A, %swap3A_16] : memref<8192x128xf32, #tpu.memory_space<vmem>>, vector<8192x128xf32>
    tpu.vector_store %arg5[%swap3A, %swap3A_16], %concatenate3A_15 {strides = array<i32>} : memref<8192x128xf32, #tpu.memory_space<vmem>>, vector<8192x128xf32>,
    return
  }
  func.func @transform_0(%arg0: i32) -> (i32, i32) {
    %c0_i32 = arith.constant 0 : i32
    %c0_i32_0 = arith.constant 0 : i32
    return %c0_i32, %arg0 : i32, i32
  }
  func.func @transform_1(%arg0: i32) -> (i32, i32) {
    %c0_i32 = arith.constant 0 : i32
    %c0_i32_0 = arith.constant 0 : i32
    return %c0_i32, %arg0 : i32, i32
  }
  func.func @transform_2(%arg0: i32) -> (i32, i32) {
    %c0_i32 = arith.constant 0 : i32
    %c0_i32_0 = arith.constant 0 : i32
    %c0_i32_1 = arith.constant 0 : i32
    return %c0_i32, %c0_i32_0 : i32, i32
  }
  func.func @transform_3(%arg0: i32) -> (i32, i32) {
    %c0_i32 = arith.constant 0 : i32
    %c0_i32_0 = arith.constant 0 : i32
    %c0_i32_1 = arith.constant 0 : i32
    return %c0_i32, %c0_i32_0 : i32, i32
  }
  func.func @transform_4(%arg0: i32) -> (i32, i32) {
    %c0_i32 = arith.constant 0 : i32
    %c0_i32_0 = arith.constant 0 : i32
    return %arg0, %c0_i32 : i32, i32
  }
}

</mosaic_0001>

<sc_bundles>
// kernel: kernel.4.cloned.1.call-start
scs
__scs_entry_jumppad:
0x0: {  	(pc) =	sbr.rel $0x88, $3  }
0x1: {  	(tag) =	ssettag $0x0;
	lr =	simm.s32 $0x1  }
0x2: {  	[smem:$0x3F9C] =	sst lr;
	_ =	strace $0xD0000000  }
0x3: {  	_ = 	snop  }
0x4: {  	_ = 	snop  }
0x5: {  	_ = 	snop  }
0x6: {  	_ = 	snop  }
0x7: {  	_ = 	snop  }
__scs_overlays_trampoline_lowered:
0x8: {  	[smem:$0x3FAB] =	sst s0  }
0x9: {  	[smem:$0x3FAC] =	sst s1  }
0xa: {  	[smem:$0x3FAD] =	sst s2  }
0xb: {  	[smem:$0x3FAE] =	sst s3  }
0xc: {  	[smem:$0x3FAF] =	sst s4  }
0xd: {  	[smem:$0x3FB0] =	sst s5  }
0xe: {  	[smem:$0x3FB1] =	sst s6  }
0xf: {  	[smem:$0x3FB2] =	sst s7  }
0x10: {  	[smem:$0x3FB3] =	sst s8  }
0x11: {  	[smem:$0x3FB4] =	sst s9;
	s0 =	simm.s32 @!p0 $0x0  }
0x12: {  	s1 =	sld [smem:$0x3F9A];
	s0 =	simm.s32 @p0 $0x1  }
0x13: {  	[smem:$0x3FB5] =	sst s0;
	s0 =	simm.s32 @!p1 $0x0  }
0x14: {  	s2 =	sld [smem:$0x3F99];
	s0 =	simm.s32 @p1 $0x1  }
0x15: {  	[smem:$0x3FB6] =	sst s0;
	s0 =	simm.s32 @!p2 $0x0  }
0x16: {  	s3 =	sld [smem:$0x3FDB];
	s0 =	simm.s32 @p2 $0x1  }
0x17: {  	s4 =	simm.s32 $0x1BF5;
	[smem:$0x3FB8] =	sst s0  }
0x18: {  	s0 =	sld [smem:$0x3F9B];
	_ =	swait.ge [sflag:s4], $0x0  }
0x19: {  	s7 =	sld [smem:$0x3F9C]  }
0x1a: {  	s8 =	sadd.s32 $0xFFFFE003, lr  }
0x1b: {  	s9 =	sadd.s32 $0xFFFFFEF7, lr;
	s5 =	simm.s32 $0xFFFFFFFF;
	p2 =	slt.u32 s8, $0xFFFFF086  }
0x1c: {  	p1 =	slt.u32 s9, $0xF7A;
	s5 =	simm.s32 @!p2 $0x0  }
0x1d: {  	s5 =	simm.s32 @p1 $0x1;
	p0 =	seq.s32 s7, s2  }
0x1e: {  	s7 =	smul.u32 @!p0 $0xF7A, s2;
	p2 =	seq.s32 @!p0 s5, $0x0  }
0x1f: {  	s9 =	smul.u32 $0xF7A, s1;
	s8 =	simm.s32 @!p0 $0x1BF5;
	p2 =	por !p2, p0  }
0x20: {  	[sflag:s8] =	ssyncset.s32 @!p0 $0xFFFFF086;
	s6 =	sadd.s32 @!p0 s3, s7;
	s7 =	simm.s32 @!p0 $0x108  }
0x21: {  	s3 =	sadd.s32 s3, s9;
	s6 =	sadd.s32 @!p0 $0x88, s6;
	s7 =	simm.s32 @p2 $0x1082  }
0x22: {  	[simem:s7], [sflag:s8] =	dma.local @!p0 [hbm:s6], $0xF7A  }
0x23: {  	s9 =	sor.u32 $0xD0000000, s2;
	s6 =	simm.s32 $0x108;
	_ =	swait.ge @!p0 [sflag:s8], $0x0  }
0x24: {  	s3 =	sadd.s32 $0x88, s3;
	s6 =	simm.s32 @!p1 $0x1082;
	[sflag:s4] =	ssyncset.s32 $0xFFFFF086  }
0x25: {  	[simem:s6], [sflag:s4] =	dma.local [hbm:s3], $0xF7A  }
0x26: {  	[smem:$0x3F9C] =	sst s1;
	(tag) =	ssettag s2;
	_ =	strace s9  }
0x27: {  	s1 =	sld [smem:$0x3FAC]  }
0x28: {  	s2 =	sld [smem:$0x3FAD]  }
0x29: {  	s4 =	sld [smem:$0x3FAF]  }
0x2a: {  	p0 =	seq.s32 s5, $0x0;
	s5 =	sld [smem:$0x3FB0]  }
0x2b: {  	s6 =	sld [smem:$0x3FB1]  }
0x2c: {  	s7 =	sld [smem:$0x3FB2]  }
0x2d: {  	s3 =	simm.s32 $0x108;
	s8 =	sld [smem:$0x3FB3]  }
0x2e: {  	s3 =	simm.s32 @!p0 $0x1082;
	s9 =	sld [smem:$0x3FB4]  }
0x2f: {  	lr =	sadd.s32 s0, s3;
	s0 =	sld [smem:$0x3FAB]  }
0x30: {  	s3 =	sld [smem:$0x3FAE]  }
0x31: {  	[smem:$0x3FB7] =	sst s10  }
0x32: {  	s10 =	sld [smem:$0x3FB5];
	_ =	sdelay $0x3  }
0x33: {  	p0 =	seq.s32 s10, $0x1;
	s10 =	sld [smem:$0x3FB7];
	_ =	sdelay $0x3  }
0x34: {  	[smem:$0x3FB7] =	sst s10  }
0x35: {  	s10 =	sld [smem:$0x3FB6];
	_ =	sdelay $0x3  }
0x36: {  	p1 =	seq.s32 s10, $0x1;
	s10 =	sld [smem:$0x3FB7];
	_ =	sdelay $0x3  }
0x37: {  	[smem:$0x3FB7] =	sst s10  }
0x38: {  	s10 =	sld [smem:$0x3FB8]  }
0x39: {  	_ = 	snop;
	(pc) =	sbr.ind lr, $3  }
0x3a: {  	_ = 	snop  }
0x3b: {  	_ = 	snop  }
0x3c: {  	p2 =	seq.s32 s10, $0x1;
	s10 =	sld [smem:$0x3FB7]  }
0x3d: {  	_ =	shalt  }
0x3e: {  	_ =	shalt  }
0x3f: {  	_ =	shalt  }
0x40: {  	_ =	shalt  }
0x41: {  	_ =	shalt  }
0x42: {  	_ =	shalt  }
0x43: {  	_ =	shalt  }
0x44: {  	_ =	shalt  }
0x45: {  	_ =	shalt  }
0x46: {  	_ =	shalt  }
0x47: {  	_ =	shalt  }
0x48: {  	_ =	shalt  }
0x49: {  	_ =	shalt  }
0x4a: {  	_ =	shalt  }
0x4b: {  	_ =	shalt  }
0x4c: {  	_ =	shalt  }
0x4d: {  	_ =	shalt  }
0x4e: {  	_ =	shalt  }
0x4f: {  	_ =	shalt  }
0x50: {  	_ =	shalt  }
0x51: {  	_ =	shalt  }
0x52: {  	_ =	shalt  }
0x53: {  	_ =	shalt  }
0x54: {  	_ =	shalt  }
0x55: {  	_ =	shalt  }
0x56: {  	_ =	shalt  }
0x57: {  	_ =	shalt  }
0x58: {  	_ =	shalt  }
0x59: {  	_ =	shalt  }
0x5a: {  	_ =	shalt  }
0x5b: {  	_ =	shalt  }
0x5c: {  	_ =	shalt  }
0x5d: {  	_ =	shalt  }
0x5e: {  	_ =	shalt  }
0x5f: {  	_ =	shalt  }
0x60: {  	_ =	shalt  }
0x61: {  	_ =	shalt  }
0x62: {  	_ =	shalt  }
0x63: {  	_ =	shalt  }
0x64: {  	_ =	shalt  }
0x65: {  	_ =	shalt  }
0x66: {  	_ =	shalt  }
0x67: {  	_ =	shalt  }
0x68: {  	_ =	shalt  }
0x69: {  	_ =	shalt  }
0x6a: {  	_ =	shalt  }
0x6b: {  	_ =	shalt  }
0x6c: {  	_ =	shalt  }
0x6d: {  	_ =	shalt  }
0x6e: {  	_ =	shalt  }
0x6f: {  	_ =	shalt  }
0x70: {  	_ =	shalt  }
0x71: {  	_ =	shalt  }
0x72: {  	_ =	shalt  }
0x73: {  	_ =	shalt  }
0x74: {  	_ =	shalt  }
0x75: {  	_ =	shalt  }
0x76: {  	_ =	shalt  }
0x77: {  	_ =	shalt  }
0x78: {  	_ =	shalt  }
0x79: {  	_ =	shalt  }
0x7a: {  	_ =	shalt  }
0x7b: {  	_ =	shalt  }
0x7c: {  	_ =	shalt  }
0x7d: {  	_ =	shalt  }
0x7e: {  	_ =	shalt  }
0x7f: {  	_ =	shalt  }
0x80: {  	_ =	shalt  }
0x81: {  	_ =	shalt  }
0x82: {  	_ =	shalt  }
0x83: {  	_ =	shalt  }
0x84: {  	_ =	shalt  }
0x85: {  	_ =	shalt  }
0x86: {  	_ =	shalt  }
0x87: {  	_ =	shalt  }
.Lfunc_end0:
.L_simem_size_0:
called_computation_lowered:
.L_overlay_start_0:
0x88: {  	s2 =	sld [smem:$0x3FD9]  }
0x89: {  	s3 =	sld [smem:$0x3FFE];
	_ =	sdelay $0x1  }
0x8a: {  	s1 =	srdreg.scid  }
0x8b: {  	s0 =	sand.u32 $0x1, s1  }
0x8c: {  	s17 =	sshll.u32 s0, $0xA;
	s2 =	sadd.s32 s3, s2  }
0x8d: {  	s2 =	sadd.s32 s2, s17  }
0x8e: {  	[smem:$0x3FC3] =	sst s2  }
0x8f: {  	_ = 	snop  }
0x90: {  	s2 =	sld [smem:$0x3FD0];
	(tm) =	ssettm $0x1  }
0x91: {  	s18 =	sld [smem:$0x3FFB];
	_ =	sdelay $0x3  }
0x92: {  	_ =	strace s18  }
0x93: {  	s3 =	sld [smem:$0x3FFC];
	_ =	sdelay $0x3  }
0x94: {  	_ =	strace s3  }
0x95: {  	s3 =	sld [smem:$0x3FFD];
	_ =	sdelay $0x3  }
0x96: {  	_ =	strace s3  }
0x97: {  	_ =	strace $0x8FFFFFFF  }
0x98: {  	s19 =	sld [smem:$0x3FDB];
	_ =	sdelay $0x1  }
0x99: {  	s4 =	simm.s32 $_scs_section_size  }
0x9a: {  	s5 =	simm.s32 $_size__tile_overlayer_lowered;
	s6 =	simm.s32 $_tile_overlayer_lowered  }
0x9b: {  	s22 =	simm.s32 $0x1BFF;
	s21 =	sshll.u32 s6, $0x1;
	s3 =	sadd.s32 s4, s19  }
0x9c: {  	s7 =	simm.s32 $0x0;
	s20 =	sshll.u32 s5, $0x1;
	s5 =	sadd.s32 s21, s3  }
0x9d: {  	[timem:s7], [sflag:s22] =	dma.local [hbm:s5], s20  }
0x9e: {  	_ =	swait.ge [sflag:s22], s20  }
0x9f: {  	s4 =	ssub.s32 $0x0, s20;
	[sflag:s22] =	ssyncset.done $0x0  }
0xa0: {  	[sflag:s22] =	ssyncadd.s32 s4;
	_ =	sdelay $0x1  }
0xa1: {  	s23 =	simm.s32 $0x1B8B  }
0xa2: {  	_ =	swait.ge [sflag:s23], $0x1  }
0xa3: {  	[sflag:s23] =	ssyncset.done $0x0  }
0xa4: {  	s25 =	simm.s32 $0x1B8E;
	s24 =	sld [smem:$0x3FFE];
	[sflag:s23] =	ssyncadd.s32 $0xFFFFFFFF  }
0xa5: {  	s26 =	simm.s32 $execute0_lowered;
	[smem:$0x3FD2] =	sst s25  }
0xa6: {  	s5 =	sshll.u32 s26, $0x1;
	_ =	strace $0x80000046;
	[dreg:$0x1] =	wrdreg $0xFFFFFFFF  }
0xa7: {  	s28 =	simm.s32 $_size_execute0_lowered;
	s3 =	sadd.s32 s3, s5;
	[dreg:$0x0] =	wrdreg $0x0  }
0xa8: {  	s5 =	sshll.u32 s28, $0x1;
	[dreg:$0x2] =	wrdreg s3  }
0xa9: {  	[dreg:$0x3] =	wrdreg s5  }
0xaa: {  	[dreg:$0x4] =	wrdreg $0xC0  }
0xab: {  	_ =	task [dreg:s7], $0x5FFFF  }
0xac: {  	[dreg:$0x1] =	wrdreg $0xFFFFFFFF  }
0xad: {  	[dreg:$0x0] =	wrdreg $0x60  }
0xae: {  	[dreg:$0x2] =	wrdreg s24  }
0xaf: {  	[dreg:$0x3] =	wrdreg s2  }
0xb0: {  	[dreg:$0x4] =	wrdreg $0x9  }
0xb1: {  	_ =	task.clear_ibuf [dreg:s7], $0x5FFFF;
	_ =	strace $0x90000046  }
0xb2: {  	s29 =	simm.s32 $0x9;
	_ =	strace $0x80000048  }
0xb3: {  	_ =	swait.ge [sflag:s29], $0x1  }
0xb4: {  	[sflag:s29] =	ssyncadd.s32 $0xFFFFFFFF  }
0xb5: {  	_ =	strace $0x90000048  }
0xb6: {  	_ =	sfence  }
0xb7: {  	s30 =	sld [smem:$0x0];
	_ =	sdelay $0x2  }
0xb8: {  	s31 =	sshll.u32 s1, $0xD;
	s1 =	sshrl.u32 s1, $0x2  }
0xb9: {  	s3 =	sand.u32 $0x4000, s31;
	s1 =	sadd.s32 s1, s30  }
0xba: {  	s0 =	sor.u32 s3, s0;
	s1 =	sshll.u32 s1, $0x11  }
0xbb: {  	s0 =	sor.u32 s1, s0  }
0xbc: {  	s0 =	sadd.s32 $0x8F2B, s0  }
0xbd: {  	[sflag:s0] =	ssyncadd.remote.s32 $0x1  }
0xbe: {  	_ =	sfence.sel $0xFFFF  }
0xbf: {  	[dreg:$0x0] =	wrdreg $0xFFFFFFFF;
	(pc) =	sbr.abs _section_cstart, $3  }
0xc0: {  	[dreg:$0x1] =	wrdreg $0xFFFFFFFF  }
0xc1: {  	_ =	task.clear_ibuf [dreg:s7], $0x2FFFF;
	_ =	strace $0x9FFFFFFF  }
0xc2: {  	(tm) =	ssettm $0x7FFFFFFF  }
0xc3: {  	_ =	shalt  }
tec
execute0_lowered:
.L_overlay_start_1:
0x0: {  	(tag) =	ssettag $0x1  }
0x1: {  	s0 =	rddreg [dreg:$0x0]  }
0x2: {  	s1 =	rddreg [dreg:$0x1];
	s2 =	simm.s32 $0x0  }
0x3: {  	s3 =	srdreg.scid;
	s4 =	stileid.u32;
	s9 =	simm.s32 $0x200  }
0x4: {  	s10 =	simm.s32 $0x80;
	s11 =	simm.s32 $0x400;
	s12 =	simm.s32 $0x2400  }
0x5: {  	s20 =	simm.s32 $0x1;
	s21 =	simm.s32 $0x2;
	s22 =	simm.s32 $0xC400  }
0x6: {  	v0 =	vlaneseq.u32;
	s23 =	simm.s32 $0x180;
	s24 =	simm.s32 $0x380;
	s25 =	simm.s32 $0x3  }
0x7: {  	s28 =	simm.s32 $0x5;
	s29 =	simm.s32 $0x6;
	s30 =	simm.s32 $0xD000;
	v0 =	vmul.u32 $0x18, v0  }
0x8: {  	s31 =	simm.s32 $0x0;
	[smem:$0x7FF] =	sst s2;
	s3 =	sand.u32 $0x1, s3  }
0x9: {  	s4 =	sshll.u32 s4, $0x7;
	s5 =	sshll.u32 s3, $0x6;
	s6 =	ssub.s32 $0x2, s3;
	v1 =	vor.u32 $0x1, v0;
	v2 =	vor.u32 $0x2, v0;
	v3 =	vor.u32 $0x3, v0  }
0xa: {  	_ =	strace $0x80000047;
	s7 =	sor.u32 s5, s4;
	s26 =	sshrl.u32 s6, $0x1;
	v4 =	vor.u32 $0x4, v0;
	v5 =	vor.u32 $0x5, v0;
	v6 =	vor.u32 $0x6, v0  }
0xb: {  	s3 =	sadd.s32 $0x1A00, s0;
	v7 =	vor.u32 $0x7, v0;
	v8 =	vadd.s32 $0x8, v0;
	v9 =	vadd.s32 $0x9, v0;
	s0 =	sadd.s32 s7, s0;
	s8 =	ssub.s32 s6, s26  }
0xc: {  	v10 =	vadd.s32 $0xA, v0;
	v11 =	vadd.s32 $0xB, v0;
	v12 =	vadd.s32 $0xC, v0;
	s6 =	sadd.s32 s1, s7;
	s26 =	simm.s32 $0x4;
	s4 =	sadd.s32 $0x1200, s0  }
0xd: {  	v13 =	vadd.s32 $0xD, v0;
	v14 =	vadd.s32 $0xE, v0;
	v15 =	vadd.s32 $0xF, v0;
	s5 =	sadd.s32 $0xA00, s0;
	s7 =	smax.u32 s8, $0x1;
	s8 =	simm.s32 $0x7  }
.LBB2_1:
0xe: {  	[tilespmem:s2], [sflag:$0x7] =	stream.linear.gather [hbm4b:s4+s2], $0x200, $0x38;
	[tilespmem:$0xD200] =	vst v63  }
0xf: {  	_ =	swait.ge [sflag:s8], $0x200  }
0x10: {  	[sflag:s8] =	ssyncset.done $0x0  }
0x11: {  	[sflag:s8] =	ssyncadd.s32 $0xFFFFFE00  }
0x12: {  	[tilespmem:s9], [sflag:$0x7] =	stream.linear.gather [hbm4b:s5+s2], $0x200, $0x38;
	[tilespmem:$0xD200] =	vst v63  }
0x13: {  	_ =	swait.ge [sflag:s8], $0x200  }
0x14: {  	[sflag:s8] =	ssyncset.done $0x0  }
0x15: {  	[sflag:s8] =	ssyncadd.s32 $0xFFFFFE00  }
0x16: {  	[tilespmem:s11], [sflag:$0x1] =	stream.indirect.gather [hbm4b:s3+s10], $0x40, s2, s10, $0xb8;
	[tilespmem:$0xD200] =	vst v63  }
0x17: {  	_ = 	snop  }
0x18: {  	[tilespmem:s12], [sflag:$0x2] =	stream.indirect.gather [hbm4b:s3+s10], $0x40, s9, s10, $0xb8;
	[tilespmem:$0xD200] =	vst v63  }
0x19: {  	s0 =	simm.s32 $0x4400  }
0x1a: {  	[tilespmem:s0], [sflag:$0x3] =	stream.indirect.gather [hbm4b:s3+s10], $0x40, s10, s10, $0xb8;
	[tilespmem:$0xD200] =	vst v63  }
0x1b: {  	s15 =	simm.s32 $0x280;
	s1 =	simm.s32 $0x6400  }
0x1c: {  	[tilespmem:s1], [sflag:$0x4] =	stream.indirect.gather [hbm4b:s3+s10], $0x40, s15, s10, $0xb8;
	[tilespmem:$0xD200] =	vst v63  }
0x1d: {  	s16 =	simm.s32 $0x100;
	s17 =	simm.s32 $0x8400  }
0x1e: {  	[tilespmem:s17], [sflag:$0x5] =	stream.indirect.gather [hbm4b:s3+s10], $0x40, s16, s10, $0xb8;
	[tilespmem:$0xD200] =	vst v63  }
0x1f: {  	s18 =	simm.s32 $0x300;
	s19 =	simm.s32 $0xA400  }
0x20: {  	[tilespmem:s19], [sflag:$0x6] =	stream.indirect.gather [hbm4b:s3+s10], $0x40, s18, s10, $0xb8;
	[tilespmem:$0xD200] =	vst v63  }
0x21: {  	_ =	swait.ge [sflag:s20], $0x2000  }
0x22: {  	[sflag:s20] =	ssyncset.done $0x0  }
0x23: {  	[sflag:s20] =	ssyncadd.s32 $0xFFFFE000  }
0x24: {  	_ =	swait.ge [sflag:s21], $0x2000  }
0x25: {  	[sflag:s21] =	ssyncset.done $0x0  }
0x26: {  	s1 =	simm.s32 $0x500;
	[sflag:s21] =	ssyncadd.s32 $0xFFFFE000  }
0x27: {  	s0 =	simm.s32 $0x2500;
	v16 =	vld [tilespmem:s1+$0xFFFFFF00]  }
0x28: {  	v17 =	vld [tilespmem:s0+$0xFFFFFF10]  }
0x29: {  	v18 =	vld [tilespmem:s1+$0xFFFFFF10]  }
0x2a: {  	v19 =	vld [tilespmem:s0+$0xFFFFFF00]  }
0x2b: {  	v20 =	vld [tilespmem:s0+$0xFFFFFF20]  }
0x2c: {  	v21 =	vld [tilespmem:s1+$0xFFFFFF20]  }
0x2d: {  	v22 =	vld [tilespmem:s0+$0xFFFFFF30]  }
0x2e: {  	v23 =	vld [tilespmem:s1+$0xFFFFFF30]  }
0x2f: {  	v17 =	vmul.f32 v17, v18;
	v16 =	vmul.f32 v19, v16;
	_ =	sdelay $0x1  }
0x30: {  	v16 =	vadd.f32 v17, v16;
	v17 =	vmul.f32 v20, v21;
	_ =	sdelay $0x1  }
0x31: {  	v16 =	vadd.f32 v17, v16;
	v17 =	vmul.f32 v22, v23;
	_ =	sdelay $0x1  }
0x32: {  	v16 =	vadd.f32 v17, v16  }
0x33: {  	s13 =	simm.s32 $0xC460  }
0x34: {  	[tilespmem:s13+$0xFFFFFFA0] =	vst v16  }
0x35: {  	v16 =	vld [tilespmem:s0+$0xFFFFFF50]  }
0x36: {  	v17 =	vld [tilespmem:s1+$0xFFFFFF40]  }
0x37: {  	v18 =	vld [tilespmem:s1+$0xFFFFFF50]  }
0x38: {  	v19 =	vld [tilespmem:s0+$0xFFFFFF40]  }
0x39: {  	v20 =	vld [tilespmem:s0+$0xFFFFFF60]  }
0x3a: {  	v47 =	vld [tilespmem:s1+$0xFFFFFF60]  }
0x3b: {  	v48 =	vld [tilespmem:s0+$0xFFFFFF70]  }
0x3c: {  	v49 =	vld [tilespmem:s1+$0xFFFFFF70]  }
0x3d: {  	v16 =	vmul.f32 v16, v18;
	v17 =	vmul.f32 v19, v17;
	_ =	sdelay $0x1  }
0x3e: {  	v16 =	vadd.f32 v16, v17;
	v17 =	vmul.f32 v20, v47;
	_ =	sdelay $0x1  }
0x3f: {  	v16 =	vadd.f32 v17, v16;
	v17 =	vmul.f32 v48, v49;
	_ =	sdelay $0x1  }
0x40: {  	v16 =	vadd.f32 v17, v16;
	_ =	sdelay $0x1  }
0x41: {  	[tilespmem:s13+$0xFFFFFFB8] =	vst v16  }
0x42: {  	v16 =	vld [tilespmem:s1+$0xFFFFFF80]  }
0x43: {  	v17 =	vld [tilespmem:s0+$0xFFFFFF80]  }
0x44: {  	v18 =	vld [tilespmem:s0+$0xFFFFFF90]  }
0x45: {  	v19 =	vld [tilespmem:s1+$0xFFFFFF90]  }
0x46: {  	v20 =	vld [tilespmem:s0+$0xFFFFFFA0]  }
0x47: {  	v50 =	vld [tilespmem:s1+$0xFFFFFFA0]  }
0x48: {  	v51 =	vld [tilespmem:s0+$0xFFFFFFB0]  }
0x49: {  	v52 =	vld [tilespmem:s1+$0xFFFFFFB0]  }
0x4a: {  	v16 =	vmul.f32 v17, v16;
	v17 =	vmul.f32 v18, v19;
	_ =	sdelay $0x1  }
0x4b: {  	v16 =	vadd.f32 v17, v16;
	v17 =	vmul.f32 v20, v50;
	_ =	sdelay $0x1  }
0x4c: {  	v16 =	vadd.f32 v17, v16;
	v17 =	vmul.f32 v51, v52;
	_ =	sdelay $0x1  }
0x4d: {  	v16 =	vadd.f32 v17, v16;
	_ =	sdelay $0x1  }
0x4e: {  	[tilespmem:s13+$0xFFFFFFD0] =	vst v16  }
0x4f: {  	v16 =	vld [tilespmem:s0+$0xFFFFFFC0]  }
0x50: {  	v17 =	vld [tilespmem:s1+$0xFFFFFFC0]  }
0x51: {  	v18 =	vld [tilespmem:s1+$0xFFFFFFD0]  }
0x52: {  	v19 =	vld [tilespmem:s0+$0xFFFFFFD0]  }
0x53: {  	v20 =	vld [tilespmem:s1+$0xFFFFFFE0]  }
0x54: {  	v53 =	vld [tilespmem:s0+$0xFFFFFFE0]  }
0x55: {  	v54 =	vld [tilespmem:s0+$0xFFFFFFF0]  }
0x56: {  	v55 =	vld [tilespmem:s1+$0xFFFFFFF0]  }
0x57: {  	v16 =	vmul.f32 v16, v17;
	v17 =	vmul.f32 v19, v18;
	_ =	sdelay $0x1  }
0x58: {  	v16 =	vadd.f32 v17, v16;
	v17 =	vmul.f32 v53, v20;
	_ =	sdelay $0x1  }
0x59: {  	v16 =	vadd.f32 v17, v16;
	v17 =	vmul.f32 v54, v55;
	_ =	sdelay $0x1  }
0x5a: {  	v16 =	vadd.f32 v17, v16;
	_ =	sdelay $0x1  }
0x5b: {  	[tilespmem:s13+$0xFFFFFFE8] =	vst v16  }
0x5c: {  	v16 =	vld [tilespmem:s0+$0x10]  }
0x5d: {  	v17 =	vld [tilespmem:s1+$0x0]  }
0x5e: {  	v18 =	vld [tilespmem:s0+$0x0]  }
0x5f: {  	v19 =	vld [tilespmem:s1+$0x10]  }
0x60: {  	v20 =	vld [tilespmem:s0+$0x20]  }
0x61: {  	v56 =	vld [tilespmem:s1+$0x20]  }
0x62: {  	v57 =	vld [tilespmem:s0+$0x30]  }
0x63: {  	v58 =	vld [tilespmem:s1+$0x30]  }
0x64: {  	v17 =	vmul.f32 v18, v17;
	v16 =	vmul.f32 v16, v19;
	_ =	sdelay $0x1  }
0x65: {  	v16 =	vadd.f32 v16, v17;
	v17 =	vmul.f32 v20, v56;
	_ =	sdelay $0x1  }
0x66: {  	v16 =	vadd.f32 v17, v16;
	v17 =	vmul.f32 v57, v58;
	_ =	sdelay $0x1  }
0x67: {  	v16 =	vadd.f32 v17, v16;
	_ =	sdelay $0x1  }
0x68: {  	[tilespmem:s13+$0x0] =	vst v16  }
0x69: {  	v16 =	vld [tilespmem:s0+$0x50]  }
0x6a: {  	v17 =	vld [tilespmem:s1+$0x40]  }
0x6b: {  	v18 =	vld [tilespmem:s0+$0x40]  }
0x6c: {  	v19 =	vld [tilespmem:s1+$0x50]  }
0x6d: {  	v20 =	vld [tilespmem:s1+$0x60]  }
0x6e: {  	v59 =	vld [tilespmem:s0+$0x60]  }
0x6f: {  	v60 =	vld [tilespmem:s1+$0x70]  }
0x70: {  	v61 =	vld [tilespmem:s0+$0x70]  }
0x71: {  	v17 =	vmul.f32 v18, v17;
	v16 =	vmul.f32 v16, v19;
	_ =	sdelay $0x1  }
0x72: {  	v16 =	vadd.f32 v16, v17;
	v17 =	vmul.f32 v59, v20;
	_ =	sdelay $0x1  }
0x73: {  	v16 =	vadd.f32 v17, v16;
	v17 =	vmul.f32 v61, v60;
	_ =	sdelay $0x1  }
0x74: {  	v16 =	vadd.f32 v17, v16;
	_ =	sdelay $0x1  }
0x75: {  	[tilespmem:s13+$0x18] =	vst v16  }
0x76: {  	v16 =	vld [tilespmem:s0+$0x80]  }
0x77: {  	v17 =	vld [tilespmem:s1+$0x80]  }
0x78: {  	v18 =	vld [tilespmem:s0+$0x90]  }
0x79: {  	v19 =	vld [tilespmem:s1+$0x90]  }
0x7a: {  	v20 =	vld [tilespmem:s1+$0xA0]  }
0x7b: {  	v62 =	vld [tilespmem:s0+$0xA0]  }
0x7c: {  	v63 =	vmul.f32 v16, v17;
	v16 =	vld [tilespmem:s1+$0xB0]  }
0x7d: {  	v17 =	vld [tilespmem:s0+$0xB0]  }
0x7e: {  	v18 =	vmul.f32 v18, v19  }
0x7f: {  	s14 =	simm.s32 $0xC460  }
0x80: {  	s15 =	simm.s32 $0x500;
	s16 =	simm.s32 $0x0;
	s17 =	simm.s32 $0x2700;
	v19 =	vmul.f32 v62, v20;
	v18 =	vadd.f32 v18, v63  }
.LBB2_2:
0x81: {  	s16 =	sadd.s32 $0x8, s16;
	s13 =	sadd.s32 $0xC0, s13;
	s1 =	sadd.s32 $0x200, s1  }
0x82: {  	v18 =	vadd.f32 v19, v18;
	v16 =	vmul.f32 v17, v16;
	p0 =	slt.u32 s16, $0x78;
	_ =	sdelay $0x1  }
0x83: {  	v16 =	vadd.f32 v16, v18;
	_ =	sdelay $0x1  }
0x84: {  	[tilespmem:s14+$0x30] =	vst v16  }
0x85: {  	v16 =	vld [tilespmem:s15+$0xE0]  }
0x86: {  	v17 =	vld [tilespmem:s0+$0xE0]  }
0x87: {  	v18 =	vld [tilespmem:s15+$0xC0]  }
0x88: {  	v19 =	vld [tilespmem:s0+$0xD0]  }
0x89: {  	v20 =	vld [tilespmem:s15+$0xD0]  }
0x8a: {  	v21 =	vld [tilespmem:s0+$0xC0]  }
0x8b: {  	v22 =	vld [tilespmem:s15+$0xF0];
	s15 =	smov.u32 s1  }
0x8c: {  	v23 =	vld [tilespmem:s0+$0xF0];
	s0 =	smov.u32 s17;
	_ =	sdelay $0x1  }
0x8d: {  	v16 =	vmul.f32 v17, v16;
	v19 =	vmul.f32 v19, v20  }
0x8e: {  	v17 =	vmul.f32 v21, v18;
	_ =	sdelay $0x1  }
0x8f: {  	v17 =	vadd.f32 v19, v17;
	v18 =	vmul.f32 v23, v22;
	_ =	sdelay $0x1  }
0x90: {  	v16 =	vadd.f32 v16, v17;
	_ =	sdelay $0x1  }
0x91: {  	v16 =	vadd.f32 v18, v16;
	_ =	sdelay $0x1  }
0x92: {  	[tilespmem:s14+$0x48] =	vst v16;
	s14 =	smov.u32 s13  }
0x93: {  	v16 =	vld [tilespmem:s1+$0xFFFFFF00]  }
0x94: {  	v17 =	vld [tilespmem:s17+$0xFFFFFF10]  }
0x95: {  	v18 =	vld [tilespmem:s1+$0xFFFFFF10]  }
0x96: {  	v19 =	vld [tilespmem:s17+$0xFFFFFF00]  }
0x97: {  	v20 =	vld [tilespmem:s17+$0xFFFFFF20]  }
0x98: {  	v21 =	vld [tilespmem:s1+$0xFFFFFF20]  }
0x99: {  	v22 =	vld [tilespmem:s17+$0xFFFFFF30]  }
0x9a: {  	v17 =	vmul.f32 v17, v18;
	v18 =	vld [tilespmem:s1+$0xFFFFFF30]  }
0x9b: {  	v16 =	vmul.f32 v19, v16;
	_ =	sdelay $0x1  }
0x9c: {  	v16 =	vadd.f32 v17, v16;
	v17 =	vmul.f32 v20, v21;
	_ =	sdelay $0x1  }
0x9d: {  	v16 =	vadd.f32 v17, v16;
	v17 =	vmul.f32 v22, v18;
	_ =	sdelay $0x1  }
0x9e: {  	v16 =	vadd.f32 v17, v16;
	_ =	sdelay $0x1  }
0x9f: {  	[tilespmem:s13+$0xFFFFFFA0] =	vst v16  }
0xa0: {  	v16 =	vld [tilespmem:s17+$0xFFFFFF50]  }
0xa1: {  	v17 =	vld [tilespmem:s1+$0xFFFFFF40]  }
0xa2: {  	v18 =	vld [tilespmem:s1+$0xFFFFFF50]  }
0xa3: {  	v19 =	vld [tilespmem:s17+$0xFFFFFF40]  }
0xa4: {  	v20 =	vld [tilespmem:s17+$0xFFFFFF60]  }
0xa5: {  	v21 =	vld [tilespmem:s1+$0xFFFFFF60]  }
0xa6: {  	v22 =	vld [tilespmem:s17+$0xFFFFFF70]  }
0xa7: {  	v16 =	vmul.f32 v16, v18;
	v18 =	vld [tilespmem:s1+$0xFFFFFF70]  }
0xa8: {  	v17 =	vmul.f32 v19, v17;
	_ =	sdelay $0x1  }
0xa9: {  	v16 =	vadd.f32 v16, v17;
	v17 =	vmul.f32 v20, v21;
	_ =	sdelay $0x1  }
0xaa: {  	v16 =	vadd.f32 v17, v16;
	v17 =	vmul.f32 v22, v18;
	_ =	sdelay $0x1  }
0xab: {  	v16 =	vadd.f32 v17, v16;
	_ =	sdelay $0x1  }
0xac: {  	[tilespmem:s13+$0xFFFFFFB8] =	vst v16  }
0xad: {  	v16 =	vld [tilespmem:s1+$0xFFFFFF80]  }
0xae: {  	v17 =	vld [tilespmem:s17+$0xFFFFFF80]  }
0xaf: {  	v18 =	vld [tilespmem:s17+$0xFFFFFF90]  }
0xb0: {  	v19 =	vld [tilespmem:s1+$0xFFFFFF90]  }
0xb1: {  	v20 =	vld [tilespmem:s17+$0xFFFFFFA0]  }
0xb2: {  	v21 =	vld [tilespmem:s1+$0xFFFFFFA0]  }
0xb3: {  	v16 =	vmul.f32 v17, v16;
	v17 =	vld [tilespmem:s17+$0xFFFFFFB0]  }
0xb4: {  	v22 =	vld [tilespmem:s1+$0xFFFFFFB0]  }
0xb5: {  	v18 =	vmul.f32 v18, v19;
	_ =	sdelay $0x1  }
0xb6: {  	v16 =	vadd.f32 v18, v16;
	v18 =	vmul.f32 v20, v21;
	_ =	sdelay $0x1  }
0xb7: {  	v16 =	vadd.f32 v18, v16;
	v17 =	vmul.f32 v17, v22;
	_ =	sdelay $0x1  }
0xb8: {  	v16 =	vadd.f32 v17, v16;
	_ =	sdelay $0x1  }
0xb9: {  	[tilespmem:s13+$0xFFFFFFD0] =	vst v16  }
0xba: {  	v16 =	vld [tilespmem:s17+$0xFFFFFFC0]  }
0xbb: {  	v17 =	vld [tilespmem:s1+$0xFFFFFFC0]  }
0xbc: {  	v18 =	vld [tilespmem:s1+$0xFFFFFFD0]  }
0xbd: {  	v19 =	vld [tilespmem:s17+$0xFFFFFFD0]  }
0xbe: {  	v20 =	vld [tilespmem:s1+$0xFFFFFFE0]  }
0xbf: {  	v21 =	vld [tilespmem:s17+$0xFFFFFFE0]  }
0xc0: {  	v16 =	vmul.f32 v16, v17;
	v17 =	vld [tilespmem:s17+$0xFFFFFFF0]  }
0xc1: {  	v22 =	vld [tilespmem:s1+$0xFFFFFFF0]  }
0xc2: {  	v18 =	vmul.f32 v19, v18;
	_ =	sdelay $0x1  }
0xc3: {  	v16 =	vadd.f32 v18, v16;
	v18 =	vmul.f32 v21, v20;
	_ =	sdelay $0x1  }
0xc4: {  	v16 =	vadd.f32 v18, v16;
	v17 =	vmul.f32 v17, v22;
	_ =	sdelay $0x1  }
0xc5: {  	v16 =	vadd.f32 v17, v16;
	_ =	sdelay $0x1  }
0xc6: {  	[tilespmem:s13+$0xFFFFFFE8] =	vst v16  }
0xc7: {  	v16 =	vld [tilespmem:s17+$0x10]  }
0xc8: {  	v17 =	vld [tilespmem:s1+$0x0]  }
0xc9: {  	v18 =	vld [tilespmem:s17+$0x0]  }
0xca: {  	v19 =	vld [tilespmem:s1+$0x10]  }
0xcb: {  	v20 =	vld [tilespmem:s17+$0x20]  }
0xcc: {  	v21 =	vld [tilespmem:s1+$0x20]  }
0xcd: {  	v22 =	vld [tilespmem:s17+$0x30]  }
0xce: {  	v17 =	vmul.f32 v18, v17;
	v18 =	vld [tilespmem:s1+$0x30]  }
0xcf: {  	v16 =	vmul.f32 v16, v19;
	_ =	sdelay $0x1  }
0xd0: {  	v16 =	vadd.f32 v16, v17;
	v17 =	vmul.f32 v20, v21;
	_ =	sdelay $0x1  }
0xd1: {  	v16 =	vadd.f32 v17, v16;
	v17 =	vmul.f32 v22, v18;
	_ =	sdelay $0x1  }
0xd2: {  	v16 =	vadd.f32 v17, v16;
	_ =	sdelay $0x1  }
0xd3: {  	[tilespmem:s13+$0x0] =	vst v16  }
0xd4: {  	v16 =	vld [tilespmem:s17+$0x50]  }
0xd5: {  	v17 =	vld [tilespmem:s1+$0x40]  }
0xd6: {  	v18 =	vld [tilespmem:s17+$0x40]  }
0xd7: {  	v19 =	vld [tilespmem:s1+$0x50]  }
0xd8: {  	v20 =	vld [tilespmem:s1+$0x60]  }
0xd9: {  	v21 =	vld [tilespmem:s17+$0x60]  }
0xda: {  	v22 =	vld [tilespmem:s1+$0x70]  }
0xdb: {  	v17 =	vmul.f32 v18, v17;
	v18 =	vld [tilespmem:s17+$0x70]  }
0xdc: {  	v16 =	vmul.f32 v16, v19;
	_ =	sdelay $0x1  }
0xdd: {  	v16 =	vadd.f32 v16, v17;
	v17 =	vmul.f32 v21, v20;
	_ =	sdelay $0x1  }
0xde: {  	v16 =	vadd.f32 v17, v16;
	v17 =	vmul.f32 v18, v22;
	_ =	sdelay $0x1  }
0xdf: {  	v16 =	vadd.f32 v17, v16;
	_ =	sdelay $0x1  }
0xe0: {  	[tilespmem:s13+$0x18] =	vst v16  }
0xe1: {  	v16 =	vld [tilespmem:s17+$0x80]  }
0xe2: {  	v17 =	vld [tilespmem:s1+$0x80]  }
0xe3: {  	v18 =	vld [tilespmem:s17+$0x90]  }
0xe4: {  	v19 =	vld [tilespmem:s1+$0x90]  }
0xe5: {  	v20 =	vld [tilespmem:s1+$0xA0]  }
0xe6: {  	v21 =	vld [tilespmem:s17+$0xA0]  }
0xe7: {  	v22 =	vmul.f32 v16, v17;
	v16 =	vld [tilespmem:s1+$0xB0]  }
.Ltmp0:
0xe8: {  	v17 =	vld [tilespmem:s17+$0xB0];
	(pc) =	sbr.rel @p0 .LBB2_2-.Ltmp0, $3  }
0xe9: {  	v18 =	vmul.f32 v18, v19;
	_ =	sdelay $0x1  }
0xea: {  	v18 =	vadd.f32 v18, v22;
	v19 =	vmul.f32 v21, v20  }
0xeb: {  	s19 =	simm.s32 $0x0;
	s18 =	simm.s32 $0xD000;
	s17 =	sadd.s32 $0x200, s17  }
0xec: {  	v18 =	vadd.f32 v19, v18;
	v16 =	vmul.f32 v17, v16;
	_ =	sdelay $0x1  }
0xed: {  	v16 =	vadd.f32 v16, v18;
	_ =	sdelay $0x1  }
0xee: {  	[tilespmem:s14+$0x30] =	vst v16  }
0xef: {  	v16 =	vld [tilespmem:s15+$0xC0]  }
0xf0: {  	v17 =	vld [tilespmem:s0+$0xD0]  }
0xf1: {  	v18 =	vld [tilespmem:s15+$0xD0]  }
0xf2: {  	v19 =	vld [tilespmem:s0+$0xC0]  }
0xf3: {  	v20 =	vld [tilespmem:s15+$0xE0]  }
0xf4: {  	v21 =	vld [tilespmem:s0+$0xE0]  }
0xf5: {  	v22 =	vld [tilespmem:s15+$0xF0]  }
0xf6: {  	v24 =	vmov s19;
	v23 =	vld [tilespmem:s0+$0xF0]  }
0xf7: {  	v17 =	vmul.f32 v17, v18;
	v16 =	vmul.f32 v19, v16;
	v18 =	vmul.u32 $0x18, v24;
	_ =	sdelay $0x1  }
0xf8: {  	v19 =	vmul.f32 v21, v20;
	v16 =	vadd.f32 v17, v16;
	v17 =	vbroadcast v18, $0x0;
	_ =	sdelay $0x1  }
0xf9: {  	v18 =	vmul.f32 v23, v22;
	v16 =	vadd.f32 v19, v16;
	v19 =	vadd.s32 v1, v17  }
0xfa: {  	v32 =	vadd.s32 v0, v17  }
0xfb: {  	v16 =	vadd.f32 v18, v16  }
0xfc: {  	v18 =	vadd.s32 v2, v17  }
0xfd: {  	[tilespmem:s14+$0x48] =	vst v16  }
0xfe: {  	v16 =	vld.idx.msk [tilespmem:v19+s22+$0x0], $0xffff;
	v19 =	vadd.s32 v3, v17  }
0xff: {  	v20 =	vld.idx.msk [tilespmem:v32+s22+$0x0], $0xffff  }
0x100: {  	v33 =	vadd.s32 v4, v17  }
0x101: {  	v18 =	vld.idx.msk [tilespmem:v18+s22+$0x0], $0xffff  }
0x102: {  	v34 =	vadd.s32 v5, v17  }
0x103: {  	v19 =	vld.idx.msk [tilespmem:v19+s22+$0x0], $0xffff  }
0x104: {  	v35 =	vadd.s32 v6, v17;
	v16 =	vadd.f32 v16, v20  }
0x105: {  	v36 =	vld.idx.msk [tilespmem:v33+s22+$0x0], $0xffff  }
0x106: {  	v37 =	vadd.s32 v7, v17;
	v16 =	vadd.f32 v18, v16  }
0x107: {  	v18 =	vld.idx.msk [tilespmem:v34+s22+$0x0], $0xffff  }
0x108: {  	v38 =	vadd.s32 v8, v17;
	v16 =	vadd.f32 v19, v16  }
0x109: {  	v19 =	vld.idx.msk [tilespmem:v35+s22+$0x0], $0xffff  }
0x10a: {  	v39 =	vadd.s32 v9, v17;
	v16 =	vadd.f32 v36, v16  }
0x10b: {  	v40 =	vld.idx.msk [tilespmem:v37+s22+$0x0], $0xffff  }
0x10c: {  	v41 =	vadd.s32 v10, v17;
	v16 =	vadd.f32 v18, v16  }
0x10d: {  	v18 =	vld.idx.msk [tilespmem:v38+s22+$0x0], $0xffff  }
0x10e: {  	v42 =	vadd.s32 v11, v17;
	v16 =	vadd.f32 v19, v16  }
0x10f: {  	v19 =	vld.idx.msk [tilespmem:v39+s22+$0x0], $0xffff  }
0x110: {  	v43 =	vadd.s32 v12, v17;
	v16 =	vadd.f32 v40, v16  }
0x111: {  	v44 =	vld.idx.msk [tilespmem:v41+s22+$0x0], $0xffff  }
0x112: {  	v45 =	vadd.s32 v13, v17;
	v16 =	vadd.f32 v18, v16  }
0x113: {  	v18 =	vld.idx.msk [tilespmem:v42+s22+$0x0], $0xffff  }
0x114: {  	v46 =	vadd.s32 v14, v17;
	v16 =	vadd.f32 v19, v16  }
0x115: {  	v19 =	vld.idx.msk [tilespmem:v43+s22+$0x0], $0xffff  }
0x116: {  	v17 =	vadd.s32 v15, v17;
	v16 =	vadd.f32 v44, v16  }
0x117: {  	v47 =	vld.idx.msk [tilespmem:v45+s22+$0x0], $0xffff  }
0x118: {  	v16 =	vadd.f32 v18, v16  }
0x119: {  	v18 =	vld.idx.msk [tilespmem:v46+s22+$0x0], $0xffff  }
0x11a: {  	v16 =	vadd.f32 v19, v16  }
0x11b: {  	v17 =	vld.idx.msk [tilespmem:v17+s22+$0x0], $0xffff  }
0x11c: {  	v16 =	vadd.f32 v47, v16;
	_ =	sdelay $0x1  }
0x11d: {  	v16 =	vadd.f32 v18, v16;
	_ =	sdelay $0x1  }
0x11e: {  	v16 =	vadd.f32 v17, v16;
	_ =	sdelay $0x1  }
0x11f: {  	v16 =	vsub.f32 $0.0e+00, v16;
	_ =	sdelay $0x1  }
0x120: {  	v16 =	vmul.f32 $1.442695020e+00, v16;
	_ =	sdelay $0x1  }
0x121: {  	(erf) = vpow2.f32 v16;
	_ =	sdelay $0x8  }
0x122: {  	v16 =	vpop (erf)  }
0x123: {  	v16 =	vadd.f32 $1.000000000e+00, v16;
	_ =	sdelay $0x1  }
0x124: {  	s17 =	simm.s32 $0x10;
	(erf) = vrcp.f32 v16  }
0x125: {  	v16 =	vmov s17  }
0x126: {  	v16 =	vmul.u32 $0x18, v16;
	_ =	sdelay $0x1  }
0x127: {  	v16 =	vbroadcast v16, $0x0;
	_ =	sdelay $0x1  }
0x128: {  	v17 =	vadd.s32 v1, v16  }
0x129: {  	v18 =	vadd.s32 v0, v16;
	_ =	sdelay $0x1  }
0x12a: {  	v19 =	vadd.s32 v2, v16;
	v48 =	vpop (erf)  }
0x12b: {  	[tilespmem:s18+$0x0] =	vst v48  }
0x12c: {  	v49 =	vadd.s32 v3, v16;
	v17 =	vld.idx.msk [tilespmem:v17+s22+$0x0], $0xffff  }
0x12d: {  	v18 =	vld.idx.msk [tilespmem:v18+s22+$0x0], $0xffff  }
0x12e: {  	v50 =	vadd.s32 v4, v16  }
0x12f: {  	v19 =	vld.idx.msk [tilespmem:v19+s22+$0x0], $0xffff  }
0x130: {  	v51 =	vadd.s32 v5, v16  }
0x131: {  	v20 =	vld.idx.msk [tilespmem:v49+s22+$0x0], $0xffff  }
0x132: {  	v52 =	vadd.s32 v6, v16;
	v17 =	vadd.f32 v17, v18  }
0x133: {  	v18 =	vld.idx.msk [tilespmem:v50+s22+$0x0], $0xffff  }
0x134: {  	v53 =	vadd.s32 v7, v16;
	v17 =	vadd.f32 v19, v17  }
0x135: {  	v19 =	vld.idx.msk [tilespmem:v51+s22+$0x0], $0xffff  }
0x136: {  	v54 =	vadd.s32 v8, v16;
	v17 =	vadd.f32 v20, v17  }
0x137: {  	v55 =	vld.idx.msk [tilespmem:v52+s22+$0x0], $0xffff  }
0x138: {  	v56 =	vadd.s32 v9, v16;
	v17 =	vadd.f32 v18, v17  }
0x139: {  	v18 =	vld.idx.msk [tilespmem:v53+s22+$0x0], $0xffff  }
0x13a: {  	v57 =	vadd.s32 v10, v16;
	v17 =	vadd.f32 v19, v17  }
0x13b: {  	v19 =	vld.idx.msk [tilespmem:v54+s22+$0x0], $0xffff  }
0x13c: {  	v58 =	vadd.s32 v11, v16;
	v17 =	vadd.f32 v55, v17  }
0x13d: {  	v59 =	vld.idx.msk [tilespmem:v56+s22+$0x0], $0xffff  }
0x13e: {  	v60 =	vadd.s32 v12, v16;
	v17 =	vadd.f32 v18, v17  }
0x13f: {  	v18 =	vld.idx.msk [tilespmem:v57+s22+$0x0], $0xffff  }
0x140: {  	v61 =	vadd.s32 v13, v16;
	v17 =	vadd.f32 v19, v17  }
0x141: {  	v19 =	vld.idx.msk [tilespmem:v58+s22+$0x0], $0xffff  }
0x142: {  	v62 =	vadd.s32 v14, v16;
	v17 =	vadd.f32 v59, v17  }
0x143: {  	v63 =	vld.idx.msk [tilespmem:v60+s22+$0x0], $0xffff  }
0x144: {  	v16 =	vadd.s32 v15, v16;
	v17 =	vadd.f32 v18, v17  }
0x145: {  	v18 =	vld.idx.msk [tilespmem:v61+s22+$0x0], $0xffff  }
0x146: {  	v17 =	vadd.f32 v19, v17  }
0x147: {  	v19 =	vld.idx.msk [tilespmem:v62+s22+$0x0], $0xffff  }
0x148: {  	v17 =	vadd.f32 v63, v17  }
0x149: {  	v16 =	vld.idx.msk [tilespmem:v16+s22+$0x0], $0xffff  }
0x14a: {  	v17 =	vadd.f32 v18, v17;
	_ =	sdelay $0x1  }
0x14b: {  	v17 =	vadd.f32 v19, v17;
	_ =	sdelay $0x1  }
0x14c: {  	v16 =	vadd.f32 v16, v17;
	_ =	sdelay $0x1  }
0x14d: {  	v16 =	vsub.f32 $0.0e+00, v16;
	_ =	sdelay $0x1  }
0x14e: {  	v16 =	vmul.f32 $1.442695020e+00, v16;
	_ =	sdelay $0x1  }
0x14f: {  	(erf) = vpow2.f32 v16;
	_ =	sdelay $0x8  }
0x150: {  	v16 =	vpop (erf)  }
0x151: {  	v16 =	vadd.f32 $1.000000000e+00, v16;
	_ =	sdelay $0x1  }
0x152: {  	s19 =	simm.s32 $0x20;
	(erf) = vrcp.f32 v16  }
0x153: {  	v17 =	vmov s19  }
0x154: {  	s0 =	simm.s32 $0x30;
	v16 =	vmul.u32 $0x18, v17  }
.LBB2_4:
0x155: {  	p0 =	sne.s32 s0, $0x70  }
0x156: {  	v16 =	vbroadcast v16, $0x0;
	_ =	sdelay $0x1  }
0x157: {  	v17 =	vadd.s32 v1, v16  }
0x158: {  	v18 =	vadd.s32 v0, v16;
	_ =	sdelay $0x1  }
0x159: {  	s18 =	sadd.s32 $0x10, s18;
	v19 =	vadd.s32 v2, v16;
	v20 =	vpop (erf)  }
0x15a: {  	[tilespmem:s18+$0x0] =	vst v20  }
0x15b: {  	v20 =	vadd.s32 v3, v16;
	v17 =	vld.idx.msk [tilespmem:v17+s22+$0x0], $0xffff  }
0x15c: {  	v18 =	vld.idx.msk [tilespmem:v18+s22+$0x0], $0xffff  }
0x15d: {  	v21 =	vadd.s32 v4, v16  }
0x15e: {  	v19 =	vld.idx.msk [tilespmem:v19+s22+$0x0], $0xffff  }
0x15f: {  	v22 =	vadd.s32 v5, v16  }
0x160: {  	v20 =	vld.idx.msk [tilespmem:v20+s22+$0x0], $0xffff  }
0x161: {  	v23 =	vadd.s32 v6, v16  }
0x162: {  	v17 =	vadd.f32 v17, v18;
	v18 =	vld.idx.msk [tilespmem:v21+s22+$0x0], $0xffff  }
0x163: {  	v21 =	vadd.s32 v7, v16  }
0x164: {  	v17 =	vadd.f32 v19, v17;
	v19 =	vld.idx.msk [tilespmem:v22+s22+$0x0], $0xffff  }
0x165: {  	v22 =	vadd.s32 v8, v16  }
0x166: {  	v17 =	vadd.f32 v20, v17;
	v20 =	vld.idx.msk [tilespmem:v23+s22+$0x0], $0xffff  }
0x167: {  	v23 =	vadd.s32 v9, v16  }
0x168: {  	v17 =	vadd.f32 v18, v17;
	v18 =	vld.idx.msk [tilespmem:v21+s22+$0x0], $0xffff  }
0x169: {  	v21 =	vadd.s32 v10, v16  }
0x16a: {  	v17 =	vadd.f32 v19, v17;
	v19 =	vld.idx.msk [tilespmem:v22+s22+$0x0], $0xffff  }
0x16b: {  	v22 =	vadd.s32 v11, v16  }
0x16c: {  	v17 =	vadd.f32 v20, v17;
	v20 =	vld.idx.msk [tilespmem:v23+s22+$0x0], $0xffff  }
0x16d: {  	v23 =	vadd.s32 v12, v16  }
0x16e: {  	v17 =	vadd.f32 v18, v17;
	v18 =	vld.idx.msk [tilespmem:v21+s22+$0x0], $0xffff  }
0x16f: {  	v21 =	vadd.s32 v13, v16  }
0x170: {  	v17 =	vadd.f32 v19, v17;
	v19 =	vld.idx.msk [tilespmem:v22+s22+$0x0], $0xffff  }
0x171: {  	v22 =	vadd.s32 v14, v16  }
0x172: {  	v17 =	vadd.f32 v20, v17;
	v20 =	vld.idx.msk [tilespmem:v23+s22+$0x0], $0xffff  }
0x173: {  	v16 =	vadd.s32 v15, v16  }
0x174: {  	v17 =	vadd.f32 v18, v17;
	v18 =	vld.idx.msk [tilespmem:v21+s22+$0x0], $0xffff;
	_ =	sdelay $0x1  }
0x175: {  	v17 =	vadd.f32 v19, v17;
	v19 =	vld.idx.msk [tilespmem:v22+s22+$0x0], $0xffff;
	_ =	sdelay $0x1  }
0x176: {  	v17 =	vadd.f32 v20, v17;
	v16 =	vld.idx.msk [tilespmem:v16+s22+$0x0], $0xffff;
	_ =	sdelay $0x1  }
0x177: {  	v17 =	vadd.f32 v18, v17;
	_ =	sdelay $0x1  }
0x178: {  	v17 =	vadd.f32 v19, v17;
	_ =	sdelay $0x1  }
0x179: {  	v16 =	vadd.f32 v16, v17;
	_ =	sdelay $0x1  }
0x17a: {  	v16 =	vsub.f32 $0.0e+00, v16;
	_ =	sdelay $0x1  }
0x17b: {  	v16 =	vmul.f32 $1.442695020e+00, v16;
	_ =	sdelay $0x1  }
0x17c: {  	(erf) = vpow2.f32 v16;
	_ =	sdelay $0x8  }
0x17d: {  	v16 =	vpop (erf)  }
.Ltmp1:
0x17e: {  	v16 =	vadd.f32 $1.000000000e+00, v16;
	(pc) =	sbr.rel @p0 .LBB2_4-.Ltmp1, $4  }
0x17f: {  	_ = 	snop  }
0x180: {  	(erf) = vrcp.f32 v16  }
0x181: {  	v16 =	vmov s0  }
0x182: {  	s0 =	sadd.s32 $0x10, s0;
	v16 =	vmul.u32 $0x18, v16  }
0x183: {  	_ = 	snop  }
0x184: {  	v16 =	vbroadcast v16, $0x0;
	_ =	sdelay $0x1  }
0x185: {  	v17 =	vadd.s32 v1, v16  }
0x186: {  	v18 =	vadd.s32 v0, v16;
	_ =	sdelay $0x1  }
0x187: {  	s0 =	sadd.s32 $0x10, s18;
	v19 =	vadd.s32 v2, v16;
	v20 =	vpop (erf)  }
0x188: {  	[tilespmem:s0+$0x0] =	vst v20  }
0x189: {  	v20 =	vadd.s32 v3, v16;
	v17 =	vld.idx.msk [tilespmem:v17+s22+$0x0], $0xffff  }
0x18a: {  	v18 =	vld.idx.msk [tilespmem:v18+s22+$0x0], $0xffff  }
0x18b: {  	v21 =	vadd.s32 v4, v16  }
0x18c: {  	v19 =	vld.idx.msk [tilespmem:v19+s22+$0x0], $0xffff  }
0x18d: {  	v22 =	vadd.s32 v5, v16  }
0x18e: {  	v20 =	vld.idx.msk [tilespmem:v20+s22+$0x0], $0xffff  }
0x18f: {  	v23 =	vadd.s32 v6, v16;
	v17 =	vadd.f32 v17, v18  }
0x190: {  	v18 =	vld.idx.msk [tilespmem:v21+s22+$0x0], $0xffff  }
0x191: {  	v36 =	vadd.s32 v7, v16;
	v17 =	vadd.f32 v19, v17  }
0x192: {  	v19 =	vld.idx.msk [tilespmem:v22+s22+$0x0], $0xffff  }
0x193: {  	v37 =	vadd.s32 v8, v16;
	v17 =	vadd.f32 v20, v17  }
0x194: {  	v20 =	vld.idx.msk [tilespmem:v23+s22+$0x0], $0xffff  }
0x195: {  	v38 =	vadd.s32 v9, v16;
	v17 =	vadd.f32 v18, v17  }
0x196: {  	v18 =	vld.idx.msk [tilespmem:v36+s22+$0x0], $0xffff  }
0x197: {  	v39 =	vadd.s32 v10, v16;
	v17 =	vadd.f32 v19, v17  }
0x198: {  	v19 =	vld.idx.msk [tilespmem:v37+s22+$0x0], $0xffff  }
0x199: {  	v40 =	vadd.s32 v11, v16;
	v17 =	vadd.f32 v20, v17  }
0x19a: {  	v20 =	vld.idx.msk [tilespmem:v38+s22+$0x0], $0xffff  }
0x19b: {  	v41 =	vadd.s32 v12, v16;
	v17 =	vadd.f32 v18, v17  }
0x19c: {  	v18 =	vld.idx.msk [tilespmem:v39+s22+$0x0], $0xffff  }
0x19d: {  	v42 =	vadd.s32 v13, v16;
	v17 =	vadd.f32 v19, v17  }
0x19e: {  	v19 =	vld.idx.msk [tilespmem:v40+s22+$0x0], $0xffff  }
0x19f: {  	v43 =	vadd.s32 v14, v16;
	v17 =	vadd.f32 v20, v17  }
0x1a0: {  	v20 =	vld.idx.msk [tilespmem:v41+s22+$0x0], $0xffff  }
0x1a1: {  	v16 =	vadd.s32 v15, v16;
	v17 =	vadd.f32 v18, v17  }
0x1a2: {  	v18 =	vld.idx.msk [tilespmem:v42+s22+$0x0], $0xffff  }
0x1a3: {  	v17 =	vadd.f32 v19, v17  }
0x1a4: {  	v19 =	vld.idx.msk [tilespmem:v43+s22+$0x0], $0xffff  }
0x1a5: {  	v17 =	vadd.f32 v20, v17  }
0x1a6: {  	v16 =	vld.idx.msk [tilespmem:v16+s22+$0x0], $0xffff  }
0x1a7: {  	v17 =	vadd.f32 v18, v17;
	_ =	sdelay $0x1  }
0x1a8: {  	v17 =	vadd.f32 v19, v17;
	_ =	sdelay $0x1  }
0x1a9: {  	v16 =	vadd.f32 v16, v17;
	_ =	sdelay $0x1  }
0x1aa: {  	v16 =	vsub.f32 $0.0e+00, v16;
	_ =	sdelay $0x1  }
0x1ab: {  	v16 =	vmul.f32 $1.442695020e+00, v16;
	_ =	sdelay $0x1  }
0x1ac: {  	(erf) = vpow2.f32 v16;
	_ =	sdelay $0x8  }
0x1ad: {  	v16 =	vpop (erf)  }
0x1ae: {  	v16 =	vadd.f32 $1.000000000e+00, v16;
	_ =	sdelay $0x1  }
0x1af: {  	(erf) = vrcp.f32 v16;
	_ =	sdelay $0x8  }
0x1b0: {  	s0 =	sadd.s32 $0x10, s0;
	v16 =	vpop (erf)  }
0x1b1: {  	[tilespmem:s0+$0x0] =	vst v16  }
0x1b2: {  	[tilespmem:s11], [sflag:$0x1] =	stream.indirect.gather [hbm4b:s3+s10], $0x40, s23, s10, $0xb8;
	[tilespmem:$0xD200] =	vst v63  }
0x1b3: {  	_ = 	snop  }
0x1b4: {  	[tilespmem:s12], [sflag:$0x2] =	stream.indirect.gather [hbm4b:s3+s10], $0x40, s24, s10, $0xb8;
	[tilespmem:$0xD200] =	vst v63  }
0x1b5: {  	_ =	swait.ge [sflag:s25], $0x2000  }
0x1b6: {  	[sflag:s25] =	ssyncset.done $0x0  }
0x1b7: {  	[sflag:s25] =	ssyncadd.s32 $0xFFFFE000  }
0x1b8: {  	_ =	swait.ge [sflag:s26], $0x2000  }
0x1b9: {  	[sflag:s26] =	ssyncset.done $0x0  }
0x1ba: {  	s13 =	simm.s32 $0x4500;
	[sflag:s26] =	ssyncadd.s32 $0xFFFFE000  }
0x1bb: {  	s1 =	simm.s32 $0x6500;
	v16 =	vld [tilespmem:s13+$0xFFFFFF00]  }
0x1bc: {  	v17 =	vld [tilespmem:s1+$0xFFFFFF10]  }
0x1bd: {  	v18 =	vld [tilespmem:s13+$0xFFFFFF10]  }
0x1be: {  	v19 =	vld [tilespmem:s1+$0xFFFFFF00]  }
0x1bf: {  	v20 =	vld [tilespmem:s1+$0xFFFFFF20]  }
0x1c0: {  	v44 =	vld [tilespmem:s13+$0xFFFFFF20]  }
0x1c1: {  	v45 =	vld [tilespmem:s1+$0xFFFFFF30]  }
0x1c2: {  	v46 =	vld [tilespmem:s13+$0xFFFFFF30]  }
0x1c3: {  	v17 =	vmul.f32 v17, v18;
	v16 =	vmul.f32 v19, v16;
	_ =	sdelay $0x1  }
0x1c4: {  	v16 =	vadd.f32 v17, v16;
	v17 =	vmul.f32 v20, v44;
	_ =	sdelay $0x1  }
0x1c5: {  	v16 =	vadd.f32 v17, v16;
	v17 =	vmul.f32 v45, v46;
	_ =	sdelay $0x1  }
0x1c6: {  	v16 =	vadd.f32 v17, v16  }
0x1c7: {  	s14 =	simm.s32 $0xC460  }
0x1c8: {  	[tilespmem:s14+$0xFFFFFFA0] =	vst v16  }
0x1c9: {  	v16 =	vld [tilespmem:s1+$0xFFFFFF50]  }
0x1ca: {  	v17 =	vld [tilespmem:s13+$0xFFFFFF40]  }
0x1cb: {  	v18 =	vld [tilespmem:s13+$0xFFFFFF50]  }
0x1cc: {  	v19 =	vld [tilespmem:s1+$0xFFFFFF40]  }
0x1cd: {  	v20 =	vld [tilespmem:s1+$0xFFFFFF60]  }
0x1ce: {  	v47 =	vld [tilespmem:s13+$0xFFFFFF60]  }
0x1cf: {  	v48 =	vld [tilespmem:s1+$0xFFFFFF70]  }
0x1d0: {  	v49 =	vld [tilespmem:s13+$0xFFFFFF70]  }
0x1d1: {  	v16 =	vmul.f32 v16, v18;
	v17 =	vmul.f32 v19, v17;
	_ =	sdelay $0x1  }
0x1d2: {  	v16 =	vadd.f32 v16, v17;
	v17 =	vmul.f32 v20, v47;
	_ =	sdelay $0x1  }
0x1d3: {  	v16 =	vadd.f32 v17, v16;
	v17 =	vmul.f32 v48, v49;
	_ =	sdelay $0x1  }
0x1d4: {  	v16 =	vadd.f32 v17, v16;
	_ =	sdelay $0x1  }
0x1d5: {  	[tilespmem:s14+$0xFFFFFFB8] =	vst v16  }
0x1d6: {  	v16 =	vld [tilespmem:s13+$0xFFFFFF80]  }
0x1d7: {  	v17 =	vld [tilespmem:s1+$0xFFFFFF80]  }
0x1d8: {  	v18 =	vld [tilespmem:s1+$0xFFFFFF90]  }
0x1d9: {  	v19 =	vld [tilespmem:s13+$0xFFFFFF90]  }
0x1da: {  	v20 =	vld [tilespmem:s1+$0xFFFFFFA0]  }
0x1db: {  	v50 =	vld [tilespmem:s13+$0xFFFFFFA0]  }
0x1dc: {  	v51 =	vld [tilespmem:s1+$0xFFFFFFB0]  }
0x1dd: {  	v52 =	vld [tilespmem:s13+$0xFFFFFFB0]  }
0x1de: {  	v16 =	vmul.f32 v17, v16;
	v17 =	vmul.f32 v18, v19;
	_ =	sdelay $0x1  }
0x1df: {  	v16 =	vadd.f32 v17, v16;
	v17 =	vmul.f32 v20, v50;
	_ =	sdelay $0x1  }
0x1e0: {  	v16 =	vadd.f32 v17, v16;
	v17 =	vmul.f32 v51, v52;
	_ =	sdelay $0x1  }
0x1e1: {  	v16 =	vadd.f32 v17, v16;
	_ =	sdelay $0x1  }
0x1e2: {  	[tilespmem:s14+$0xFFFFFFD0] =	vst v16  }
0x1e3: {  	v16 =	vld [tilespmem:s1+$0xFFFFFFC0]  }
0x1e4: {  	v17 =	vld [tilespmem:s13+$0xFFFFFFC0]  }
0x1e5: {  	v18 =	vld [tilespmem:s13+$0xFFFFFFD0]  }
0x1e6: {  	v19 =	vld [tilespmem:s1+$0xFFFFFFD0]  }
0x1e7: {  	v20 =	vld [tilespmem:s13+$0xFFFFFFE0]  }
0x1e8: {  	v53 =	vld [tilespmem:s1+$0xFFFFFFE0]  }
0x1e9: {  	v54 =	vld [tilespmem:s1+$0xFFFFFFF0]  }
0x1ea: {  	v55 =	vld [tilespmem:s13+$0xFFFFFFF0]  }
0x1eb: {  	v16 =	vmul.f32 v16, v17;
	v17 =	vmul.f32 v19, v18;
	_ =	sdelay $0x1  }
0x1ec: {  	v16 =	vadd.f32 v17, v16;
	v17 =	vmul.f32 v53, v20;
	_ =	sdelay $0x1  }
0x1ed: {  	v16 =	vadd.f32 v17, v16;
	v17 =	vmul.f32 v54, v55;
	_ =	sdelay $0x1  }
0x1ee: {  	v16 =	vadd.f32 v17, v16;
	_ =	sdelay $0x1  }
0x1ef: {  	[tilespmem:s14+$0xFFFFFFE8] =	vst v16  }
0x1f0: {  	v16 =	vld [tilespmem:s1+$0x10]  }
0x1f1: {  	v17 =	vld [tilespmem:s13+$0x0]  }
0x1f2: {  	v18 =	vld [tilespmem:s1+$0x0]  }
0x1f3: {  	v19 =	vld [tilespmem:s13+$0x10]  }
0x1f4: {  	v20 =	vld [tilespmem:s1+$0x20]  }
0x1f5: {  	v56 =	vld [tilespmem:s13+$0x20]  }
0x1f6: {  	v57 =	vld [tilespmem:s1+$0x30]  }
0x1f7: {  	v58 =	vld [tilespmem:s13+$0x30]  }
0x1f8: {  	v17 =	vmul.f32 v18, v17;
	v16 =	vmul.f32 v16, v19;
	_ =	sdelay $0x1  }
0x1f9: {  	v16 =	vadd.f32 v16, v17;
	v17 =	vmul.f32 v20, v56;
	_ =	sdelay $0x1  }
0x1fa: {  	v16 =	vadd.f32 v17, v16;
	v17 =	vmul.f32 v57, v58;
	_ =	sdelay $0x1  }
0x1fb: {  	v16 =	vadd.f32 v17, v16;
	_ =	sdelay $0x1  }
0x1fc: {  	[tilespmem:s14+$0x0] =	vst v16  }
0x1fd: {  	v16 =	vld [tilespmem:s1+$0x50]  }
0x1fe: {  	v17 =	vld [tilespmem:s13+$0x40]  }
0x1ff: {  	v18 =	vld [tilespmem:s1+$0x40]  }
0x200: {  	v19 =	vld [tilespmem:s13+$0x50]  }
0x201: {  	v20 =	vld [tilespmem:s13+$0x60]  }
0x202: {  	v59 =	vld [tilespmem:s1+$0x60]  }
0x203: {  	v60 =	vld [tilespmem:s13+$0x70]  }
0x204: {  	v61 =	vld [tilespmem:s1+$0x70]  }
0x205: {  	v17 =	vmul.f32 v18, v17;
	v16 =	vmul.f32 v16, v19;
	_ =	sdelay $0x1  }
0x206: {  	v16 =	vadd.f32 v16, v17;
	v17 =	vmul.f32 v59, v20;
	_ =	sdelay $0x1  }
0x207: {  	v16 =	vadd.f32 v17, v16;
	v17 =	vmul.f32 v61, v60;
	_ =	sdelay $0x1  }
0x208: {  	v16 =	vadd.f32 v17, v16;
	_ =	sdelay $0x1  }
0x209: {  	[tilespmem:s14+$0x18] =	vst v16  }
0x20a: {  	v16 =	vld [tilespmem:s1+$0x80]  }
0x20b: {  	v17 =	vld [tilespmem:s13+$0x80]  }
0x20c: {  	v18 =	vld [tilespmem:s1+$0x90]  }
0x20d: {  	v19 =	vld [tilespmem:s13+$0x90]  }
0x20e: {  	v20 =	vld [tilespmem:s13+$0xA0]  }
0x20f: {  	v62 =	vld [tilespmem:s1+$0xA0]  }
0x210: {  	v63 =	vmul.f32 v16, v17;
	v16 =	vld [tilespmem:s13+$0xB0]  }
0x211: {  	v17 =	vld [tilespmem:s1+$0xB0]  }
0x212: {  	v18 =	vmul.f32 v18, v19  }
0x213: {  	s17 =	simm.s32 $0x0;
	s18 =	simm.s32 $0x6700  }
0x214: {  	s15 =	simm.s32 $0xC460;
	s16 =	simm.s32 $0x4500;
	s0 =	simm.s32 $0xD080;
	v19 =	vmul.f32 v62, v20;
	v18 =	vadd.f32 v18, v63  }
.LBB2_6:
0x215: {  	s17 =	sadd.s32 $0x8, s17;
	s14 =	sadd.s32 $0xC0, s14;
	s13 =	sadd.s32 $0x200, s13  }
0x216: {  	v18 =	vadd.f32 v19, v18;
	v16 =	vmul.f32 v17, v16;
	p0 =	slt.u32 s17, $0x78;
	_ =	sdelay $0x1  }
0x217: {  	v16 =	vadd.f32 v16, v18;
	_ =	sdelay $0x1  }
0x218: {  	[tilespmem:s15+$0x30] =	vst v16  }
0x219: {  	v16 =	vld [tilespmem:s16+$0xE0]  }
0x21a: {  	v17 =	vld [tilespmem:s1+$0xE0]  }
0x21b: {  	v18 =	vld [tilespmem:s16+$0xC0]  }
0x21c: {  	v19 =	vld [tilespmem:s1+$0xD0]  }
0x21d: {  	v20 =	vld [tilespmem:s16+$0xD0]  }
0x21e: {  	v21 =	vld [tilespmem:s1+$0xC0]  }
0x21f: {  	v22 =	vld [tilespmem:s16+$0xF0];
	s16 =	smov.u32 s13  }
0x220: {  	v23 =	vld [tilespmem:s1+$0xF0];
	s1 =	smov.u32 s18;
	_ =	sdelay $0x1  }
0x221: {  	v16 =	vmul.f32 v17, v16;
	v19 =	vmul.f32 v19, v20  }
0x222: {  	v17 =	vmul.f32 v21, v18;
	_ =	sdelay $0x1  }
0x223: {  	v17 =	vadd.f32 v19, v17;
	v18 =	vmul.f32 v23, v22;
	_ =	sdelay $0x1  }
0x224: {  	v16 =	vadd.f32 v16, v17;
	_ =	sdelay $0x1  }
0x225: {  	v16 =	vadd.f32 v18, v16;
	_ =	sdelay $0x1  }
0x226: {  	[tilespmem:s15+$0x48] =	vst v16;
	s15 =	smov.u32 s14  }
0x227: {  	v16 =	vld [tilespmem:s13+$0xFFFFFF00]  }
0x228: {  	v17 =	vld [tilespmem:s18+$0xFFFFFF10]  }
0x229: {  	v18 =	vld [tilespmem:s13+$0xFFFFFF10]  }
0x22a: {  	v19 =	vld [tilespmem:s18+$0xFFFFFF00]  }
0x22b: {  	v20 =	vld [tilespmem:s18+$0xFFFFFF20]  }
0x22c: {  	v21 =	vld [tilespmem:s13+$0xFFFFFF20]  }
0x22d: {  	v22 =	vld [tilespmem:s18+$0xFFFFFF30]  }
0x22e: {  	v17 =	vmul.f32 v17, v18;
	v18 =	vld [tilespmem:s13+$0xFFFFFF30]  }
0x22f: {  	v16 =	vmul.f32 v19, v16;
	_ =	sdelay $0x1  }
0x230: {  	v16 =	vadd.f32 v17, v16;
	v17 =	vmul.f32 v20, v21;
	_ =	sdelay $0x1  }
0x231: {  	v16 =	vadd.f32 v17, v16;
	v17 =	vmul.f32 v22, v18;
	_ =	sdelay $0x1  }
0x232: {  	v16 =	vadd.f32 v17, v16;
	_ =	sdelay $0x1  }
0x233: {  	[tilespmem:s14+$0xFFFFFFA0] =	vst v16  }
0x234: {  	v16 =	vld [tilespmem:s18+$0xFFFFFF50]  }
0x235: {  	v17 =	vld [tilespmem:s13+$0xFFFFFF40]  }
0x236: {  	v18 =	vld [tilespmem:s13+$0xFFFFFF50]  }
0x237: {  	v19 =	vld [tilespmem:s18+$0xFFFFFF40]  }
0x238: {  	v20 =	vld [tilespmem:s18+$0xFFFFFF60]  }
0x239: {  	v21 =	vld [tilespmem:s13+$0xFFFFFF60]  }
0x23a: {  	v22 =	vld [tilespmem:s18+$0xFFFFFF70]  }
0x23b: {  	v16 =	vmul.f32 v16, v18;
	v18 =	vld [tilespmem:s13+$0xFFFFFF70]  }
0x23c: {  	v17 =	vmul.f32 v19, v17;
	_ =	sdelay $0x1  }
0x23d: {  	v16 =	vadd.f32 v16, v17;
	v17 =	vmul.f32 v20, v21;
	_ =	sdelay $0x1  }
0x23e: {  	v16 =	vadd.f32 v17, v16;
	v17 =	vmul.f32 v22, v18;
	_ =	sdelay $0x1  }
0x23f: {  	v16 =	vadd.f32 v17, v16;
	_ =	sdelay $0x1  }
0x240: {  	[tilespmem:s14+$0xFFFFFFB8] =	vst v16  }
0x241: {  	v16 =	vld [tilespmem:s13+$0xFFFFFF80]  }
0x242: {  	v17 =	vld [tilespmem:s18+$0xFFFFFF80]  }
0x243: {  	v18 =	vld [tilespmem:s18+$0xFFFFFF90]  }
0x244: {  	v19 =	vld [tilespmem:s13+$0xFFFFFF90]  }
0x245: {  	v20 =	vld [tilespmem:s18+$0xFFFFFFA0]  }
0x246: {  	v21 =	vld [tilespmem:s13+$0xFFFFFFA0]  }
0x247: {  	v16 =	vmul.f32 v17, v16;
	v17 =	vld [tilespmem:s18+$0xFFFFFFB0]  }
0x248: {  	v22 =	vld [tilespmem:s13+$0xFFFFFFB0]  }
0x249: {  	v18 =	vmul.f32 v18, v19;
	_ =	sdelay $0x1  }
0x24a: {  	v16 =	vadd.f32 v18, v16;
	v18 =	vmul.f32 v20, v21;
	_ =	sdelay $0x1  }
0x24b: {  	v16 =	vadd.f32 v18, v16;
	v17 =	vmul.f32 v17, v22;
	_ =	sdelay $0x1  }
0x24c: {  	v16 =	vadd.f32 v17, v16;
	_ =	sdelay $0x1  }
0x24d: {  	[tilespmem:s14+$0xFFFFFFD0] =	vst v16  }
0x24e: {  	v16 =	vld [tilespmem:s18+$0xFFFFFFC0]  }
0x24f: {  	v17 =	vld [tilespmem:s13+$0xFFFFFFC0]  }
0x250: {  	v18 =	vld [tilespmem:s13+$0xFFFFFFD0]  }
0x251: {  	v19 =	vld [tilespmem:s18+$0xFFFFFFD0]  }
0x252: {  	v20 =	vld [tilespmem:s13+$0xFFFFFFE0]  }
0x253: {  	v21 =	vld [tilespmem:s18+$0xFFFFFFE0]  }
0x254: {  	v16 =	vmul.f32 v16, v17;
	v17 =	vld [tilespmem:s18+$0xFFFFFFF0]  }
0x255: {  	v22 =	vld [tilespmem:s13+$0xFFFFFFF0]  }
0x256: {  	v18 =	vmul.f32 v19, v18;
	_ =	sdelay $0x1  }
0x257: {  	v16 =	vadd.f32 v18, v16;
	v18 =	vmul.f32 v21, v20;
	_ =	sdelay $0x1  }
0x258: {  	v16 =	vadd.f32 v18, v16;
	v17 =	vmul.f32 v17, v22;
	_ =	sdelay $0x1  }
0x259: {  	v16 =	vadd.f32 v17, v16;
	_ =	sdelay $0x1  }
0x25a: {  	[tilespmem:s14+$0xFFFFFFE8] =	vst v16  }
0x25b: {  	v16 =	vld [tilespmem:s18+$0x10]  }
0x25c: {  	v17 =	vld [tilespmem:s13+$0x0]  }
0x25d: {  	v18 =	vld [tilespmem:s18+$0x0]  }
0x25e: {  	v19 =	vld [tilespmem:s13+$0x10]  }
0x25f: {  	v20 =	vld [tilespmem:s18+$0x20]  }
0x260: {  	v21 =	vld [tilespmem:s13+$0x20]  }
0x261: {  	v22 =	vld [tilespmem:s18+$0x30]  }
0x262: {  	v17 =	vmul.f32 v18, v17;
	v18 =	vld [tilespmem:s13+$0x30]  }
0x263: {  	v16 =	vmul.f32 v16, v19;
	_ =	sdelay $0x1  }
0x264: {  	v16 =	vadd.f32 v16, v17;
	v17 =	vmul.f32 v20, v21;
	_ =	sdelay $0x1  }
0x265: {  	v16 =	vadd.f32 v17, v16;
	v17 =	vmul.f32 v22, v18;
	_ =	sdelay $0x1  }
0x266: {  	v16 =	vadd.f32 v17, v16;
	_ =	sdelay $0x1  }
0x267: {  	[tilespmem:s14+$0x0] =	vst v16  }
0x268: {  	v16 =	vld [tilespmem:s18+$0x50]  }
0x269: {  	v17 =	vld [tilespmem:s13+$0x40]  }
0x26a: {  	v18 =	vld [tilespmem:s18+$0x40]  }
0x26b: {  	v19 =	vld [tilespmem:s13+$0x50]  }
0x26c: {  	v20 =	vld [tilespmem:s13+$0x60]  }
0x26d: {  	v21 =	vld [tilespmem:s18+$0x60]  }
0x26e: {  	v22 =	vld [tilespmem:s13+$0x70]  }
0x26f: {  	v17 =	vmul.f32 v18, v17;
	v18 =	vld [tilespmem:s18+$0x70]  }
0x270: {  	v16 =	vmul.f32 v16, v19;
	_ =	sdelay $0x1  }
0x271: {  	v16 =	vadd.f32 v16, v17;
	v17 =	vmul.f32 v21, v20;
	_ =	sdelay $0x1  }
0x272: {  	v16 =	vadd.f32 v17, v16;
	v17 =	vmul.f32 v18, v22;
	_ =	sdelay $0x1  }
0x273: {  	v16 =	vadd.f32 v17, v16;
	_ =	sdelay $0x1  }
0x274: {  	[tilespmem:s14+$0x18] =	vst v16  }
0x275: {  	v16 =	vld [tilespmem:s18+$0x80]  }
0x276: {  	v17 =	vld [tilespmem:s13+$0x80]  }
0x277: {  	v18 =	vld [tilespmem:s18+$0x90]  }
0x278: {  	v19 =	vld [tilespmem:s13+$0x90]  }
0x279: {  	v20 =	vld [tilespmem:s13+$0xA0]  }
0x27a: {  	v21 =	vld [tilespmem:s18+$0xA0]  }
0x27b: {  	v22 =	vmul.f32 v16, v17;
	v16 =	vld [tilespmem:s13+$0xB0]  }
.Ltmp2:
0x27c: {  	v17 =	vld [tilespmem:s18+$0xB0];
	(pc) =	sbr.rel @p0 .LBB2_6-.Ltmp2, $3  }
0x27d: {  	v18 =	vmul.f32 v18, v19;
	_ =	sdelay $0x1  }
0x27e: {  	v18 =	vadd.f32 v18, v22;
	v19 =	vmul.f32 v21, v20  }
0x27f: {  	s19 =	simm.s32 $0x0;
	s18 =	sadd.s32 $0x200, s18  }
0x280: {  	v18 =	vadd.f32 v19, v18;
	v16 =	vmul.f32 v17, v16;
	_ =	sdelay $0x1  }
0x281: {  	v16 =	vadd.f32 v16, v18;
	_ =	sdelay $0x1  }
0x282: {  	[tilespmem:s15+$0x30] =	vst v16  }
0x283: {  	v16 =	vld [tilespmem:s16+$0xC0]  }
0x284: {  	v17 =	vld [tilespmem:s1+$0xD0]  }
0x285: {  	v18 =	vld [tilespmem:s16+$0xD0]  }
0x286: {  	v19 =	vld [tilespmem:s1+$0xC0]  }
0x287: {  	v20 =	vld [tilespmem:s16+$0xE0]  }
0x288: {  	v21 =	vld [tilespmem:s1+$0xE0]  }
0x289: {  	v22 =	vld [tilespmem:s16+$0xF0]  }
0x28a: {  	v24 =	vmov s19;
	v23 =	vld [tilespmem:s1+$0xF0]  }
0x28b: {  	v17 =	vmul.f32 v17, v18;
	v16 =	vmul.f32 v19, v16;
	v18 =	vmul.u32 $0x18, v24;
	_ =	sdelay $0x1  }
0x28c: {  	v19 =	vmul.f32 v21, v20;
	v16 =	vadd.f32 v17, v16;
	v17 =	vbroadcast v18, $0x0;
	_ =	sdelay $0x1  }
0x28d: {  	v18 =	vmul.f32 v23, v22;
	v16 =	vadd.f32 v19, v16;
	v19 =	vadd.s32 v1, v17  }
0x28e: {  	v32 =	vadd.s32 v0, v17  }
0x28f: {  	v16 =	vadd.f32 v18, v16  }
0x290: {  	v18 =	vadd.s32 v2, v17  }
0x291: {  	[tilespmem:s15+$0x48] =	vst v16  }
0x292: {  	v16 =	vld.idx.msk [tilespmem:v19+s22+$0x0], $0xffff;
	v19 =	vadd.s32 v3, v17  }
0x293: {  	v20 =	vld.idx.msk [tilespmem:v32+s22+$0x0], $0xffff  }
0x294: {  	v33 =	vadd.s32 v4, v17  }
0x295: {  	v18 =	vld.idx.msk [tilespmem:v18+s22+$0x0], $0xffff  }
0x296: {  	v34 =	vadd.s32 v5, v17  }
0x297: {  	v19 =	vld.idx.msk [tilespmem:v19+s22+$0x0], $0xffff  }
0x298: {  	v35 =	vadd.s32 v6, v17;
	v16 =	vadd.f32 v16, v20  }
0x299: {  	v36 =	vld.idx.msk [tilespmem:v33+s22+$0x0], $0xffff  }
0x29a: {  	v37 =	vadd.s32 v7, v17;
	v16 =	vadd.f32 v18, v16  }
0x29b: {  	v18 =	vld.idx.msk [tilespmem:v34+s22+$0x0], $0xffff  }
0x29c: {  	v38 =	vadd.s32 v8, v17;
	v16 =	vadd.f32 v19, v16  }
0x29d: {  	v19 =	vld.idx.msk [tilespmem:v35+s22+$0x0], $0xffff  }
0x29e: {  	v39 =	vadd.s32 v9, v17;
	v16 =	vadd.f32 v36, v16  }
0x29f: {  	v40 =	vld.idx.msk [tilespmem:v37+s22+$0x0], $0xffff  }
0x2a0: {  	v41 =	vadd.s32 v10, v17;
	v16 =	vadd.f32 v18, v16  }
0x2a1: {  	v18 =	vld.idx.msk [tilespmem:v38+s22+$0x0], $0xffff  }
0x2a2: {  	v42 =	vadd.s32 v11, v17;
	v16 =	vadd.f32 v19, v16  }
0x2a3: {  	v19 =	vld.idx.msk [tilespmem:v39+s22+$0x0], $0xffff  }
0x2a4: {  	v43 =	vadd.s32 v12, v17;
	v16 =	vadd.f32 v40, v16  }
0x2a5: {  	v44 =	vld.idx.msk [tilespmem:v41+s22+$0x0], $0xffff  }
0x2a6: {  	v45 =	vadd.s32 v13, v17;
	v16 =	vadd.f32 v18, v16  }
0x2a7: {  	v18 =	vld.idx.msk [tilespmem:v42+s22+$0x0], $0xffff  }
0x2a8: {  	v46 =	vadd.s32 v14, v17;
	v16 =	vadd.f32 v19, v16  }
0x2a9: {  	v19 =	vld.idx.msk [tilespmem:v43+s22+$0x0], $0xffff  }
0x2aa: {  	v17 =	vadd.s32 v15, v17;
	v16 =	vadd.f32 v44, v16  }
0x2ab: {  	v47 =	vld.idx.msk [tilespmem:v45+s22+$0x0], $0xffff  }
0x2ac: {  	v16 =	vadd.f32 v18, v16  }
0x2ad: {  	v18 =	vld.idx.msk [tilespmem:v46+s22+$0x0], $0xffff  }
0x2ae: {  	v16 =	vadd.f32 v19, v16  }
0x2af: {  	v17 =	vld.idx.msk [tilespmem:v17+s22+$0x0], $0xffff  }
0x2b0: {  	v16 =	vadd.f32 v47, v16;
	_ =	sdelay $0x1  }
0x2b1: {  	v16 =	vadd.f32 v18, v16;
	_ =	sdelay $0x1  }
0x2b2: {  	v16 =	vadd.f32 v17, v16;
	_ =	sdelay $0x1  }
0x2b3: {  	v16 =	vsub.f32 $0.0e+00, v16;
	_ =	sdelay $0x1  }
0x2b4: {  	v16 =	vmul.f32 $1.442695020e+00, v16;
	_ =	sdelay $0x1  }
0x2b5: {  	(erf) = vpow2.f32 v16;
	_ =	sdelay $0x8  }
0x2b6: {  	v16 =	vpop (erf)  }
0x2b7: {  	v16 =	vadd.f32 $1.000000000e+00, v16;
	_ =	sdelay $0x1  }
0x2b8: {  	s18 =	simm.s32 $0x10;
	(erf) = vrcp.f32 v16  }
0x2b9: {  	v16 =	vmov s18  }
0x2ba: {  	v16 =	vmul.u32 $0x18, v16;
	_ =	sdelay $0x1  }
0x2bb: {  	v16 =	vbroadcast v16, $0x0;
	_ =	sdelay $0x1  }
0x2bc: {  	v17 =	vadd.s32 v1, v16  }
0x2bd: {  	v18 =	vadd.s32 v0, v16;
	_ =	sdelay $0x1  }
0x2be: {  	v19 =	vadd.s32 v2, v16;
	v48 =	vpop (erf)  }
0x2bf: {  	[tilespmem:s0+$0x0] =	vst v48  }
0x2c0: {  	v49 =	vadd.s32 v3, v16;
	v17 =	vld.idx.msk [tilespmem:v17+s22+$0x0], $0xffff  }
0x2c1: {  	v18 =	vld.idx.msk [tilespmem:v18+s22+$0x0], $0xffff  }
0x2c2: {  	v50 =	vadd.s32 v4, v16  }
0x2c3: {  	v19 =	vld.idx.msk [tilespmem:v19+s22+$0x0], $0xffff  }
0x2c4: {  	v51 =	vadd.s32 v5, v16  }
0x2c5: {  	v20 =	vld.idx.msk [tilespmem:v49+s22+$0x0], $0xffff  }
0x2c6: {  	v52 =	vadd.s32 v6, v16;
	v17 =	vadd.f32 v17, v18  }
0x2c7: {  	v18 =	vld.idx.msk [tilespmem:v50+s22+$0x0], $0xffff  }
0x2c8: {  	v53 =	vadd.s32 v7, v16;
	v17 =	vadd.f32 v19, v17  }
0x2c9: {  	v19 =	vld.idx.msk [tilespmem:v51+s22+$0x0], $0xffff  }
0x2ca: {  	v54 =	vadd.s32 v8, v16;
	v17 =	vadd.f32 v20, v17  }
0x2cb: {  	v55 =	vld.idx.msk [tilespmem:v52+s22+$0x0], $0xffff  }
0x2cc: {  	v56 =	vadd.s32 v9, v16;
	v17 =	vadd.f32 v18, v17  }
0x2cd: {  	v18 =	vld.idx.msk [tilespmem:v53+s22+$0x0], $0xffff  }
0x2ce: {  	v57 =	vadd.s32 v10, v16;
	v17 =	vadd.f32 v19, v17  }
0x2cf: {  	v19 =	vld.idx.msk [tilespmem:v54+s22+$0x0], $0xffff  }
0x2d0: {  	v58 =	vadd.s32 v11, v16;
	v17 =	vadd.f32 v55, v17  }
0x2d1: {  	v59 =	vld.idx.msk [tilespmem:v56+s22+$0x0], $0xffff  }
0x2d2: {  	v60 =	vadd.s32 v12, v16;
	v17 =	vadd.f32 v18, v17  }
0x2d3: {  	v18 =	vld.idx.msk [tilespmem:v57+s22+$0x0], $0xffff  }
0x2d4: {  	v61 =	vadd.s32 v13, v16;
	v17 =	vadd.f32 v19, v17  }
0x2d5: {  	v19 =	vld.idx.msk [tilespmem:v58+s22+$0x0], $0xffff  }
0x2d6: {  	v62 =	vadd.s32 v14, v16;
	v17 =	vadd.f32 v59, v17  }
0x2d7: {  	v63 =	vld.idx.msk [tilespmem:v60+s22+$0x0], $0xffff  }
0x2d8: {  	v16 =	vadd.s32 v15, v16;
	v17 =	vadd.f32 v18, v17  }
0x2d9: {  	v18 =	vld.idx.msk [tilespmem:v61+s22+$0x0], $0xffff  }
0x2da: {  	v17 =	vadd.f32 v19, v17  }
0x2db: {  	v19 =	vld.idx.msk [tilespmem:v62+s22+$0x0], $0xffff  }
0x2dc: {  	v17 =	vadd.f32 v63, v17  }
0x2dd: {  	v16 =	vld.idx.msk [tilespmem:v16+s22+$0x0], $0xffff  }
0x2de: {  	v17 =	vadd.f32 v18, v17;
	_ =	sdelay $0x1  }
0x2df: {  	v17 =	vadd.f32 v19, v17;
	_ =	sdelay $0x1  }
0x2e0: {  	v16 =	vadd.f32 v16, v17;
	_ =	sdelay $0x1  }
0x2e1: {  	v16 =	vsub.f32 $0.0e+00, v16;
	_ =	sdelay $0x1  }
0x2e2: {  	v16 =	vmul.f32 $1.442695020e+00, v16;
	_ =	sdelay $0x1  }
0x2e3: {  	(erf) = vpow2.f32 v16;
	_ =	sdelay $0x8  }
0x2e4: {  	v16 =	vpop (erf)  }
0x2e5: {  	v16 =	vadd.f32 $1.000000000e+00, v16;
	_ =	sdelay $0x1  }
0x2e6: {  	s19 =	simm.s32 $0x20;
	(erf) = vrcp.f32 v16  }
0x2e7: {  	v17 =	vmov s19  }
0x2e8: {  	s1 =	simm.s32 $0x30;
	v16 =	vmul.u32 $0x18, v17  }
.LBB2_8:
0x2e9: {  	p0 =	sne.s32 s1, $0x70  }
0x2ea: {  	v16 =	vbroadcast v16, $0x0;
	_ =	sdelay $0x1  }
0x2eb: {  	v17 =	vadd.s32 v1, v16  }
0x2ec: {  	v18 =	vadd.s32 v0, v16;
	_ =	sdelay $0x1  }
0x2ed: {  	s0 =	sadd.s32 $0x10, s0;
	v19 =	vadd.s32 v2, v16;
	v20 =	vpop (erf)  }
0x2ee: {  	[tilespmem:s0+$0x0] =	vst v20  }
0x2ef: {  	v20 =	vadd.s32 v3, v16;
	v17 =	vld.idx.msk [tilespmem:v17+s22+$0x0], $0xffff  }
0x2f0: {  	v18 =	vld.idx.msk [tilespmem:v18+s22+$0x0], $0xffff  }
0x2f1: {  	v21 =	vadd.s32 v4, v16  }
0x2f2: {  	v19 =	vld.idx.msk [tilespmem:v19+s22+$0x0], $0xffff  }
0x2f3: {  	v22 =	vadd.s32 v5, v16  }
0x2f4: {  	v20 =	vld.idx.msk [tilespmem:v20+s22+$0x0], $0xffff  }
0x2f5: {  	v23 =	vadd.s32 v6, v16  }
0x2f6: {  	v17 =	vadd.f32 v17, v18;
	v18 =	vld.idx.msk [tilespmem:v21+s22+$0x0], $0xffff  }
0x2f7: {  	v21 =	vadd.s32 v7, v16  }
0x2f8: {  	v17 =	vadd.f32 v19, v17;
	v19 =	vld.idx.msk [tilespmem:v22+s22+$0x0], $0xffff  }
0x2f9: {  	v22 =	vadd.s32 v8, v16  }
0x2fa: {  	v17 =	vadd.f32 v20, v17;
	v20 =	vld.idx.msk [tilespmem:v23+s22+$0x0], $0xffff  }
0x2fb: {  	v23 =	vadd.s32 v9, v16  }
0x2fc: {  	v17 =	vadd.f32 v18, v17;
	v18 =	vld.idx.msk [tilespmem:v21+s22+$0x0], $0xffff  }
0x2fd: {  	v21 =	vadd.s32 v10, v16  }
0x2fe: {  	v17 =	vadd.f32 v19, v17;
	v19 =	vld.idx.msk [tilespmem:v22+s22+$0x0], $0xffff  }
0x2ff: {  	v22 =	vadd.s32 v11, v16  }
0x300: {  	v17 =	vadd.f32 v20, v17;
	v20 =	vld.idx.msk [tilespmem:v23+s22+$0x0], $0xffff  }
0x301: {  	v23 =	vadd.s32 v12, v16  }
0x302: {  	v17 =	vadd.f32 v18, v17;
	v18 =	vld.idx.msk [tilespmem:v21+s22+$0x0], $0xffff  }
0x303: {  	v21 =	vadd.s32 v13, v16  }
0x304: {  	v17 =	vadd.f32 v19, v17;
	v19 =	vld.idx.msk [tilespmem:v22+s22+$0x0], $0xffff  }
0x305: {  	v22 =	vadd.s32 v14, v16  }
0x306: {  	v17 =	vadd.f32 v20, v17;
	v20 =	vld.idx.msk [tilespmem:v23+s22+$0x0], $0xffff  }
0x307: {  	v16 =	vadd.s32 v15, v16  }
0x308: {  	v17 =	vadd.f32 v18, v17;
	v18 =	vld.idx.msk [tilespmem:v21+s22+$0x0], $0xffff;
	_ =	sdelay $0x1  }
0x309: {  	v17 =	vadd.f32 v19, v17;
	v19 =	vld.idx.msk [tilespmem:v22+s22+$0x0], $0xffff;
	_ =	sdelay $0x1  }
0x30a: {  	v17 =	vadd.f32 v20, v17;
	v16 =	vld.idx.msk [tilespmem:v16+s22+$0x0], $0xffff;
	_ =	sdelay $0x1  }
0x30b: {  	v17 =	vadd.f32 v18, v17;
	_ =	sdelay $0x1  }
0x30c: {  	v17 =	vadd.f32 v19, v17;
	_ =	sdelay $0x1  }
0x30d: {  	v16 =	vadd.f32 v16, v17;
	_ =	sdelay $0x1  }
0x30e: {  	v16 =	vsub.f32 $0.0e+00, v16;
	_ =	sdelay $0x1  }
0x30f: {  	v16 =	vmul.f32 $1.442695020e+00, v16;
	_ =	sdelay $0x1  }
0x310: {  	(erf) = vpow2.f32 v16;
	_ =	sdelay $0x8  }
0x311: {  	v16 =	vpop (erf)  }
.Ltmp3:
0x312: {  	v16 =	vadd.f32 $1.000000000e+00, v16;
	(pc) =	sbr.rel @p0 .LBB2_8-.Ltmp3, $4  }
0x313: {  	_ = 	snop  }
0x314: {  	(erf) = vrcp.f32 v16  }
0x315: {  	v16 =	vmov s1  }
0x316: {  	s1 =	sadd.s32 $0x10, s1;
	v16 =	vmul.u32 $0x18, v16  }
0x317: {  	_ = 	snop  }
0x318: {  	v16 =	vbroadcast v16, $0x0;
	_ =	sdelay $0x1  }
0x319: {  	v17 =	vadd.s32 v1, v16  }
0x31a: {  	v18 =	vadd.s32 v0, v16;
	_ =	sdelay $0x1  }
0x31b: {  	s0 =	sadd.s32 $0x10, s0;
	v19 =	vadd.s32 v2, v16;
	v20 =	vpop (erf)  }
0x31c: {  	[tilespmem:s0+$0x0] =	vst v20  }
0x31d: {  	v20 =	vadd.s32 v3, v16;
	v17 =	vld.idx.msk [tilespmem:v17+s22+$0x0], $0xffff  }
0x31e: {  	v18 =	vld.idx.msk [tilespmem:v18+s22+$0x0], $0xffff  }
0x31f: {  	v21 =	vadd.s32 v4, v16  }
0x320: {  	v19 =	vld.idx.msk [tilespmem:v19+s22+$0x0], $0xffff  }
0x321: {  	v22 =	vadd.s32 v5, v16  }
0x322: {  	v20 =	vld.idx.msk [tilespmem:v20+s22+$0x0], $0xffff  }
0x323: {  	v23 =	vadd.s32 v6, v16;
	v17 =	vadd.f32 v17, v18  }
0x324: {  	v18 =	vld.idx.msk [tilespmem:v21+s22+$0x0], $0xffff  }
0x325: {  	v36 =	vadd.s32 v7, v16;
	v17 =	vadd.f32 v19, v17  }
0x326: {  	v19 =	vld.idx.msk [tilespmem:v22+s22+$0x0], $0xffff  }
0x327: {  	v37 =	vadd.s32 v8, v16;
	v17 =	vadd.f32 v20, v17  }
0x328: {  	v20 =	vld.idx.msk [tilespmem:v23+s22+$0x0], $0xffff  }
0x329: {  	v38 =	vadd.s32 v9, v16;
	v17 =	vadd.f32 v18, v17  }
0x32a: {  	v18 =	vld.idx.msk [tilespmem:v36+s22+$0x0], $0xffff  }
0x32b: {  	v39 =	vadd.s32 v10, v16;
	v17 =	vadd.f32 v19, v17  }
0x32c: {  	v19 =	vld.idx.msk [tilespmem:v37+s22+$0x0], $0xffff  }
0x32d: {  	v40 =	vadd.s32 v11, v16;
	v17 =	vadd.f32 v20, v17  }
0x32e: {  	v20 =	vld.idx.msk [tilespmem:v38+s22+$0x0], $0xffff  }
0x32f: {  	v41 =	vadd.s32 v12, v16;
	v17 =	vadd.f32 v18, v17  }
0x330: {  	v18 =	vld.idx.msk [tilespmem:v39+s22+$0x0], $0xffff  }
0x331: {  	v42 =	vadd.s32 v13, v16;
	v17 =	vadd.f32 v19, v17  }
0x332: {  	v19 =	vld.idx.msk [tilespmem:v40+s22+$0x0], $0xffff  }
0x333: {  	v43 =	vadd.s32 v14, v16;
	v17 =	vadd.f32 v20, v17  }
0x334: {  	v20 =	vld.idx.msk [tilespmem:v41+s22+$0x0], $0xffff  }
0x335: {  	v16 =	vadd.s32 v15, v16;
	v17 =	vadd.f32 v18, v17  }
0x336: {  	v18 =	vld.idx.msk [tilespmem:v42+s22+$0x0], $0xffff  }
0x337: {  	v17 =	vadd.f32 v19, v17  }
0x338: {  	v19 =	vld.idx.msk [tilespmem:v43+s22+$0x0], $0xffff  }
0x339: {  	v17 =	vadd.f32 v20, v17  }
0x33a: {  	v16 =	vld.idx.msk [tilespmem:v16+s22+$0x0], $0xffff  }
0x33b: {  	v17 =	vadd.f32 v18, v17;
	_ =	sdelay $0x1  }
0x33c: {  	v17 =	vadd.f32 v19, v17;
	_ =	sdelay $0x1  }
0x33d: {  	v16 =	vadd.f32 v16, v17;
	_ =	sdelay $0x1  }
0x33e: {  	v16 =	vsub.f32 $0.0e+00, v16;
	_ =	sdelay $0x1  }
0x33f: {  	v16 =	vmul.f32 $1.442695020e+00, v16;
	_ =	sdelay $0x1  }
0x340: {  	(erf) = vpow2.f32 v16;
	_ =	sdelay $0x8  }
0x341: {  	v16 =	vpop (erf)  }
0x342: {  	v16 =	vadd.f32 $1.000000000e+00, v16;
	_ =	sdelay $0x1  }
0x343: {  	(erf) = vrcp.f32 v16;
	_ =	sdelay $0x8  }
0x344: {  	s0 =	sadd.s32 $0x10, s0;
	v16 =	vpop (erf)  }
0x345: {  	[tilespmem:s0+$0x0] =	vst v16  }
0x346: {  	_ =	swait.ge [sflag:s28], $0x2000  }
0x347: {  	[sflag:s28] =	ssyncset.done $0x0  }
0x348: {  	[sflag:s28] =	ssyncadd.s32 $0xFFFFE000  }
0x349: {  	_ =	swait.ge [sflag:s29], $0x2000  }
0x34a: {  	[sflag:s29] =	ssyncset.done $0x0  }
0x34b: {  	s13 =	simm.s32 $0x8500;
	[sflag:s29] =	ssyncadd.s32 $0xFFFFE000  }
0x34c: {  	s1 =	simm.s32 $0xA500;
	v16 =	vld [tilespmem:s13+$0xFFFFFF00]  }
0x34d: {  	v17 =	vld [tilespmem:s1+$0xFFFFFF10]  }
0x34e: {  	v18 =	vld [tilespmem:s13+$0xFFFFFF10]  }
0x34f: {  	v19 =	vld [tilespmem:s1+$0xFFFFFF00]  }
0x350: {  	v20 =	vld [tilespmem:s1+$0xFFFFFF20]  }
0x351: {  	v44 =	vld [tilespmem:s13+$0xFFFFFF20]  }
0x352: {  	v45 =	vld [tilespmem:s1+$0xFFFFFF30]  }
0x353: {  	v46 =	vld [tilespmem:s13+$0xFFFFFF30]  }
0x354: {  	v17 =	vmul.f32 v17, v18;
	v16 =	vmul.f32 v19, v16;
	_ =	sdelay $0x1  }
0x355: {  	v16 =	vadd.f32 v17, v16;
	v17 =	vmul.f32 v20, v44;
	_ =	sdelay $0x1  }
0x356: {  	v16 =	vadd.f32 v17, v16;
	v17 =	vmul.f32 v45, v46;
	_ =	sdelay $0x1  }
0x357: {  	v16 =	vadd.f32 v17, v16  }
0x358: {  	s14 =	simm.s32 $0xC460  }
0x359: {  	[tilespmem:s14+$0xFFFFFFA0] =	vst v16  }
0x35a: {  	v16 =	vld [tilespmem:s1+$0xFFFFFF50]  }
0x35b: {  	v17 =	vld [tilespmem:s13+$0xFFFFFF40]  }
0x35c: {  	v18 =	vld [tilespmem:s13+$0xFFFFFF50]  }
0x35d: {  	v19 =	vld [tilespmem:s1+$0xFFFFFF40]  }
0x35e: {  	v20 =	vld [tilespmem:s1+$0xFFFFFF60]  }
0x35f: {  	v47 =	vld [tilespmem:s13+$0xFFFFFF60]  }
0x360: {  	v48 =	vld [tilespmem:s1+$0xFFFFFF70]  }
0x361: {  	v49 =	vld [tilespmem:s13+$0xFFFFFF70]  }
0x362: {  	v16 =	vmul.f32 v16, v18;
	v17 =	vmul.f32 v19, v17;
	_ =	sdelay $0x1  }
0x363: {  	v16 =	vadd.f32 v16, v17;
	v17 =	vmul.f32 v20, v47;
	_ =	sdelay $0x1  }
0x364: {  	v16 =	vadd.f32 v17, v16;
	v17 =	vmul.f32 v48, v49;
	_ =	sdelay $0x1  }
0x365: {  	v16 =	vadd.f32 v17, v16;
	_ =	sdelay $0x1  }
0x366: {  	[tilespmem:s14+$0xFFFFFFB8] =	vst v16  }
0x367: {  	v16 =	vld [tilespmem:s13+$0xFFFFFF80]  }
0x368: {  	v17 =	vld [tilespmem:s1+$0xFFFFFF80]  }
0x369: {  	v18 =	vld [tilespmem:s1+$0xFFFFFF90]  }
0x36a: {  	v19 =	vld [tilespmem:s13+$0xFFFFFF90]  }
0x36b: {  	v20 =	vld [tilespmem:s1+$0xFFFFFFA0]  }
0x36c: {  	v50 =	vld [tilespmem:s13+$0xFFFFFFA0]  }
0x36d: {  	v51 =	vld [tilespmem:s1+$0xFFFFFFB0]  }
0x36e: {  	v52 =	vld [tilespmem:s13+$0xFFFFFFB0]  }
0x36f: {  	v16 =	vmul.f32 v17, v16;
	v17 =	vmul.f32 v18, v19;
	_ =	sdelay $0x1  }
0x370: {  	v16 =	vadd.f32 v17, v16;
	v17 =	vmul.f32 v20, v50;
	_ =	sdelay $0x1  }
0x371: {  	v16 =	vadd.f32 v17, v16;
	v17 =	vmul.f32 v51, v52;
	_ =	sdelay $0x1  }
0x372: {  	v16 =	vadd.f32 v17, v16;
	_ =	sdelay $0x1  }
0x373: {  	[tilespmem:s14+$0xFFFFFFD0] =	vst v16  }
0x374: {  	v16 =	vld [tilespmem:s1+$0xFFFFFFC0]  }
0x375: {  	v17 =	vld [tilespmem:s13+$0xFFFFFFC0]  }
0x376: {  	v18 =	vld [tilespmem:s13+$0xFFFFFFD0]  }
0x377: {  	v19 =	vld [tilespmem:s1+$0xFFFFFFD0]  }
0x378: {  	v20 =	vld [tilespmem:s13+$0xFFFFFFE0]  }
0x379: {  	v53 =	vld [tilespmem:s1+$0xFFFFFFE0]  }
0x37a: {  	v54 =	vld [tilespmem:s1+$0xFFFFFFF0]  }
0x37b: {  	v55 =	vld [tilespmem:s13+$0xFFFFFFF0]  }
0x37c: {  	v16 =	vmul.f32 v16, v17;
	v17 =	vmul.f32 v19, v18;
	_ =	sdelay $0x1  }
0x37d: {  	v16 =	vadd.f32 v17, v16;
	v17 =	vmul.f32 v53, v20;
	_ =	sdelay $0x1  }
0x37e: {  	v16 =	vadd.f32 v17, v16;
	v17 =	vmul.f32 v54, v55;
	_ =	sdelay $0x1  }
0x37f: {  	v16 =	vadd.f32 v17, v16;
	_ =	sdelay $0x1  }
0x380: {  	[tilespmem:s14+$0xFFFFFFE8] =	vst v16  }
0x381: {  	v16 =	vld [tilespmem:s1+$0x10]  }
0x382: {  	v17 =	vld [tilespmem:s13+$0x0]  }
0x383: {  	v18 =	vld [tilespmem:s1+$0x0]  }
0x384: {  	v19 =	vld [tilespmem:s13+$0x10]  }
0x385: {  	v20 =	vld [tilespmem:s1+$0x20]  }
0x386: {  	v56 =	vld [tilespmem:s13+$0x20]  }
0x387: {  	v57 =	vld [tilespmem:s1+$0x30]  }
0x388: {  	v58 =	vld [tilespmem:s13+$0x30]  }
0x389: {  	v17 =	vmul.f32 v18, v17;
	v16 =	vmul.f32 v16, v19;
	_ =	sdelay $0x1  }
0x38a: {  	v16 =	vadd.f32 v16, v17;
	v17 =	vmul.f32 v20, v56;
	_ =	sdelay $0x1  }
0x38b: {  	v16 =	vadd.f32 v17, v16;
	v17 =	vmul.f32 v57, v58;
	_ =	sdelay $0x1  }
0x38c: {  	v16 =	vadd.f32 v17, v16;
	_ =	sdelay $0x1  }
0x38d: {  	[tilespmem:s14+$0x0] =	vst v16  }
0x38e: {  	v16 =	vld [tilespmem:s1+$0x50]  }
0x38f: {  	v17 =	vld [tilespmem:s13+$0x40]  }
0x390: {  	v18 =	vld [tilespmem:s1+$0x40]  }
0x391: {  	v19 =	vld [tilespmem:s13+$0x50]  }
0x392: {  	v20 =	vld [tilespmem:s13+$0x60]  }
0x393: {  	v59 =	vld [tilespmem:s1+$0x60]  }
0x394: {  	v60 =	vld [tilespmem:s13+$0x70]  }
0x395: {  	v61 =	vld [tilespmem:s1+$0x70]  }
0x396: {  	v17 =	vmul.f32 v18, v17;
	v16 =	vmul.f32 v16, v19;
	_ =	sdelay $0x1  }
0x397: {  	v16 =	vadd.f32 v16, v17;
	v17 =	vmul.f32 v59, v20;
	_ =	sdelay $0x1  }
0x398: {  	v16 =	vadd.f32 v17, v16;
	v17 =	vmul.f32 v61, v60;
	_ =	sdelay $0x1  }
0x399: {  	v16 =	vadd.f32 v17, v16;
	_ =	sdelay $0x1  }
0x39a: {  	[tilespmem:s14+$0x18] =	vst v16  }
0x39b: {  	v16 =	vld [tilespmem:s1+$0x80]  }
0x39c: {  	v17 =	vld [tilespmem:s13+$0x80]  }
0x39d: {  	v18 =	vld [tilespmem:s1+$0x90]  }
0x39e: {  	v19 =	vld [tilespmem:s13+$0x90]  }
0x39f: {  	v20 =	vld [tilespmem:s13+$0xA0]  }
0x3a0: {  	v62 =	vld [tilespmem:s1+$0xA0]  }
0x3a1: {  	v63 =	vmul.f32 v16, v17;
	v16 =	vld [tilespmem:s13+$0xB0]  }
0x3a2: {  	v17 =	vld [tilespmem:s1+$0xB0]  }
0x3a3: {  	v18 =	vmul.f32 v18, v19  }
0x3a4: {  	s17 =	simm.s32 $0x0;
	s18 =	simm.s32 $0xA700  }
0x3a5: {  	s15 =	simm.s32 $0xC460;
	s16 =	simm.s32 $0x8500;
	s0 =	simm.s32 $0xD100;
	v19 =	vmul.f32 v62, v20;
	v18 =	vadd.f32 v18, v63  }
.LBB2_10:
0x3a6: {  	s17 =	sadd.s32 $0x8, s17;
	s14 =	sadd.s32 $0xC0, s14;
	s13 =	sadd.s32 $0x200, s13  }
0x3a7: {  	v18 =	vadd.f32 v19, v18;
	v16 =	vmul.f32 v17, v16;
	p0 =	slt.u32 s17, $0x78;
	_ =	sdelay $0x1  }
0x3a8: {  	v16 =	vadd.f32 v16, v18;
	_ =	sdelay $0x1  }
0x3a9: {  	[tilespmem:s15+$0x30] =	vst v16  }
0x3aa: {  	v16 =	vld [tilespmem:s16+$0xE0]  }
0x3ab: {  	v17 =	vld [tilespmem:s1+$0xE0]  }
0x3ac: {  	v18 =	vld [tilespmem:s16+$0xC0]  }
0x3ad: {  	v19 =	vld [tilespmem:s1+$0xD0]  }
0x3ae: {  	v20 =	vld [tilespmem:s16+$0xD0]  }
0x3af: {  	v21 =	vld [tilespmem:s1+$0xC0]  }
0x3b0: {  	v22 =	vld [tilespmem:s16+$0xF0];
	s16 =	smov.u32 s13  }
0x3b1: {  	v23 =	vld [tilespmem:s1+$0xF0];
	s1 =	smov.u32 s18;
	_ =	sdelay $0x1  }
0x3b2: {  	v16 =	vmul.f32 v17, v16;
	v19 =	vmul.f32 v19, v20  }
0x3b3: {  	v17 =	vmul.f32 v21, v18;
	_ =	sdelay $0x1  }
0x3b4: {  	v17 =	vadd.f32 v19, v17;
	v18 =	vmul.f32 v23, v22;
	_ =	sdelay $0x1  }
0x3b5: {  	v16 =	vadd.f32 v16, v17;
	_ =	sdelay $0x1  }
0x3b6: {  	v16 =	vadd.f32 v18, v16;
	_ =	sdelay $0x1  }
0x3b7: {  	[tilespmem:s15+$0x48] =	vst v16;
	s15 =	smov.u32 s14  }
0x3b8: {  	v16 =	vld [tilespmem:s13+$0xFFFFFF00]  }
0x3b9: {  	v17 =	vld [tilespmem:s18+$0xFFFFFF10]  }
0x3ba: {  	v18 =	vld [tilespmem:s13+$0xFFFFFF10]  }
0x3bb: {  	v19 =	vld [tilespmem:s18+$0xFFFFFF00]  }
0x3bc: {  	v20 =	vld [tilespmem:s18+$0xFFFFFF20]  }
0x3bd: {  	v21 =	vld [tilespmem:s13+$0xFFFFFF20]  }
0x3be: {  	v22 =	vld [tilespmem:s18+$0xFFFFFF30]  }
0x3bf: {  	v17 =	vmul.f32 v17, v18;
	v18 =	vld [tilespmem:s13+$0xFFFFFF30]  }
0x3c0: {  	v16 =	vmul.f32 v19, v16;
	_ =	sdelay $0x1  }
0x3c1: {  	v16 =	vadd.f32 v17, v16;
	v17 =	vmul.f32 v20, v21;
	_ =	sdelay $0x1  }
0x3c2: {  	v16 =	vadd.f32 v17, v16;
	v17 =	vmul.f32 v22, v18;
	_ =	sdelay $0x1  }
0x3c3: {  	v16 =	vadd.f32 v17, v16;
	_ =	sdelay $0x1  }
0x3c4: {  	[tilespmem:s14+$0xFFFFFFA0] =	vst v16  }
0x3c5: {  	v16 =	vld [tilespmem:s18+$0xFFFFFF50]  }
0x3c6: {  	v17 =	vld [tilespmem:s13+$0xFFFFFF40]  }
0x3c7: {  	v18 =	vld [tilespmem:s13+$0xFFFFFF50]  }
0x3c8: {  	v19 =	vld [tilespmem:s18+$0xFFFFFF40]  }
0x3c9: {  	v20 =	vld [tilespmem:s18+$0xFFFFFF60]  }
0x3ca: {  	v21 =	vld [tilespmem:s13+$0xFFFFFF60]  }
0x3cb: {  	v22 =	vld [tilespmem:s18+$0xFFFFFF70]  }
0x3cc: {  	v16 =	vmul.f32 v16, v18;
	v18 =	vld [tilespmem:s13+$0xFFFFFF70]  }
0x3cd: {  	v17 =	vmul.f32 v19, v17;
	_ =	sdelay $0x1  }
0x3ce: {  	v16 =	vadd.f32 v16, v17;
	v17 =	vmul.f32 v20, v21;
	_ =	sdelay $0x1  }
0x3cf: {  	v16 =	vadd.f32 v17, v16;
	v17 =	vmul.f32 v22, v18;
	_ =	sdelay $0x1  }
0x3d0: {  	v16 =	vadd.f32 v17, v16;
	_ =	sdelay $0x1  }
0x3d1: {  	[tilespmem:s14+$0xFFFFFFB8] =	vst v16  }
0x3d2: {  	v16 =	vld [tilespmem:s13+$0xFFFFFF80]  }
0x3d3: {  	v17 =	vld [tilespmem:s18+$0xFFFFFF80]  }
0x3d4: {  	v18 =	vld [tilespmem:s18+$0xFFFFFF90]  }
0x3d5: {  	v19 =	vld [tilespmem:s13+$0xFFFFFF90]  }
0x3d6: {  	v20 =	vld [tilespmem:s18+$0xFFFFFFA0]  }
0x3d7: {  	v21 =	vld [tilespmem:s13+$0xFFFFFFA0]  }
0x3d8: {  	v16 =	vmul.f32 v17, v16;
	v17 =	vld [tilespmem:s18+$0xFFFFFFB0]  }
0x3d9: {  	v22 =	vld [tilespmem:s13+$0xFFFFFFB0]  }
0x3da: {  	v18 =	vmul.f32 v18, v19;
	_ =	sdelay $0x1  }
0x3db: {  	v16 =	vadd.f32 v18, v16;
	v18 =	vmul.f32 v20, v21;
	_ =	sdelay $0x1  }
0x3dc: {  	v16 =	vadd.f32 v18, v16;
	v17 =	vmul.f32 v17, v22;
	_ =	sdelay $0x1  }
0x3dd: {  	v16 =	vadd.f32 v17, v16;
	_ =	sdelay $0x1  }
0x3de: {  	[tilespmem:s14+$0xFFFFFFD0] =	vst v16  }
0x3df: {  	v16 =	vld [tilespmem:s18+$0xFFFFFFC0]  }
0x3e0: {  	v17 =	vld [tilespmem:s13+$0xFFFFFFC0]  }
0x3e1: {  	v18 =	vld [tilespmem:s13+$0xFFFFFFD0]  }
0x3e2: {  	v19 =	vld [tilespmem:s18+$0xFFFFFFD0]  }
0x3e3: {  	v20 =	vld [tilespmem:s13+$0xFFFFFFE0]  }
0x3e4: {  	v21 =	vld [tilespmem:s18+$0xFFFFFFE0]  }
0x3e5: {  	v16 =	vmul.f32 v16, v17;
	v17 =	vld [tilespmem:s18+$0xFFFFFFF0]  }
0x3e6: {  	v22 =	vld [tilespmem:s13+$0xFFFFFFF0]  }
0x3e7: {  	v18 =	vmul.f32 v19, v18;
	_ =	sdelay $0x1  }
0x3e8: {  	v16 =	vadd.f32 v18, v16;
	v18 =	vmul.f32 v21, v20;
	_ =	sdelay $0x1  }
0x3e9: {  	v16 =	vadd.f32 v18, v16;
	v17 =	vmul.f32 v17, v22;
	_ =	sdelay $0x1  }
0x3ea: {  	v16 =	vadd.f32 v17, v16;
	_ =	sdelay $0x1  }
0x3eb: {  	[tilespmem:s14+$0xFFFFFFE8] =	vst v16  }
0x3ec: {  	v16 =	vld [tilespmem:s18+$0x10]  }
0x3ed: {  	v17 =	vld [tilespmem:s13+$0x0]  }
0x3ee: {  	v18 =	vld [tilespmem:s18+$0x0]  }
0x3ef: {  	v19 =	vld [tilespmem:s13+$0x10]  }
0x3f0: {  	v20 =	vld [tilespmem:s18+$0x20]  }
0x3f1: {  	v21 =	vld [tilespmem:s13+$0x20]  }
0x3f2: {  	v22 =	vld [tilespmem:s18+$0x30]  }
0x3f3: {  	v17 =	vmul.f32 v18, v17;
	v18 =	vld [tilespmem:s13+$0x30]  }
0x3f4: {  	v16 =	vmul.f32 v16, v19;
	_ =	sdelay $0x1  }
0x3f5: {  	v16 =	vadd.f32 v16, v17;
	v17 =	vmul.f32 v20, v21;
	_ =	sdelay $0x1  }
0x3f6: {  	v16 =	vadd.f32 v17, v16;
	v17 =	vmul.f32 v22, v18;
	_ =	sdelay $0x1  }
0x3f7: {  	v16 =	vadd.f32 v17, v16;
	_ =	sdelay $0x1  }
0x3f8: {  	[tilespmem:s14+$0x0] =	vst v16  }
0x3f9: {  	v16 =	vld [tilespmem:s18+$0x50]  }
0x3fa: {  	v17 =	vld [tilespmem:s13+$0x40]  }
0x3fb: {  	v18 =	vld [tilespmem:s18+$0x40]  }
0x3fc: {  	v19 =	vld [tilespmem:s13+$0x50]  }
0x3fd: {  	v20 =	vld [tilespmem:s13+$0x60]  }
0x3fe: {  	v21 =	vld [tilespmem:s18+$0x60]  }
0x3ff: {  	v22 =	vld [tilespmem:s13+$0x70]  }
0x400: {  	v17 =	vmul.f32 v18, v17;
	v18 =	vld [tilespmem:s18+$0x70]  }
0x401: {  	v16 =	vmul.f32 v16, v19;
	_ =	sdelay $0x1  }
0x402: {  	v16 =	vadd.f32 v16, v17;
	v17 =	vmul.f32 v21, v20;
	_ =	sdelay $0x1  }
0x403: {  	v16 =	vadd.f32 v17, v16;
	v17 =	vmul.f32 v18, v22;
	_ =	sdelay $0x1  }
0x404: {  	v16 =	vadd.f32 v17, v16;
	_ =	sdelay $0x1  }
0x405: {  	[tilespmem:s14+$0x18] =	vst v16  }
0x406: {  	v16 =	vld [tilespmem:s18+$0x80]  }
0x407: {  	v17 =	vld [tilespmem:s13+$0x80]  }
0x408: {  	v18 =	vld [tilespmem:s18+$0x90]  }
0x409: {  	v19 =	vld [tilespmem:s13+$0x90]  }
0x40a: {  	v20 =	vld [tilespmem:s13+$0xA0]  }
0x40b: {  	v21 =	vld [tilespmem:s18+$0xA0]  }
0x40c: {  	v22 =	vmul.f32 v16, v17;
	v16 =	vld [tilespmem:s13+$0xB0]  }
.Ltmp4:
0x40d: {  	v17 =	vld [tilespmem:s18+$0xB0];
	(pc) =	sbr.rel @p0 .LBB2_10-.Ltmp4, $3  }
0x40e: {  	v18 =	vmul.f32 v18, v19;
	_ =	sdelay $0x1  }
0x40f: {  	v18 =	vadd.f32 v18, v22;
	v19 =	vmul.f32 v21, v20  }
0x410: {  	s19 =	simm.s32 $0x0;
	s18 =	sadd.s32 $0x200, s18  }
0x411: {  	v18 =	vadd.f32 v19, v18;
	v16 =	vmul.f32 v17, v16;
	_ =	sdelay $0x1  }
0x412: {  	v16 =	vadd.f32 v16, v18;
	_ =	sdelay $0x1  }
0x413: {  	[tilespmem:s15+$0x30] =	vst v16  }
0x414: {  	v16 =	vld [tilespmem:s16+$0xC0]  }
0x415: {  	v17 =	vld [tilespmem:s1+$0xD0]  }
0x416: {  	v18 =	vld [tilespmem:s16+$0xD0]  }
0x417: {  	v19 =	vld [tilespmem:s1+$0xC0]  }
0x418: {  	v20 =	vld [tilespmem:s16+$0xE0]  }
0x419: {  	v21 =	vld [tilespmem:s1+$0xE0]  }
0x41a: {  	v22 =	vld [tilespmem:s16+$0xF0]  }
0x41b: {  	v24 =	vmov s19;
	v23 =	vld [tilespmem:s1+$0xF0]  }
0x41c: {  	v17 =	vmul.f32 v17, v18;
	v16 =	vmul.f32 v19, v16;
	v18 =	vmul.u32 $0x18, v24;
	_ =	sdelay $0x1  }
0x41d: {  	v19 =	vmul.f32 v21, v20;
	v16 =	vadd.f32 v17, v16;
	v17 =	vbroadcast v18, $0x0;
	_ =	sdelay $0x1  }
0x41e: {  	v18 =	vmul.f32 v23, v22;
	v16 =	vadd.f32 v19, v16;
	v19 =	vadd.s32 v1, v17  }
0x41f: {  	v32 =	vadd.s32 v0, v17  }
0x420: {  	v16 =	vadd.f32 v18, v16  }
0x421: {  	v18 =	vadd.s32 v2, v17  }
0x422: {  	[tilespmem:s15+$0x48] =	vst v16  }
0x423: {  	v16 =	vld.idx.msk [tilespmem:v19+s22+$0x0], $0xffff;
	v19 =	vadd.s32 v3, v17  }
0x424: {  	v20 =	vld.idx.msk [tilespmem:v32+s22+$0x0], $0xffff  }
0x425: {  	v33 =	vadd.s32 v4, v17  }
0x426: {  	v18 =	vld.idx.msk [tilespmem:v18+s22+$0x0], $0xffff  }
0x427: {  	v34 =	vadd.s32 v5, v17  }
0x428: {  	v19 =	vld.idx.msk [tilespmem:v19+s22+$0x0], $0xffff  }
0x429: {  	v35 =	vadd.s32 v6, v17;
	v16 =	vadd.f32 v16, v20  }
0x42a: {  	v36 =	vld.idx.msk [tilespmem:v33+s22+$0x0], $0xffff  }
0x42b: {  	v37 =	vadd.s32 v7, v17;
	v16 =	vadd.f32 v18, v16  }
0x42c: {  	v18 =	vld.idx.msk [tilespmem:v34+s22+$0x0], $0xffff  }
0x42d: {  	v38 =	vadd.s32 v8, v17;
	v16 =	vadd.f32 v19, v16  }
0x42e: {  	v19 =	vld.idx.msk [tilespmem:v35+s22+$0x0], $0xffff  }
0x42f: {  	v39 =	vadd.s32 v9, v17;
	v16 =	vadd.f32 v36, v16  }
0x430: {  	v40 =	vld.idx.msk [tilespmem:v37+s22+$0x0], $0xffff  }
0x431: {  	v41 =	vadd.s32 v10, v17;
	v16 =	vadd.f32 v18, v16  }
0x432: {  	v18 =	vld.idx.msk [tilespmem:v38+s22+$0x0], $0xffff  }
0x433: {  	v42 =	vadd.s32 v11, v17;
	v16 =	vadd.f32 v19, v16  }
0x434: {  	v19 =	vld.idx.msk [tilespmem:v39+s22+$0x0], $0xffff  }
0x435: {  	v43 =	vadd.s32 v12, v17;
	v16 =	vadd.f32 v40, v16  }
0x436: {  	v44 =	vld.idx.msk [tilespmem:v41+s22+$0x0], $0xffff  }
0x437: {  	v45 =	vadd.s32 v13, v17;
	v16 =	vadd.f32 v18, v16  }
0x438: {  	v18 =	vld.idx.msk [tilespmem:v42+s22+$0x0], $0xffff  }
0x439: {  	v46 =	vadd.s32 v14, v17;
	v16 =	vadd.f32 v19, v16  }
0x43a: {  	v19 =	vld.idx.msk [tilespmem:v43+s22+$0x0], $0xffff  }
0x43b: {  	v17 =	vadd.s32 v15, v17;
	v16 =	vadd.f32 v44, v16  }
0x43c: {  	v47 =	vld.idx.msk [tilespmem:v45+s22+$0x0], $0xffff  }
0x43d: {  	v16 =	vadd.f32 v18, v16  }
0x43e: {  	v18 =	vld.idx.msk [tilespmem:v46+s22+$0x0], $0xffff  }
0x43f: {  	v16 =	vadd.f32 v19, v16  }
0x440: {  	v17 =	vld.idx.msk [tilespmem:v17+s22+$0x0], $0xffff  }
0x441: {  	v16 =	vadd.f32 v47, v16;
	_ =	sdelay $0x1  }
0x442: {  	v16 =	vadd.f32 v18, v16;
	_ =	sdelay $0x1  }
0x443: {  	v16 =	vadd.f32 v17, v16;
	_ =	sdelay $0x1  }
0x444: {  	v16 =	vsub.f32 $0.0e+00, v16;
	_ =	sdelay $0x1  }
0x445: {  	v16 =	vmul.f32 $1.442695020e+00, v16;
	_ =	sdelay $0x1  }
0x446: {  	(erf) = vpow2.f32 v16;
	_ =	sdelay $0x8  }
0x447: {  	v16 =	vpop (erf)  }
0x448: {  	v16 =	vadd.f32 $1.000000000e+00, v16;
	_ =	sdelay $0x1  }
0x449: {  	s18 =	simm.s32 $0x10;
	(erf) = vrcp.f32 v16  }
0x44a: {  	v16 =	vmov s18  }
0x44b: {  	v16 =	vmul.u32 $0x18, v16;
	_ =	sdelay $0x1  }
0x44c: {  	v16 =	vbroadcast v16, $0x0;
	_ =	sdelay $0x1  }
0x44d: {  	v17 =	vadd.s32 v1, v16  }
0x44e: {  	v18 =	vadd.s32 v0, v16;
	_ =	sdelay $0x1  }
0x44f: {  	v19 =	vadd.s32 v2, v16;
	v48 =	vpop (erf)  }
0x450: {  	[tilespmem:s0+$0x0] =	vst v48  }
0x451: {  	v49 =	vadd.s32 v3, v16;
	v17 =	vld.idx.msk [tilespmem:v17+s22+$0x0], $0xffff  }
0x452: {  	v18 =	vld.idx.msk [tilespmem:v18+s22+$0x0], $0xffff  }
0x453: {  	v50 =	vadd.s32 v4, v16  }
0x454: {  	v19 =	vld.idx.msk [tilespmem:v19+s22+$0x0], $0xffff  }
0x455: {  	v51 =	vadd.s32 v5, v16  }
0x456: {  	v20 =	vld.idx.msk [tilespmem:v49+s22+$0x0], $0xffff  }
0x457: {  	v52 =	vadd.s32 v6, v16;
	v17 =	vadd.f32 v17, v18  }
0x458: {  	v18 =	vld.idx.msk [tilespmem:v50+s22+$0x0], $0xffff  }
0x459: {  	v53 =	vadd.s32 v7, v16;
	v17 =	vadd.f32 v19, v17  }
0x45a: {  	v19 =	vld.idx.msk [tilespmem:v51+s22+$0x0], $0xffff  }
0x45b: {  	v54 =	vadd.s32 v8, v16;
	v17 =	vadd.f32 v20, v17  }
0x45c: {  	v55 =	vld.idx.msk [tilespmem:v52+s22+$0x0], $0xffff  }
0x45d: {  	v56 =	vadd.s32 v9, v16;
	v17 =	vadd.f32 v18, v17  }
0x45e: {  	v18 =	vld.idx.msk [tilespmem:v53+s22+$0x0], $0xffff  }
0x45f: {  	v57 =	vadd.s32 v10, v16;
	v17 =	vadd.f32 v19, v17  }
0x460: {  	v19 =	vld.idx.msk [tilespmem:v54+s22+$0x0], $0xffff  }
0x461: {  	v58 =	vadd.s32 v11, v16;
	v17 =	vadd.f32 v55, v17  }
0x462: {  	v59 =	vld.idx.msk [tilespmem:v56+s22+$0x0], $0xffff  }
0x463: {  	v60 =	vadd.s32 v12, v16;
	v17 =	vadd.f32 v18, v17  }
0x464: {  	v18 =	vld.idx.msk [tilespmem:v57+s22+$0x0], $0xffff  }
0x465: {  	v61 =	vadd.s32 v13, v16;
	v17 =	vadd.f32 v19, v17  }
0x466: {  	v19 =	vld.idx.msk [tilespmem:v58+s22+$0x0], $0xffff  }
0x467: {  	v62 =	vadd.s32 v14, v16;
	v17 =	vadd.f32 v59, v17  }
0x468: {  	v63 =	vld.idx.msk [tilespmem:v60+s22+$0x0], $0xffff  }
0x469: {  	v16 =	vadd.s32 v15, v16;
	v17 =	vadd.f32 v18, v17  }
0x46a: {  	v18 =	vld.idx.msk [tilespmem:v61+s22+$0x0], $0xffff  }
0x46b: {  	v17 =	vadd.f32 v19, v17  }
0x46c: {  	v19 =	vld.idx.msk [tilespmem:v62+s22+$0x0], $0xffff  }
0x46d: {  	v17 =	vadd.f32 v63, v17  }
0x46e: {  	v16 =	vld.idx.msk [tilespmem:v16+s22+$0x0], $0xffff  }
0x46f: {  	v17 =	vadd.f32 v18, v17;
	_ =	sdelay $0x1  }
0x470: {  	v17 =	vadd.f32 v19, v17;
	_ =	sdelay $0x1  }
0x471: {  	v16 =	vadd.f32 v16, v17;
	_ =	sdelay $0x1  }
0x472: {  	v16 =	vsub.f32 $0.0e+00, v16;
	_ =	sdelay $0x1  }
0x473: {  	v16 =	vmul.f32 $1.442695020e+00, v16;
	_ =	sdelay $0x1  }
0x474: {  	(erf) = vpow2.f32 v16;
	_ =	sdelay $0x8  }
0x475: {  	v16 =	vpop (erf)  }
0x476: {  	v16 =	vadd.f32 $1.000000000e+00, v16;
	_ =	sdelay $0x1  }
0x477: {  	s19 =	simm.s32 $0x20;
	(erf) = vrcp.f32 v16  }
0x478: {  	v17 =	vmov s19  }
0x479: {  	s1 =	simm.s32 $0x30;
	v16 =	vmul.u32 $0x18, v17  }
.LBB2_12:
0x47a: {  	p0 =	sne.s32 s1, $0x70  }
0x47b: {  	v16 =	vbroadcast v16, $0x0;
	_ =	sdelay $0x1  }
0x47c: {  	v17 =	vadd.s32 v1, v16  }
0x47d: {  	v18 =	vadd.s32 v0, v16;
	_ =	sdelay $0x1  }
0x47e: {  	s0 =	sadd.s32 $0x10, s0;
	v19 =	vadd.s32 v2, v16;
	v20 =	vpop (erf)  }
0x47f: {  	[tilespmem:s0+$0x0] =	vst v20  }
0x480: {  	v20 =	vadd.s32 v3, v16;
	v17 =	vld.idx.msk [tilespmem:v17+s22+$0x0], $0xffff  }
0x481: {  	v18 =	vld.idx.msk [tilespmem:v18+s22+$0x0], $0xffff  }
0x482: {  	v21 =	vadd.s32 v4, v16  }
0x483: {  	v19 =	vld.idx.msk [tilespmem:v19+s22+$0x0], $0xffff  }
0x484: {  	v22 =	vadd.s32 v5, v16  }
0x485: {  	v20 =	vld.idx.msk [tilespmem:v20+s22+$0x0], $0xffff  }
0x486: {  	v23 =	vadd.s32 v6, v16  }
0x487: {  	v17 =	vadd.f32 v17, v18;
	v18 =	vld.idx.msk [tilespmem:v21+s22+$0x0], $0xffff  }
0x488: {  	v21 =	vadd.s32 v7, v16  }
0x489: {  	v17 =	vadd.f32 v19, v17;
	v19 =	vld.idx.msk [tilespmem:v22+s22+$0x0], $0xffff  }
0x48a: {  	v22 =	vadd.s32 v8, v16  }
0x48b: {  	v17 =	vadd.f32 v20, v17;
	v20 =	vld.idx.msk [tilespmem:v23+s22+$0x0], $0xffff  }
0x48c: {  	v23 =	vadd.s32 v9, v16  }
0x48d: {  	v17 =	vadd.f32 v18, v17;
	v18 =	vld.idx.msk [tilespmem:v21+s22+$0x0], $0xffff  }
0x48e: {  	v21 =	vadd.s32 v10, v16  }
0x48f: {  	v17 =	vadd.f32 v19, v17;
	v19 =	vld.idx.msk [tilespmem:v22+s22+$0x0], $0xffff  }
0x490: {  	v22 =	vadd.s32 v11, v16  }
0x491: {  	v17 =	vadd.f32 v20, v17;
	v20 =	vld.idx.msk [tilespmem:v23+s22+$0x0], $0xffff  }
0x492: {  	v23 =	vadd.s32 v12, v16  }
0x493: {  	v17 =	vadd.f32 v18, v17;
	v18 =	vld.idx.msk [tilespmem:v21+s22+$0x0], $0xffff  }
0x494: {  	v21 =	vadd.s32 v13, v16  }
0x495: {  	v17 =	vadd.f32 v19, v17;
	v19 =	vld.idx.msk [tilespmem:v22+s22+$0x0], $0xffff  }
0x496: {  	v22 =	vadd.s32 v14, v16  }
0x497: {  	v17 =	vadd.f32 v20, v17;
	v20 =	vld.idx.msk [tilespmem:v23+s22+$0x0], $0xffff  }
0x498: {  	v16 =	vadd.s32 v15, v16  }
0x499: {  	v17 =	vadd.f32 v18, v17;
	v18 =	vld.idx.msk [tilespmem:v21+s22+$0x0], $0xffff;
	_ =	sdelay $0x1  }
0x49a: {  	v17 =	vadd.f32 v19, v17;
	v19 =	vld.idx.msk [tilespmem:v22+s22+$0x0], $0xffff;
	_ =	sdelay $0x1  }
0x49b: {  	v17 =	vadd.f32 v20, v17;
	v16 =	vld.idx.msk [tilespmem:v16+s22+$0x0], $0xffff;
	_ =	sdelay $0x1  }
0x49c: {  	v17 =	vadd.f32 v18, v17;
	_ =	sdelay $0x1  }
0x49d: {  	v17 =	vadd.f32 v19, v17;
	_ =	sdelay $0x1  }
0x49e: {  	v16 =	vadd.f32 v16, v17;
	_ =	sdelay $0x1  }
0x49f: {  	v16 =	vsub.f32 $0.0e+00, v16;
	_ =	sdelay $0x1  }
0x4a0: {  	v16 =	vmul.f32 $1.442695020e+00, v16;
	_ =	sdelay $0x1  }
0x4a1: {  	(erf) = vpow2.f32 v16;
	_ =	sdelay $0x8  }
0x4a2: {  	v16 =	vpop (erf)  }
.Ltmp5:
0x4a3: {  	v16 =	vadd.f32 $1.000000000e+00, v16;
	(pc) =	sbr.rel @p0 .LBB2_12-.Ltmp5, $4  }
0x4a4: {  	_ = 	snop  }
0x4a5: {  	(erf) = vrcp.f32 v16  }
0x4a6: {  	v16 =	vmov s1  }
0x4a7: {  	s1 =	sadd.s32 $0x10, s1;
	v16 =	vmul.u32 $0x18, v16  }
0x4a8: {  	_ = 	snop  }
0x4a9: {  	v16 =	vbroadcast v16, $0x0;
	_ =	sdelay $0x1  }
0x4aa: {  	v17 =	vadd.s32 v1, v16  }
0x4ab: {  	v18 =	vadd.s32 v0, v16;
	_ =	sdelay $0x1  }
0x4ac: {  	s0 =	sadd.s32 $0x10, s0;
	v19 =	vadd.s32 v2, v16;
	v20 =	vpop (erf)  }
0x4ad: {  	[tilespmem:s0+$0x0] =	vst v20  }
0x4ae: {  	v20 =	vadd.s32 v3, v16;
	v17 =	vld.idx.msk [tilespmem:v17+s22+$0x0], $0xffff  }
0x4af: {  	v18 =	vld.idx.msk [tilespmem:v18+s22+$0x0], $0xffff  }
0x4b0: {  	v21 =	vadd.s32 v4, v16  }
0x4b1: {  	v19 =	vld.idx.msk [tilespmem:v19+s22+$0x0], $0xffff  }
0x4b2: {  	v22 =	vadd.s32 v5, v16  }
0x4b3: {  	v20 =	vld.idx.msk [tilespmem:v20+s22+$0x0], $0xffff  }
0x4b4: {  	v23 =	vadd.s32 v6, v16;
	v17 =	vadd.f32 v17, v18  }
0x4b5: {  	v18 =	vld.idx.msk [tilespmem:v21+s22+$0x0], $0xffff  }
0x4b6: {  	v36 =	vadd.s32 v7, v16;
	v17 =	vadd.f32 v19, v17  }
0x4b7: {  	v19 =	vld.idx.msk [tilespmem:v22+s22+$0x0], $0xffff  }
0x4b8: {  	v37 =	vadd.s32 v8, v16;
	v17 =	vadd.f32 v20, v17  }
0x4b9: {  	v20 =	vld.idx.msk [tilespmem:v23+s22+$0x0], $0xffff  }
0x4ba: {  	v38 =	vadd.s32 v9, v16;
	v17 =	vadd.f32 v18, v17  }
0x4bb: {  	v18 =	vld.idx.msk [tilespmem:v36+s22+$0x0], $0xffff  }
0x4bc: {  	v39 =	vadd.s32 v10, v16;
	v17 =	vadd.f32 v19, v17  }
0x4bd: {  	v19 =	vld.idx.msk [tilespmem:v37+s22+$0x0], $0xffff  }
0x4be: {  	v40 =	vadd.s32 v11, v16;
	v17 =	vadd.f32 v20, v17  }
0x4bf: {  	v20 =	vld.idx.msk [tilespmem:v38+s22+$0x0], $0xffff  }
0x4c0: {  	v41 =	vadd.s32 v12, v16;
	v17 =	vadd.f32 v18, v17  }
0x4c1: {  	v18 =	vld.idx.msk [tilespmem:v39+s22+$0x0], $0xffff  }
0x4c2: {  	v42 =	vadd.s32 v13, v16;
	v17 =	vadd.f32 v19, v17  }
0x4c3: {  	v19 =	vld.idx.msk [tilespmem:v40+s22+$0x0], $0xffff  }
0x4c4: {  	v43 =	vadd.s32 v14, v16;
	v17 =	vadd.f32 v20, v17  }
0x4c5: {  	v20 =	vld.idx.msk [tilespmem:v41+s22+$0x0], $0xffff  }
0x4c6: {  	v16 =	vadd.s32 v15, v16;
	v17 =	vadd.f32 v18, v17  }
0x4c7: {  	v18 =	vld.idx.msk [tilespmem:v42+s22+$0x0], $0xffff  }
0x4c8: {  	v17 =	vadd.f32 v19, v17  }
0x4c9: {  	v19 =	vld.idx.msk [tilespmem:v43+s22+$0x0], $0xffff  }
0x4ca: {  	v17 =	vadd.f32 v20, v17  }
0x4cb: {  	v16 =	vld.idx.msk [tilespmem:v16+s22+$0x0], $0xffff  }
0x4cc: {  	v17 =	vadd.f32 v18, v17;
	_ =	sdelay $0x1  }
0x4cd: {  	v17 =	vadd.f32 v19, v17;
	_ =	sdelay $0x1  }
0x4ce: {  	v16 =	vadd.f32 v16, v17;
	_ =	sdelay $0x1  }
0x4cf: {  	v16 =	vsub.f32 $0.0e+00, v16;
	_ =	sdelay $0x1  }
0x4d0: {  	v16 =	vmul.f32 $1.442695020e+00, v16;
	_ =	sdelay $0x1  }
0x4d1: {  	(erf) = vpow2.f32 v16;
	_ =	sdelay $0x8  }
0x4d2: {  	v16 =	vpop (erf)  }
0x4d3: {  	v16 =	vadd.f32 $1.000000000e+00, v16;
	_ =	sdelay $0x1  }
0x4d4: {  	(erf) = vrcp.f32 v16;
	_ =	sdelay $0x8  }
0x4d5: {  	s0 =	sadd.s32 $0x10, s0;
	v16 =	vpop (erf)  }
0x4d6: {  	[tilespmem:s0+$0x0] =	vst v16  }
0x4d7: {  	_ =	swait.ge [sflag:s20], $0x2000  }
0x4d8: {  	[sflag:s20] =	ssyncset.done $0x0  }
0x4d9: {  	[sflag:s20] =	ssyncadd.s32 $0xFFFFE000  }
0x4da: {  	_ =	swait.ge [sflag:s21], $0x2000  }
0x4db: {  	[sflag:s21] =	ssyncset.done $0x0  }
0x4dc: {  	s13 =	simm.s32 $0x500;
	[sflag:s21] =	ssyncadd.s32 $0xFFFFE000  }
0x4dd: {  	s1 =	simm.s32 $0x2500;
	v16 =	vld [tilespmem:s13+$0xFFFFFF00]  }
0x4de: {  	v17 =	vld [tilespmem:s1+$0xFFFFFF10]  }
0x4df: {  	v18 =	vld [tilespmem:s13+$0xFFFFFF10]  }
0x4e0: {  	v19 =	vld [tilespmem:s1+$0xFFFFFF00]  }
0x4e1: {  	v20 =	vld [tilespmem:s1+$0xFFFFFF20]  }
0x4e2: {  	v44 =	vld [tilespmem:s13+$0xFFFFFF20]  }
0x4e3: {  	v45 =	vld [tilespmem:s1+$0xFFFFFF30]  }
0x4e4: {  	v46 =	vld [tilespmem:s13+$0xFFFFFF30]  }
0x4e5: {  	v17 =	vmul.f32 v17, v18;
	v16 =	vmul.f32 v19, v16;
	_ =	sdelay $0x1  }
0x4e6: {  	v16 =	vadd.f32 v17, v16;
	v17 =	vmul.f32 v20, v44;
	_ =	sdelay $0x1  }
0x4e7: {  	v16 =	vadd.f32 v17, v16;
	v17 =	vmul.f32 v45, v46;
	_ =	sdelay $0x1  }
0x4e8: {  	v16 =	vadd.f32 v17, v16  }
0x4e9: {  	s14 =	simm.s32 $0xC460  }
0x4ea: {  	[tilespmem:s14+$0xFFFFFFA0] =	vst v16  }
0x4eb: {  	v16 =	vld [tilespmem:s1+$0xFFFFFF50]  }
0x4ec: {  	v17 =	vld [tilespmem:s13+$0xFFFFFF40]  }
0x4ed: {  	v18 =	vld [tilespmem:s13+$0xFFFFFF50]  }
0x4ee: {  	v19 =	vld [tilespmem:s1+$0xFFFFFF40]  }
0x4ef: {  	v20 =	vld [tilespmem:s1+$0xFFFFFF60]  }
0x4f0: {  	v47 =	vld [tilespmem:s13+$0xFFFFFF60]  }
0x4f1: {  	v48 =	vld [tilespmem:s1+$0xFFFFFF70]  }
0x4f2: {  	v49 =	vld [tilespmem:s13+$0xFFFFFF70]  }
0x4f3: {  	v16 =	vmul.f32 v16, v18;
	v17 =	vmul.f32 v19, v17;
	_ =	sdelay $0x1  }
0x4f4: {  	v16 =	vadd.f32 v16, v17;
	v17 =	vmul.f32 v20, v47;
	_ =	sdelay $0x1  }
0x4f5: {  	v16 =	vadd.f32 v17, v16;
	v17 =	vmul.f32 v48, v49;
	_ =	sdelay $0x1  }
0x4f6: {  	v16 =	vadd.f32 v17, v16;
	_ =	sdelay $0x1  }
0x4f7: {  	[tilespmem:s14+$0xFFFFFFB8] =	vst v16  }
0x4f8: {  	v16 =	vld [tilespmem:s13+$0xFFFFFF80]  }
0x4f9: {  	v17 =	vld [tilespmem:s1+$0xFFFFFF80]  }
0x4fa: {  	v18 =	vld [tilespmem:s1+$0xFFFFFF90]  }
0x4fb: {  	v19 =	vld [tilespmem:s13+$0xFFFFFF90]  }
0x4fc: {  	v20 =	vld [tilespmem:s1+$0xFFFFFFA0]  }
0x4fd: {  	v50 =	vld [tilespmem:s13+$0xFFFFFFA0]  }
0x4fe: {  	v51 =	vld [tilespmem:s1+$0xFFFFFFB0]  }
0x4ff: {  	v52 =	vld [tilespmem:s13+$0xFFFFFFB0]  }
0x500: {  	v16 =	vmul.f32 v17, v16;
	v17 =	vmul.f32 v18, v19;
	_ =	sdelay $0x1  }
0x501: {  	v16 =	vadd.f32 v17, v16;
	v17 =	vmul.f32 v20, v50;
	_ =	sdelay $0x1  }
0x502: {  	v16 =	vadd.f32 v17, v16;
	v17 =	vmul.f32 v51, v52;
	_ =	sdelay $0x1  }
0x503: {  	v16 =	vadd.f32 v17, v16;
	_ =	sdelay $0x1  }
0x504: {  	[tilespmem:s14+$0xFFFFFFD0] =	vst v16  }
0x505: {  	v16 =	vld [tilespmem:s1+$0xFFFFFFC0]  }
0x506: {  	v17 =	vld [tilespmem:s13+$0xFFFFFFC0]  }
0x507: {  	v18 =	vld [tilespmem:s13+$0xFFFFFFD0]  }
0x508: {  	v19 =	vld [tilespmem:s1+$0xFFFFFFD0]  }
0x509: {  	v20 =	vld [tilespmem:s13+$0xFFFFFFE0]  }
0x50a: {  	v53 =	vld [tilespmem:s1+$0xFFFFFFE0]  }
0x50b: {  	v54 =	vld [tilespmem:s1+$0xFFFFFFF0]  }
0x50c: {  	v55 =	vld [tilespmem:s13+$0xFFFFFFF0]  }
0x50d: {  	v16 =	vmul.f32 v16, v17;
	v17 =	vmul.f32 v19, v18;
	_ =	sdelay $0x1  }
0x50e: {  	v16 =	vadd.f32 v17, v16;
	v17 =	vmul.f32 v53, v20;
	_ =	sdelay $0x1  }
0x50f: {  	v16 =	vadd.f32 v17, v16;
	v17 =	vmul.f32 v54, v55;
	_ =	sdelay $0x1  }
0x510: {  	v16 =	vadd.f32 v17, v16;
	_ =	sdelay $0x1  }
0x511: {  	[tilespmem:s14+$0xFFFFFFE8] =	vst v16  }
0x512: {  	v16 =	vld [tilespmem:s1+$0x10]  }
0x513: {  	v17 =	vld [tilespmem:s13+$0x0]  }
0x514: {  	v18 =	vld [tilespmem:s1+$0x0]  }
0x515: {  	v19 =	vld [tilespmem:s13+$0x10]  }
0x516: {  	v20 =	vld [tilespmem:s1+$0x20]  }
0x517: {  	v56 =	vld [tilespmem:s13+$0x20]  }
0x518: {  	v57 =	vld [tilespmem:s1+$0x30]  }
0x519: {  	v58 =	vld [tilespmem:s13+$0x30]  }
0x51a: {  	v17 =	vmul.f32 v18, v17;
	v16 =	vmul.f32 v16, v19;
	_ =	sdelay $0x1  }
0x51b: {  	v16 =	vadd.f32 v16, v17;
	v17 =	vmul.f32 v20, v56;
	_ =	sdelay $0x1  }
0x51c: {  	v16 =	vadd.f32 v17, v16;
	v17 =	vmul.f32 v57, v58;
	_ =	sdelay $0x1  }
0x51d: {  	v16 =	vadd.f32 v17, v16;
	_ =	sdelay $0x1  }
0x51e: {  	[tilespmem:s14+$0x0] =	vst v16  }
0x51f: {  	v16 =	vld [tilespmem:s1+$0x50]  }
0x520: {  	v17 =	vld [tilespmem:s13+$0x40]  }
0x521: {  	v18 =	vld [tilespmem:s1+$0x40]  }
0x522: {  	v19 =	vld [tilespmem:s13+$0x50]  }
0x523: {  	v20 =	vld [tilespmem:s13+$0x60]  }
0x524: {  	v59 =	vld [tilespmem:s1+$0x60]  }
0x525: {  	v60 =	vld [tilespmem:s13+$0x70]  }
0x526: {  	v61 =	vld [tilespmem:s1+$0x70]  }
0x527: {  	v17 =	vmul.f32 v18, v17;
	v16 =	vmul.f32 v16, v19;
	_ =	sdelay $0x1  }
0x528: {  	v16 =	vadd.f32 v16, v17;
	v17 =	vmul.f32 v59, v20;
	_ =	sdelay $0x1  }
0x529: {  	v16 =	vadd.f32 v17, v16;
	v17 =	vmul.f32 v61, v60;
	_ =	sdelay $0x1  }
0x52a: {  	v16 =	vadd.f32 v17, v16;
	_ =	sdelay $0x1  }
0x52b: {  	[tilespmem:s14+$0x18] =	vst v16  }
0x52c: {  	v16 =	vld [tilespmem:s1+$0x80]  }
0x52d: {  	v17 =	vld [tilespmem:s13+$0x80]  }
0x52e: {  	v18 =	vld [tilespmem:s1+$0x90]  }
0x52f: {  	v19 =	vld [tilespmem:s13+$0x90]  }
0x530: {  	v20 =	vld [tilespmem:s13+$0xA0]  }
0x531: {  	v62 =	vld [tilespmem:s1+$0xA0]  }
0x532: {  	v63 =	vmul.f32 v16, v17;
	v16 =	vld [tilespmem:s13+$0xB0]  }
0x533: {  	v17 =	vld [tilespmem:s1+$0xB0]  }
0x534: {  	v18 =	vmul.f32 v18, v19  }
0x535: {  	s17 =	simm.s32 $0x0;
	s18 =	simm.s32 $0x2700  }
0x536: {  	s15 =	simm.s32 $0xC460;
	s16 =	simm.s32 $0x500;
	s0 =	simm.s32 $0xD180;
	v19 =	vmul.f32 v62, v20;
	v18 =	vadd.f32 v18, v63  }
.LBB2_14:
0x537: {  	s17 =	sadd.s32 $0x8, s17;
	s14 =	sadd.s32 $0xC0, s14;
	s13 =	sadd.s32 $0x200, s13  }
0x538: {  	v18 =	vadd.f32 v19, v18;
	v16 =	vmul.f32 v17, v16;
	p0 =	slt.u32 s17, $0x78;
	_ =	sdelay $0x1  }
0x539: {  	v16 =	vadd.f32 v16, v18;
	_ =	sdelay $0x1  }
0x53a: {  	[tilespmem:s15+$0x30] =	vst v16  }
0x53b: {  	v16 =	vld [tilespmem:s16+$0xE0]  }
0x53c: {  	v17 =	vld [tilespmem:s1+$0xE0]  }
0x53d: {  	v18 =	vld [tilespmem:s16+$0xC0]  }
0x53e: {  	v19 =	vld [tilespmem:s1+$0xD0]  }
0x53f: {  	v20 =	vld [tilespmem:s16+$0xD0]  }
0x540: {  	v21 =	vld [tilespmem:s1+$0xC0]  }
0x541: {  	v22 =	vld [tilespmem:s16+$0xF0];
	s16 =	smov.u32 s13  }
0x542: {  	v23 =	vld [tilespmem:s1+$0xF0];
	s1 =	smov.u32 s18;
	_ =	sdelay $0x1  }
0x543: {  	v16 =	vmul.f32 v17, v16;
	v19 =	vmul.f32 v19, v20  }
0x544: {  	v17 =	vmul.f32 v21, v18;
	_ =	sdelay $0x1  }
0x545: {  	v17 =	vadd.f32 v19, v17;
	v18 =	vmul.f32 v23, v22;
	_ =	sdelay $0x1  }
0x546: {  	v16 =	vadd.f32 v16, v17;
	_ =	sdelay $0x1  }
0x547: {  	v16 =	vadd.f32 v18, v16;
	_ =	sdelay $0x1  }
0x548: {  	[tilespmem:s15+$0x48] =	vst v16;
	s15 =	smov.u32 s14  }
0x549: {  	v16 =	vld [tilespmem:s13+$0xFFFFFF00]  }
0x54a: {  	v17 =	vld [tilespmem:s18+$0xFFFFFF10]  }
0x54b: {  	v18 =	vld [tilespmem:s13+$0xFFFFFF10]  }
0x54c: {  	v19 =	vld [tilespmem:s18+$0xFFFFFF00]  }
0x54d: {  	v20 =	vld [tilespmem:s18+$0xFFFFFF20]  }
0x54e: {  	v21 =	vld [tilespmem:s13+$0xFFFFFF20]  }
0x54f: {  	v22 =	vld [tilespmem:s18+$0xFFFFFF30]  }
0x550: {  	v17 =	vmul.f32 v17, v18;
	v18 =	vld [tilespmem:s13+$0xFFFFFF30]  }
0x551: {  	v16 =	vmul.f32 v19, v16;
	_ =	sdelay $0x1  }
0x552: {  	v16 =	vadd.f32 v17, v16;
	v17 =	vmul.f32 v20, v21;
	_ =	sdelay $0x1  }
0x553: {  	v16 =	vadd.f32 v17, v16;
	v17 =	vmul.f32 v22, v18;
	_ =	sdelay $0x1  }
0x554: {  	v16 =	vadd.f32 v17, v16;
	_ =	sdelay $0x1  }
0x555: {  	[tilespmem:s14+$0xFFFFFFA0] =	vst v16  }
0x556: {  	v16 =	vld [tilespmem:s18+$0xFFFFFF50]  }
0x557: {  	v17 =	vld [tilespmem:s13+$0xFFFFFF40]  }
0x558: {  	v18 =	vld [tilespmem:s13+$0xFFFFFF50]  }
0x559: {  	v19 =	vld [tilespmem:s18+$0xFFFFFF40]  }
0x55a: {  	v20 =	vld [tilespmem:s18+$0xFFFFFF60]  }
0x55b: {  	v21 =	vld [tilespmem:s13+$0xFFFFFF60]  }
0x55c: {  	v22 =	vld [tilespmem:s18+$0xFFFFFF70]  }
0x55d: {  	v16 =	vmul.f32 v16, v18;
	v18 =	vld [tilespmem:s13+$0xFFFFFF70]  }
0x55e: {  	v17 =	vmul.f32 v19, v17;
	_ =	sdelay $0x1  }
0x55f: {  	v16 =	vadd.f32 v16, v17;
	v17 =	vmul.f32 v20, v21;
	_ =	sdelay $0x1  }
0x560: {  	v16 =	vadd.f32 v17, v16;
	v17 =	vmul.f32 v22, v18;
	_ =	sdelay $0x1  }
0x561: {  	v16 =	vadd.f32 v17, v16;
	_ =	sdelay $0x1  }
0x562: {  	[tilespmem:s14+$0xFFFFFFB8] =	vst v16  }
0x563: {  	v16 =	vld [tilespmem:s13+$0xFFFFFF80]  }
0x564: {  	v17 =	vld [tilespmem:s18+$0xFFFFFF80]  }
0x565: {  	v18 =	vld [tilespmem:s18+$0xFFFFFF90]  }
0x566: {  	v19 =	vld [tilespmem:s13+$0xFFFFFF90]  }
0x567: {  	v20 =	vld [tilespmem:s18+$0xFFFFFFA0]  }
0x568: {  	v21 =	vld [tilespmem:s13+$0xFFFFFFA0]  }
0x569: {  	v16 =	vmul.f32 v17, v16;
	v17 =	vld [tilespmem:s18+$0xFFFFFFB0]  }
0x56a: {  	v22 =	vld [tilespmem:s13+$0xFFFFFFB0]  }
0x56b: {  	v18 =	vmul.f32 v18, v19;
	_ =	sdelay $0x1  }
0x56c: {  	v16 =	vadd.f32 v18, v16;
	v18 =	vmul.f32 v20, v21;
	_ =	sdelay $0x1  }
0x56d: {  	v16 =	vadd.f32 v18, v16;
	v17 =	vmul.f32 v17, v22;
	_ =	sdelay $0x1  }
0x56e: {  	v16 =	vadd.f32 v17, v16;
	_ =	sdelay $0x1  }
0x56f: {  	[tilespmem:s14+$0xFFFFFFD0] =	vst v16  }
0x570: {  	v16 =	vld [tilespmem:s18+$0xFFFFFFC0]  }
0x571: {  	v17 =	vld [tilespmem:s13+$0xFFFFFFC0]  }
0x572: {  	v18 =	vld [tilespmem:s13+$0xFFFFFFD0]  }
0x573: {  	v19 =	vld [tilespmem:s18+$0xFFFFFFD0]  }
0x574: {  	v20 =	vld [tilespmem:s13+$0xFFFFFFE0]  }
0x575: {  	v21 =	vld [tilespmem:s18+$0xFFFFFFE0]  }
0x576: {  	v16 =	vmul.f32 v16, v17;
	v17 =	vld [tilespmem:s18+$0xFFFFFFF0]  }
0x577: {  	v22 =	vld [tilespmem:s13+$0xFFFFFFF0]  }
0x578: {  	v18 =	vmul.f32 v19, v18;
	_ =	sdelay $0x1  }
0x579: {  	v16 =	vadd.f32 v18, v16;
	v18 =	vmul.f32 v21, v20;
	_ =	sdelay $0x1  }
0x57a: {  	v16 =	vadd.f32 v18, v16;
	v17 =	vmul.f32 v17, v22;
	_ =	sdelay $0x1  }
0x57b: {  	v16 =	vadd.f32 v17, v16;
	_ =	sdelay $0x1  }
0x57c: {  	[tilespmem:s14+$0xFFFFFFE8] =	vst v16  }
0x57d: {  	v16 =	vld [tilespmem:s18+$0x10]  }
0x57e: {  	v17 =	vld [tilespmem:s13+$0x0]  }
0x57f: {  	v18 =	vld [tilespmem:s18+$0x0]  }
0x580: {  	v19 =	vld [tilespmem:s13+$0x10]  }
0x581: {  	v20 =	vld [tilespmem:s18+$0x20]  }
0x582: {  	v21 =	vld [tilespmem:s13+$0x20]  }
0x583: {  	v22 =	vld [tilespmem:s18+$0x30]  }
0x584: {  	v17 =	vmul.f32 v18, v17;
	v18 =	vld [tilespmem:s13+$0x30]  }
0x585: {  	v16 =	vmul.f32 v16, v19;
	_ =	sdelay $0x1  }
0x586: {  	v16 =	vadd.f32 v16, v17;
	v17 =	vmul.f32 v20, v21;
	_ =	sdelay $0x1  }
0x587: {  	v16 =	vadd.f32 v17, v16;
	v17 =	vmul.f32 v22, v18;
	_ =	sdelay $0x1  }
0x588: {  	v16 =	vadd.f32 v17, v16;
	_ =	sdelay $0x1  }
0x589: {  	[tilespmem:s14+$0x0] =	vst v16  }
0x58a: {  	v16 =	vld [tilespmem:s18+$0x50]  }
0x58b: {  	v17 =	vld [tilespmem:s13+$0x40]  }
0x58c: {  	v18 =	vld [tilespmem:s18+$0x40]  }
0x58d: {  	v19 =	vld [tilespmem:s13+$0x50]  }
0x58e: {  	v20 =	vld [tilespmem:s13+$0x60]  }
0x58f: {  	v21 =	vld [tilespmem:s18+$0x60]  }
0x590: {  	v22 =	vld [tilespmem:s13+$0x70]  }
0x591: {  	v17 =	vmul.f32 v18, v17;
	v18 =	vld [tilespmem:s18+$0x70]  }
0x592: {  	v16 =	vmul.f32 v16, v19;
	_ =	sdelay $0x1  }
0x593: {  	v16 =	vadd.f32 v16, v17;
	v17 =	vmul.f32 v21, v20;
	_ =	sdelay $0x1  }
0x594: {  	v16 =	vadd.f32 v17, v16;
	v17 =	vmul.f32 v18, v22;
	_ =	sdelay $0x1  }
0x595: {  	v16 =	vadd.f32 v17, v16;
	_ =	sdelay $0x1  }
0x596: {  	[tilespmem:s14+$0x18] =	vst v16  }
0x597: {  	v16 =	vld [tilespmem:s18+$0x80]  }
0x598: {  	v17 =	vld [tilespmem:s13+$0x80]  }
0x599: {  	v18 =	vld [tilespmem:s18+$0x90]  }
0x59a: {  	v19 =	vld [tilespmem:s13+$0x90]  }
0x59b: {  	v20 =	vld [tilespmem:s13+$0xA0]  }
0x59c: {  	v21 =	vld [tilespmem:s18+$0xA0]  }
0x59d: {  	v22 =	vmul.f32 v16, v17;
	v16 =	vld [tilespmem:s13+$0xB0]  }
.Ltmp6:
0x59e: {  	v17 =	vld [tilespmem:s18+$0xB0];
	(pc) =	sbr.rel @p0 .LBB2_14-.Ltmp6, $3  }
0x59f: {  	v18 =	vmul.f32 v18, v19;
	_ =	sdelay $0x1  }
0x5a0: {  	v18 =	vadd.f32 v18, v22;
	v19 =	vmul.f32 v21, v20  }
0x5a1: {  	s19 =	simm.s32 $0x0;
	s18 =	sadd.s32 $0x200, s18  }
0x5a2: {  	v18 =	vadd.f32 v19, v18;
	v16 =	vmul.f32 v17, v16;
	_ =	sdelay $0x1  }
0x5a3: {  	v16 =	vadd.f32 v16, v18;
	_ =	sdelay $0x1  }
0x5a4: {  	[tilespmem:s15+$0x30] =	vst v16  }
0x5a5: {  	v16 =	vld [tilespmem:s16+$0xC0]  }
0x5a6: {  	v17 =	vld [tilespmem:s1+$0xD0]  }
0x5a7: {  	v18 =	vld [tilespmem:s16+$0xD0]  }
0x5a8: {  	v19 =	vld [tilespmem:s1+$0xC0]  }
0x5a9: {  	v20 =	vld [tilespmem:s16+$0xE0]  }
0x5aa: {  	v21 =	vld [tilespmem:s1+$0xE0]  }
0x5ab: {  	v22 =	vld [tilespmem:s16+$0xF0]  }
0x5ac: {  	v24 =	vmov s19;
	v23 =	vld [tilespmem:s1+$0xF0]  }
0x5ad: {  	v17 =	vmul.f32 v17, v18;
	v16 =	vmul.f32 v19, v16;
	v18 =	vmul.u32 $0x18, v24;
	_ =	sdelay $0x1  }
0x5ae: {  	v19 =	vmul.f32 v21, v20;
	v16 =	vadd.f32 v17, v16;
	v17 =	vbroadcast v18, $0x0;
	_ =	sdelay $0x1  }
0x5af: {  	v18 =	vmul.f32 v23, v22;
	v16 =	vadd.f32 v19, v16;
	v19 =	vadd.s32 v1, v17  }
0x5b0: {  	v32 =	vadd.s32 v0, v17  }
0x5b1: {  	v16 =	vadd.f32 v18, v16  }
0x5b2: {  	v18 =	vadd.s32 v2, v17  }
0x5b3: {  	[tilespmem:s15+$0x48] =	vst v16  }
0x5b4: {  	v16 =	vld.idx.msk [tilespmem:v19+s22+$0x0], $0xffff;
	v19 =	vadd.s32 v3, v17  }
0x5b5: {  	v20 =	vld.idx.msk [tilespmem:v32+s22+$0x0], $0xffff  }
0x5b6: {  	v33 =	vadd.s32 v4, v17  }
0x5b7: {  	v18 =	vld.idx.msk [tilespmem:v18+s22+$0x0], $0xffff  }
0x5b8: {  	v34 =	vadd.s32 v5, v17  }
0x5b9: {  	v19 =	vld.idx.msk [tilespmem:v19+s22+$0x0], $0xffff  }
0x5ba: {  	v35 =	vadd.s32 v6, v17;
	v16 =	vadd.f32 v16, v20  }
0x5bb: {  	v36 =	vld.idx.msk [tilespmem:v33+s22+$0x0], $0xffff  }
0x5bc: {  	v37 =	vadd.s32 v7, v17;
	v16 =	vadd.f32 v18, v16  }
0x5bd: {  	v18 =	vld.idx.msk [tilespmem:v34+s22+$0x0], $0xffff  }
0x5be: {  	v38 =	vadd.s32 v8, v17;
	v16 =	vadd.f32 v19, v16  }
0x5bf: {  	v19 =	vld.idx.msk [tilespmem:v35+s22+$0x0], $0xffff  }
0x5c0: {  	v39 =	vadd.s32 v9, v17;
	v16 =	vadd.f32 v36, v16  }
0x5c1: {  	v40 =	vld.idx.msk [tilespmem:v37+s22+$0x0], $0xffff  }
0x5c2: {  	v41 =	vadd.s32 v10, v17;
	v16 =	vadd.f32 v18, v16  }
0x5c3: {  	v18 =	vld.idx.msk [tilespmem:v38+s22+$0x0], $0xffff  }
0x5c4: {  	v42 =	vadd.s32 v11, v17;
	v16 =	vadd.f32 v19, v16  }
0x5c5: {  	v19 =	vld.idx.msk [tilespmem:v39+s22+$0x0], $0xffff  }
0x5c6: {  	v43 =	vadd.s32 v12, v17;
	v16 =	vadd.f32 v40, v16  }
0x5c7: {  	v44 =	vld.idx.msk [tilespmem:v41+s22+$0x0], $0xffff  }
0x5c8: {  	v45 =	vadd.s32 v13, v17;
	v16 =	vadd.f32 v18, v16  }
0x5c9: {  	v18 =	vld.idx.msk [tilespmem:v42+s22+$0x0], $0xffff  }
0x5ca: {  	v46 =	vadd.s32 v14, v17;
	v16 =	vadd.f32 v19, v16  }
0x5cb: {  	v19 =	vld.idx.msk [tilespmem:v43+s22+$0x0], $0xffff  }
0x5cc: {  	v17 =	vadd.s32 v15, v17;
	v16 =	vadd.f32 v44, v16  }
0x5cd: {  	v47 =	vld.idx.msk [tilespmem:v45+s22+$0x0], $0xffff  }
0x5ce: {  	v16 =	vadd.f32 v18, v16  }
0x5cf: {  	v18 =	vld.idx.msk [tilespmem:v46+s22+$0x0], $0xffff  }
0x5d0: {  	v16 =	vadd.f32 v19, v16  }
0x5d1: {  	v17 =	vld.idx.msk [tilespmem:v17+s22+$0x0], $0xffff  }
0x5d2: {  	v16 =	vadd.f32 v47, v16;
	_ =	sdelay $0x1  }
0x5d3: {  	v16 =	vadd.f32 v18, v16;
	_ =	sdelay $0x1  }
0x5d4: {  	v16 =	vadd.f32 v17, v16;
	_ =	sdelay $0x1  }
0x5d5: {  	v16 =	vsub.f32 $0.0e+00, v16;
	_ =	sdelay $0x1  }
0x5d6: {  	v16 =	vmul.f32 $1.442695020e+00, v16;
	_ =	sdelay $0x1  }
0x5d7: {  	(erf) = vpow2.f32 v16;
	_ =	sdelay $0x8  }
0x5d8: {  	v16 =	vpop (erf)  }
0x5d9: {  	v16 =	vadd.f32 $1.000000000e+00, v16;
	_ =	sdelay $0x1  }
0x5da: {  	s18 =	simm.s32 $0x10;
	(erf) = vrcp.f32 v16  }
0x5db: {  	v16 =	vmov s18  }
0x5dc: {  	v16 =	vmul.u32 $0x18, v16;
	_ =	sdelay $0x1  }
0x5dd: {  	v16 =	vbroadcast v16, $0x0;
	_ =	sdelay $0x1  }
0x5de: {  	v17 =	vadd.s32 v1, v16  }
0x5df: {  	v18 =	vadd.s32 v0, v16;
	_ =	sdelay $0x1  }
0x5e0: {  	v19 =	vadd.s32 v2, v16;
	v48 =	vpop (erf)  }
0x5e1: {  	[tilespmem:s0+$0x0] =	vst v48  }
0x5e2: {  	v49 =	vadd.s32 v3, v16;
	v17 =	vld.idx.msk [tilespmem:v17+s22+$0x0], $0xffff  }
0x5e3: {  	v18 =	vld.idx.msk [tilespmem:v18+s22+$0x0], $0xffff  }
0x5e4: {  	v50 =	vadd.s32 v4, v16  }
0x5e5: {  	v19 =	vld.idx.msk [tilespmem:v19+s22+$0x0], $0xffff  }
0x5e6: {  	v51 =	vadd.s32 v5, v16  }
0x5e7: {  	v20 =	vld.idx.msk [tilespmem:v49+s22+$0x0], $0xffff  }
0x5e8: {  	v52 =	vadd.s32 v6, v16;
	v17 =	vadd.f32 v17, v18  }
0x5e9: {  	v18 =	vld.idx.msk [tilespmem:v50+s22+$0x0], $0xffff  }
0x5ea: {  	v53 =	vadd.s32 v7, v16;
	v17 =	vadd.f32 v19, v17  }
0x5eb: {  	v19 =	vld.idx.msk [tilespmem:v51+s22+$0x0], $0xffff  }
0x5ec: {  	v54 =	vadd.s32 v8, v16;
	v17 =	vadd.f32 v20, v17  }
0x5ed: {  	v55 =	vld.idx.msk [tilespmem:v52+s22+$0x0], $0xffff  }
0x5ee: {  	v56 =	vadd.s32 v9, v16;
	v17 =	vadd.f32 v18, v17  }
0x5ef: {  	v18 =	vld.idx.msk [tilespmem:v53+s22+$0x0], $0xffff  }
0x5f0: {  	v57 =	vadd.s32 v10, v16;
	v17 =	vadd.f32 v19, v17  }
0x5f1: {  	v19 =	vld.idx.msk [tilespmem:v54+s22+$0x0], $0xffff  }
0x5f2: {  	v58 =	vadd.s32 v11, v16;
	v17 =	vadd.f32 v55, v17  }
0x5f3: {  	v59 =	vld.idx.msk [tilespmem:v56+s22+$0x0], $0xffff  }
0x5f4: {  	v60 =	vadd.s32 v12, v16;
	v17 =	vadd.f32 v18, v17  }
0x5f5: {  	v18 =	vld.idx.msk [tilespmem:v57+s22+$0x0], $0xffff  }
0x5f6: {  	v61 =	vadd.s32 v13, v16;
	v17 =	vadd.f32 v19, v17  }
0x5f7: {  	v19 =	vld.idx.msk [tilespmem:v58+s22+$0x0], $0xffff  }
0x5f8: {  	v62 =	vadd.s32 v14, v16;
	v17 =	vadd.f32 v59, v17  }
0x5f9: {  	v63 =	vld.idx.msk [tilespmem:v60+s22+$0x0], $0xffff  }
0x5fa: {  	v16 =	vadd.s32 v15, v16;
	v17 =	vadd.f32 v18, v17  }
0x5fb: {  	v18 =	vld.idx.msk [tilespmem:v61+s22+$0x0], $0xffff  }
0x5fc: {  	v17 =	vadd.f32 v19, v17  }
0x5fd: {  	v19 =	vld.idx.msk [tilespmem:v62+s22+$0x0], $0xffff  }
0x5fe: {  	v17 =	vadd.f32 v63, v17  }
0x5ff: {  	v16 =	vld.idx.msk [tilespmem:v16+s22+$0x0], $0xffff  }
0x600: {  	v17 =	vadd.f32 v18, v17;
	_ =	sdelay $0x1  }
0x601: {  	v17 =	vadd.f32 v19, v17;
	_ =	sdelay $0x1  }
0x602: {  	v16 =	vadd.f32 v16, v17;
	_ =	sdelay $0x1  }
0x603: {  	v16 =	vsub.f32 $0.0e+00, v16;
	_ =	sdelay $0x1  }
0x604: {  	v16 =	vmul.f32 $1.442695020e+00, v16;
	_ =	sdelay $0x1  }
0x605: {  	(erf) = vpow2.f32 v16;
	_ =	sdelay $0x8  }
0x606: {  	v16 =	vpop (erf)  }
0x607: {  	v16 =	vadd.f32 $1.000000000e+00, v16;
	_ =	sdelay $0x1  }
0x608: {  	s19 =	simm.s32 $0x20;
	(erf) = vrcp.f32 v16  }
0x609: {  	v17 =	vmov s19  }
0x60a: {  	s1 =	simm.s32 $0x30;
	v16 =	vmul.u32 $0x18, v17  }
.LBB2_16:
0x60b: {  	p0 =	sne.s32 s1, $0x70  }
0x60c: {  	v16 =	vbroadcast v16, $0x0;
	_ =	sdelay $0x1  }
0x60d: {  	v17 =	vadd.s32 v1, v16  }
0x60e: {  	v18 =	vadd.s32 v0, v16;
	_ =	sdelay $0x1  }
0x60f: {  	s0 =	sadd.s32 $0x10, s0;
	v19 =	vadd.s32 v2, v16;
	v20 =	vpop (erf)  }
0x610: {  	[tilespmem:s0+$0x0] =	vst v20  }
0x611: {  	v20 =	vadd.s32 v3, v16;
	v17 =	vld.idx.msk [tilespmem:v17+s22+$0x0], $0xffff  }
0x612: {  	v18 =	vld.idx.msk [tilespmem:v18+s22+$0x0], $0xffff  }
0x613: {  	v21 =	vadd.s32 v4, v16  }
0x614: {  	v19 =	vld.idx.msk [tilespmem:v19+s22+$0x0], $0xffff  }
0x615: {  	v22 =	vadd.s32 v5, v16  }
0x616: {  	v20 =	vld.idx.msk [tilespmem:v20+s22+$0x0], $0xffff  }
0x617: {  	v23 =	vadd.s32 v6, v16  }
0x618: {  	v17 =	vadd.f32 v17, v18;
	v18 =	vld.idx.msk [tilespmem:v21+s22+$0x0], $0xffff  }
0x619: {  	v21 =	vadd.s32 v7, v16  }
0x61a: {  	v17 =	vadd.f32 v19, v17;
	v19 =	vld.idx.msk [tilespmem:v22+s22+$0x0], $0xffff  }
0x61b: {  	v22 =	vadd.s32 v8, v16  }
0x61c: {  	v17 =	vadd.f32 v20, v17;
	v20 =	vld.idx.msk [tilespmem:v23+s22+$0x0], $0xffff  }
0x61d: {  	v23 =	vadd.s32 v9, v16  }
0x61e: {  	v17 =	vadd.f32 v18, v17;
	v18 =	vld.idx.msk [tilespmem:v21+s22+$0x0], $0xffff  }
0x61f: {  	v21 =	vadd.s32 v10, v16  }
0x620: {  	v17 =	vadd.f32 v19, v17;
	v19 =	vld.idx.msk [tilespmem:v22+s22+$0x0], $0xffff  }
0x621: {  	v22 =	vadd.s32 v11, v16  }
0x622: {  	v17 =	vadd.f32 v20, v17;
	v20 =	vld.idx.msk [tilespmem:v23+s22+$0x0], $0xffff  }
0x623: {  	v23 =	vadd.s32 v12, v16  }
0x624: {  	v17 =	vadd.f32 v18, v17;
	v18 =	vld.idx.msk [tilespmem:v21+s22+$0x0], $0xffff  }
0x625: {  	v21 =	vadd.s32 v13, v16  }
0x626: {  	v17 =	vadd.f32 v19, v17;
	v19 =	vld.idx.msk [tilespmem:v22+s22+$0x0], $0xffff  }
0x627: {  	v22 =	vadd.s32 v14, v16  }
0x628: {  	v17 =	vadd.f32 v20, v17;
	v20 =	vld.idx.msk [tilespmem:v23+s22+$0x0], $0xffff  }
0x629: {  	v16 =	vadd.s32 v15, v16  }
0x62a: {  	v17 =	vadd.f32 v18, v17;
	v18 =	vld.idx.msk [tilespmem:v21+s22+$0x0], $0xffff;
	_ =	sdelay $0x1  }
0x62b: {  	v17 =	vadd.f32 v19, v17;
	v19 =	vld.idx.msk [tilespmem:v22+s22+$0x0], $0xffff;
	_ =	sdelay $0x1  }
0x62c: {  	v17 =	vadd.f32 v20, v17;
	v16 =	vld.idx.msk [tilespmem:v16+s22+$0x0], $0xffff;
	_ =	sdelay $0x1  }
0x62d: {  	v17 =	vadd.f32 v18, v17;
	_ =	sdelay $0x1  }
0x62e: {  	v17 =	vadd.f32 v19, v17;
	_ =	sdelay $0x1  }
0x62f: {  	v16 =	vadd.f32 v16, v17;
	_ =	sdelay $0x1  }
0x630: {  	v16 =	vsub.f32 $0.0e+00, v16;
	_ =	sdelay $0x1  }
0x631: {  	v16 =	vmul.f32 $1.442695020e+00, v16;
	_ =	sdelay $0x1  }
0x632: {  	(erf) = vpow2.f32 v16;
	_ =	sdelay $0x8  }
0x633: {  	v16 =	vpop (erf)  }
.Ltmp7:
0x634: {  	v16 =	vadd.f32 $1.000000000e+00, v16;
	(pc) =	sbr.rel @p0 .LBB2_16-.Ltmp7, $4  }
0x635: {  	_ = 	snop  }
0x636: {  	(erf) = vrcp.f32 v16  }
0x637: {  	v16 =	vmov s1  }
0x638: {  	s1 =	sadd.s32 $0x10, s1;
	v16 =	vmul.u32 $0x18, v16  }
0x639: {  	_ = 	snop  }
0x63a: {  	v16 =	vbroadcast v16, $0x0;
	_ =	sdelay $0x1  }
0x63b: {  	v17 =	vadd.s32 v1, v16  }
0x63c: {  	v18 =	vadd.s32 v0, v16;
	_ =	sdelay $0x1  }
0x63d: {  	s0 =	sadd.s32 $0x10, s0;
	v19 =	vadd.s32 v2, v16;
	v20 =	vpop (erf)  }
0x63e: {  	[tilespmem:s0+$0x0] =	vst v20  }
0x63f: {  	v44 =	vadd.s32 v3, v16;
	v17 =	vld.idx.msk [tilespmem:v17+s22+$0x0], $0xffff  }
0x640: {  	v18 =	vld.idx.msk [tilespmem:v18+s22+$0x0], $0xffff  }
0x641: {  	v21 =	vadd.s32 v4, v16  }
0x642: {  	v19 =	vld.idx.msk [tilespmem:v19+s22+$0x0], $0xffff  }
0x643: {  	v22 =	vadd.s32 v5, v16  }
0x644: {  	v20 =	vld.idx.msk [tilespmem:v44+s22+$0x0], $0xffff  }
0x645: {  	v23 =	vadd.s32 v6, v16;
	v17 =	vadd.f32 v17, v18  }
0x646: {  	v45 =	vld.idx.msk [tilespmem:v21+s22+$0x0], $0xffff  }
0x647: {  	v46 =	vadd.s32 v7, v16;
	v17 =	vadd.f32 v19, v17  }
0x648: {  	v47 =	vld.idx.msk [tilespmem:v22+s22+$0x0], $0xffff  }
0x649: {  	v48 =	vadd.s32 v8, v16;
	v17 =	vadd.f32 v20, v17  }
0x64a: {  	v49 =	vld.idx.msk [tilespmem:v23+s22+$0x0], $0xffff  }
0x64b: {  	v50 =	vadd.s32 v9, v16;
	v17 =	vadd.f32 v45, v17  }
0x64c: {  	v51 =	vld.idx.msk [tilespmem:v46+s22+$0x0], $0xffff  }
0x64d: {  	v52 =	vadd.s32 v10, v16;
	v17 =	vadd.f32 v47, v17  }
0x64e: {  	v53 =	vld.idx.msk [tilespmem:v48+s22+$0x0], $0xffff  }
0x64f: {  	v54 =	vadd.s32 v11, v16;
	v17 =	vadd.f32 v49, v17  }
0x650: {  	v55 =	vld.idx.msk [tilespmem:v50+s22+$0x0], $0xffff  }
0x651: {  	v56 =	vadd.s32 v12, v16;
	v17 =	vadd.f32 v51, v17  }
0x652: {  	v57 =	vld.idx.msk [tilespmem:v52+s22+$0x0], $0xffff  }
0x653: {  	v58 =	vadd.s32 v13, v16;
	v17 =	vadd.f32 v53, v17  }
0x654: {  	v59 =	vld.idx.msk [tilespmem:v54+s22+$0x0], $0xffff  }
0x655: {  	v60 =	vadd.s32 v14, v16;
	v17 =	vadd.f32 v55, v17  }
0x656: {  	v61 =	vld.idx.msk [tilespmem:v56+s22+$0x0], $0xffff  }
0x657: {  	v16 =	vadd.s32 v15, v16;
	v17 =	vadd.f32 v57, v17  }
0x658: {  	v62 =	vld.idx.msk [tilespmem:v58+s22+$0x0], $0xffff  }
0x659: {  	v17 =	vadd.f32 v59, v17  }
0x65a: {  	v63 =	vld.idx.msk [tilespmem:v60+s22+$0x0], $0xffff  }
0x65b: {  	v17 =	vadd.f32 v61, v17  }
0x65c: {  	v16 =	vld.idx.msk [tilespmem:v16+s22+$0x0], $0xffff  }
0x65d: {  	v17 =	vadd.f32 v62, v17;
	_ =	sdelay $0x1  }
0x65e: {  	v17 =	vadd.f32 v63, v17;
	_ =	sdelay $0x1  }
0x65f: {  	v16 =	vadd.f32 v16, v17;
	_ =	sdelay $0x1  }
0x660: {  	v16 =	vsub.f32 $0.0e+00, v16;
	_ =	sdelay $0x1  }
0x661: {  	v16 =	vmul.f32 $1.442695020e+00, v16;
	_ =	sdelay $0x1  }
0x662: {  	(erf) = vpow2.f32 v16;
	_ =	sdelay $0x8  }
0x663: {  	v16 =	vpop (erf)  }
0x664: {  	v16 =	vadd.f32 $1.000000000e+00, v16;
	_ =	sdelay $0x1  }
0x665: {  	(erf) = vrcp.f32 v16;
	_ =	sdelay $0x7  }
0x666: {  	s31 =	sadd.s32 $0x1, s31  }
0x667: {  	p0 =	sne.s32 s31, s7;
	s0 =	sadd.s32 $0x10, s0;
	v16 =	vpop (erf)  }
.Ltmp8:
0x668: {  	[tilespmem:s0+$0x0] =	vst v16;
	(pc) =	sbr.rel @p0 .LBB2_1-.Ltmp8, $4  }
0x669: {  	[hbm4b:s6+s2] =	stream.linear.scatter [tilespmem:s30], [sflag:$0x7], $0x200, $0x38;
	[tilespmem:$0xD200] =	vst v63  }
0x66a: {  	_ =	swait.ge [sflag:s8], $0x200  }
0x66b: {  	[sflag:s8] =	ssyncset.done $0x0  }
0x66c: {  	[sflag:s8] =	ssyncadd.s32 $0xFFFFFE00  }
0x66d: {  	_ =	sfence.sel $0x180000  }
0x66e: {  	[bflag:$0x0] =	sbarrier.arrive $0xFFFF  }
0x66f: {  	_ =	strace $0x90000047  }
0x670: {  	s0 =	stileid.u32;
	[bflag:$0x2] =	sbarrier.arrive $0xFFFF  }
0x671: {  	p0 =	sne.s32 s0, $0x0;
	s0 =	rddreg [dreg:$0x2]  }
0x672: {  	s0 =	sadd.s32 @!p0 $0x100000, s0  }
0x673: {  	[sflag:s0] =	ssyncadd.tile.s32 @!p0 $0x1;
	_ =	shalt  }
.Lfunc_end2:
_tile_overlayer_lowered:
.L_overlay_start_2:
0x674: {  	(tag) =	ssettag $0x2  }
0x675: {  	s0 =	rddreg [dreg:$0x0];
	s2 =	stileid.u32  }
0x676: {  	s1 =	rddreg [dreg:$0x1];
	p0 =	sne.s32 s2, $0x0  }
0x677: {  	s3 =	rddreg [dreg:$0x2];
	[bflag:$0x3] =	sbarrier.arrive $0xFFFF;
	s2 =	simm.s32 @!p0 $0x1C07  }
0x678: {  	[timem:s3], [sflag:s2] =	dma.local @!p0 [hbm:s0], s1  }
0x679: {  	s0 =	simm.s32 @!p0 $0x7  }
0x67a: {  	_ =	swait.ge @!p0 [sflag:s0], s1  }
0x67b: {  	s1 =	ssub.s32 @!p0 $0x0, s1;
	[sflag:s0] =	ssyncset.done @!p0 $0x0  }
0x67c: {  	[sflag:s0] =	ssyncadd.s32 @!p0 s1  }
0x67d: {  	[bflag:$0x3] =	sbarrier.arrive $0xFFFF  }
0x67e: {  	_ =	shalt  }

</sc_bundles>
